<compile_context>
chip_gen: v7x
topology: tpu7x:2x2x1
jax: 0.10.2.dev20260603
libtpu: 0.0.44.dev20260713+nightly
codegen_flags: <defaults>
</compile_context>

<pallas_src>
import functools

import jax
import jax.numpy as jnp
import numpy as np
from jax import lax
from jax.experimental import pallas as pl
from jax.experimental.pallas import tpu as pltpu
from jax.experimental.pallas import tpu_sc as plsc

N_PTS = 131072
L = 16
F = 2
T = 2 ** 19
N_MIN = 16
N_MAX = 2048
N_EXTRA = 15

_B = np.exp(np.log(N_MAX / N_MIN) / (L - 1))
_RES = np.floor(N_MIN * _B ** np.arange(L)).astype(np.float32)
_P1 = np.uint32(2654435761)
_P2 = np.uint32(805459861)

NC = 2
NS = 16
NW = NC * NS
PTS_PER_TILE = N_PTS // NW
CH = 16
NCHUNK = PTS_PER_TILE // CH


def _sc_encode(xT, table8):
    mesh = plsc.VectorSubcoreMesh(
        core_axis_name="c", subcore_axis_name="s", num_cores=NC,
        num_subcores=NS)

    @functools.partial(
        pl.kernel,
        out_type=jax.ShapeDtypeStruct((2 * L, N_PTS), jnp.float32),
        mesh=mesh,
        scratch_types=[
            pltpu.VMEM((3, CH), jnp.float32),
            pltpu.VMEM((CH * 8 * L,), jnp.int32),
            pltpu.VMEM((CH * 8 * L,), jnp.int32),
            pltpu.VMEM((CH, 8 * L), jnp.int32),
            pltpu.VMEM((CH, 8 * L), jnp.float32),
            pltpu.VMEM((CH * 8 * L, 8), jnp.float32),
            pltpu.VMEM((CH * 8 * L, 8), jnp.float32),
            pltpu.VMEM((2 * L, CH), jnp.float32),
            pltpu.VMEM((CH * 8 * L,), jnp.int32),
            pltpu.VMEM((CH * 8 * L,), jnp.int32),
            pltpu.VMEM((CH, 8 * L), jnp.int32),
            pltpu.VMEM((CH, 8 * L), jnp.float32),
            pltpu.VMEM((CH * 8 * L, 8), jnp.float32),
            pltpu.VMEM((CH * 8 * L, 8), jnp.float32),
            pltpu.VMEM((2 * L, CH), jnp.float32),
            pltpu.SemaphoreType.DMA,
            pltpu.SemaphoreType.DMA,
        ],
        compiler_params=pltpu.CompilerParams(
            needs_layout_passes=False, use_tc_tiling_on_sc=False),
    )
    def k(xT_hbm, tab_hbm, enc_hbm, xbuf,
          idx0a, idx1a, lowa, wa, rows0a, rows1a, enca,
          idx0b, idx1b, lowb, wb, rows0b, rows1b, encb,
          semA, semB):
        wid = lax.axis_index("s") * NC + lax.axis_index("c")
        tile_base = wid * PTS_PER_TILE
        iota = jnp.arange(16, dtype=jnp.int32)
        resv = jnp.zeros((16,), jnp.float32)
        for ll in range(L):
            resv = jnp.where(iota == ll, float(_RES[ll]), resv)
        dn = lax.GatherDimensionNumbers(
            offset_dims=(), collapsed_slice_dims=(0,), start_index_map=(0,))

        def bcast_lane(vec, i):
            return lax.gather(vec, jnp.full((16, 1), i, jnp.int32), dn, (1,),
                              mode=lax.GatherScatterMode.PROMISE_IN_BOUNDS)

        def hash_chunk(ch, idx0, idx1, low, wbf):
            base = tile_base + ch * CH
            for d in range(3):
                pltpu.sync_copy(
                    xT_hbm.at[pl.ds(d * N_PTS + base, CH)], xbuf.at[d])
            xv0 = xbuf[0, pl.ds(0, 16)]
            xv1 = xbuf[1, pl.ds(0, 16)]
            xv2 = xbuf[2, pl.ds(0, 16)]

            def lvl(l, c0):
                rv = bcast_lane(resv, l)
                s0 = xv0 * rv
                s1 = xv1 * rv
                s2 = xv2 * rv
                f0 = s0.astype(jnp.int32)
                f1 = s1.astype(jnp.int32)
                f2 = s2.astype(jnp.int32)
                fr0 = s0 - f0.astype(jnp.float32)
                fr1 = s1 - f1.astype(jnp.float32)
                fr2 = s2 - f2.astype(jnp.float32)
                om0 = 1.0 - fr0
                om1 = 1.0 - fr1
                om2 = 1.0 - fr2
                u0 = f0.astype(jnp.uint32)
                t10 = f1.astype(jnp.uint32) * _P1
                t20 = f2.astype(jnp.uint32) * _P2
                t01 = u0 + jnp.uint32(1)
                t11 = t10 + _P1
                t21 = t20 + _P2
                lbase = l * (T * F // 8)
                flat0 = iota * (8 * L) + l
                for c in range(8):
                    o0, o1, o2 = (c >> 2) & 1, (c >> 1) & 1, c & 1
                    h = ((t01 if o0 else u0)
                         ^ (t11 if o1 else t10)
                         ^ (t21 if o2 else t20))
                    t = (h & jnp.uint32(T - 1)).astype(jnp.int32)
                    w = ((fr0 if o0 else om0)
                         * (fr1 if o1 else om1)
                         * (fr2 if o2 else om2))
                    r0 = (lax.shift_left(lax.shift_right_logical(t, 7), 5)
                          | (lax.shift_right_logical(t, 3) & 15)) + lbase
                    colv = jnp.full((16,), c * 16, jnp.int32) + l
                    flat = flat0 + c * 16
                    plsc.store_scatter(idx0, [flat], r0)
                    plsc.store_scatter(idx1, [flat], r0 + 16)
                    plsc.store_scatter(low, [iota, colv], t & 7)
                    plsc.store_scatter(wbf, [iota, colv], w)
                return c0

            lax.fori_loop(0, L, lvl, 0)

        def fire(idx0, idx1, r0b, r1b, sem):
            pltpu.async_copy(tab_hbm.at[idx0], r0b, sem)
            pltpu.async_copy(tab_hbm.at[idx1], r1b, sem)

        def drain(idx0, idx1, r0b, r1b, sem):
            pltpu.make_async_copy(tab_hbm.at[idx0], r0b, sem).wait()
            pltpu.make_async_copy(tab_hbm.at[idx1], r1b, sem).wait()

        def accum_chunk(ch, low, wbf, r0b, r1b, encbuf):
            def lvl(l, c0):
                acc0 = jnp.zeros((16,), jnp.float32)
                acc1 = jnp.zeros((16,), jnp.float32)
                for c in range(8):
                    colv = jnp.full((16,), c * 16, jnp.int32) + l
                    rowflat = iota * (8 * L) + colv
                    wv = plsc.load_gather(wbf, [iota, colv])
                    lowv = plsc.load_gather(low, [iota, colv])
                    r0 = plsc.load_gather(r0b, [rowflat, lowv])
                    r1 = plsc.load_gather(r1b, [rowflat, lowv])
                    acc0 = acc0 + r0 * wv
                    acc1 = acc1 + r1 * wv
                r0v = jnp.full((16,), 2, jnp.int32) * l
                plsc.store_scatter(encbuf, [r0v, iota], acc0)
                plsc.store_scatter(encbuf, [r0v + 1, iota], acc1)
                return c0

            lax.fori_loop(0, L, lvl, 0)
            pltpu.sync_copy(
                encbuf, enc_hbm.at[:, pl.ds(tile_base + ch * CH, CH)])

        hash_chunk(0, idx0a, idx1a, lowa, wa)
        fire(idx0a, idx1a, rows0a, rows1a, semA)

        def pair(i, carry):
            a2 = 2 * i
            hash_chunk(a2 + 1, idx0b, idx1b, lowb, wb)
            fire(idx0b, idx1b, rows0b, rows1b, semB)
            drain(idx0a, idx1a, rows0a, rows1a, semA)
            accum_chunk(a2, lowa, wa, rows0a, rows1a, enca)

            @pl.when(a2 + 2 < NCHUNK)
            def _next_even():
                hash_chunk(a2 + 2, idx0a, idx1a, lowa, wa)
                fire(idx0a, idx1a, rows0a, rows1a, semA)

            drain(idx0b, idx1b, rows0b, rows1b, semB)
            accum_chunk(a2 + 1, lowb, wb, rows0b, rows1b, encb)
            return carry

        lax.fori_loop(0, NCHUNK // 2, pair, 0)

    return k(xT, table8)


def _tc_mlp_body(encT_ref, xT_ref, vT_ref, W1T_ref, b1_ref, W2sT_ref,
                 W2hT_ref, b2s_ref, b2h_ref, Wr1xT_ref, Wr1sT_ref, Wr1hT_ref,
                 br1_ref, Wr2T_ref, br2_ref, Wr3T_ref, br3_ref, sigmaT_ref,
                 rgbT_ref):
    f32 = jnp.float32

    def mm(a, b):
        return lax.dot_general(a, b, (((1,), (0,)), ((), ())),
                               preferred_element_type=f32)

    encT = encT_ref[...]
    h1 = jnp.maximum(mm(W1T_ref[...], encT) + b1_ref[...], 0.0)
    sigmaT_ref[...] = mm(W2sT_ref[...], h1) + b2s_ref[...]
    hxT = mm(W2hT_ref[...], h1) + b2h_ref[...]

    vT = vT_ref[...]
    vx = vT[0:1, :]
    vy = vT[1:2, :]
    vz = vT[2:3, :]
    inv = 1.0 / (jnp.sqrt(vx * vx + vy * vy + vz * vz) + 1e-6)
    x1 = vx * inv
    y1 = vy * inv
    z1 = vz * inv
    x2 = x1 * x1
    y2 = y1 * y1
    z2 = z1 * z1
    xy = x1 * y1
    yz = y1 * z1
    xz = x1 * z1
    shT = jnp.concatenate([
        jnp.full_like(x1, 0.28209479177387814),
        -0.48860251190291987 * y1,
        0.48860251190291987 * z1,
        -0.48860251190291987 * x1,
        1.0925484305920792 * xy,
        -1.0925484305920792 * yz,
        0.94617469575755997 * z2 - 0.31539156525252005,
        -1.0925484305920792 * xz,
        0.54627421529603959 * (x2 - y2),
        0.59004358992664352 * y1 * (-3.0 * x2 + y2),
        2.8906114426405538 * xy * z1,
        0.45704579946446572 * y1 * (1.0 - 5.0 * z2),
        0.3731763325901154 * z1 * (5.0 * z2 - 3.0),
        0.45704579946446572 * x1 * (1.0 - 5.0 * z2),
        1.4453057213202769 * z1 * (x2 - y2),
        0.59004358992664352 * x1 * (-x2 + 3.0 * y2),
    ], axis=0)
    r1 = jnp.maximum(
        mm(Wr1xT_ref[...], xT_ref[...]) + mm(Wr1sT_ref[...], shT)
        + mm(Wr1hT_ref[...], hxT) + br1_ref[...], 0.0)
    r2 = jnp.maximum(mm(Wr2T_ref[...], r1) + br2_ref[...], 0.0)
    z = mm(Wr3T_ref[...], r2) + br3_ref[...]
    rgbT_ref[...] = 1.0 / (1.0 + jnp.exp(-z))


def _tc_mlp(encT, xT2, vT2, W1, b1, W2, b2, Wr1, br1, Wr2, br2, Wr3, br3):
    Bb = 2048
    grid = (N_PTS // Bb,)
    f32 = jnp.float32
    W1T = W1.T
    W2sT = W2[:, 0:1].T
    W2hT = W2[:, 1:].T
    b2s = b2[0:1].reshape(1, 1)
    b2h = b2[1:].reshape(N_EXTRA, 1)
    Wr1xT = Wr1[0:3].T
    Wr1sT = Wr1[3:19].T
    Wr1hT = Wr1[19:].T

    def col_spec(rows):
        return pl.BlockSpec((rows, Bb), lambda i: (0, i))

    def full_spec(shape):
        return pl.BlockSpec(shape, lambda i: tuple(0 for _ in shape))

    sigmaT, rgbT = pl.pallas_call(
        _tc_mlp_body,
        grid=grid,
        in_specs=[
            col_spec(2 * L), col_spec(3), col_spec(3),
            full_spec(W1T.shape), full_spec((64, 1)),
            full_spec(W2sT.shape), full_spec(W2hT.shape),
            full_spec((1, 1)), full_spec((N_EXTRA, 1)),
            full_spec(Wr1xT.shape), full_spec(Wr1sT.shape),
            full_spec(Wr1hT.shape), full_spec((64, 1)),
            full_spec((64, 64)), full_spec((64, 1)),
            full_spec((3, 64)), full_spec((3, 1)),
        ],
        out_specs=[col_spec(1), col_spec(3)],
        out_shape=[
            jax.ShapeDtypeStruct((1, N_PTS), f32),
            jax.ShapeDtypeStruct((3, N_PTS), f32),
        ],
    )(encT, xT2, vT2, W1T, b1.reshape(64, 1), W2sT, W2hT, b2s, b2h,
      Wr1xT, Wr1sT, Wr1hT, br1.reshape(64, 1), Wr2.T, br2.reshape(64, 1),
      Wr3.T, br3.reshape(3, 1))
    return sigmaT.reshape(N_PTS), rgbT.T


def kernel(x, v, table, W1, b1, W2, b2, Wr1, br1, Wr2, br2, Wr3, br3):
    xT2 = x.T
    vT2 = v.T
    table8 = jnp.transpose(
        table.reshape(L, T // 128, 128, F), (0, 1, 3, 2)
    ).reshape(L * T * F // 8, 8)
    encT = _sc_encode(xT2.reshape(-1), table8)
    return _tc_mlp(encT, xT2, vT2, W1, b1, W2, b2, Wr1, br1, Wr2, br2,
                   Wr3, br3)

# --- scband reference (transcript-rebuilt; emitter-appended) ---
"""Pipeline reference for scband-permuto-ne-rf-13537736917480 (READ-ONLY COPY).

The authoritative reference and input builder live on the scoring server;
editing this copy changes nothing except your own understanding.
"""

import jax, jax.numpy as jnp
import numpy as np

N_PTS = 131072
L = 16
F = 2
T = 2 ** 19
N_MIN = 16
N_MAX = 2048
N_EXTRA = 15

PRIMES = jnp.array([1, 2654435761, 805459861], dtype=jnp.uint32)
OFFSETS = jnp.array([[(i >> 2) & 1, (i >> 1) & 1, i & 1] for i in range(8)], dtype=jnp.int32)


def hash_encode(x, table):
    # x: [N,3] in [0,1]; table: [L, T, F]
    b = np.exp(np.log(N_MAX / N_MIN) / (L - 1))
    res = jnp.asarray(np.floor(N_MIN * b ** np.arange(L)), dtype=jnp.float32)  # [L]
    scaled = x[:, None, :] * res[None, :, None]              # [N,L,3]
    fl = jnp.floor(scaled)
    frac = scaled - fl                                       # [N,L,3]
    fli = fl.astype(jnp.int32)
    corners = fli[:, :, None, :] + OFFSETS[None, None, :, :]  # [N,L,8,3]
    cu = corners.astype(jnp.uint32)
    h = (cu[..., 0] * PRIMES[0]) ^ (cu[..., 1] * PRIMES[1]) ^ (cu[..., 2] * PRIMES[2])
    idx = (h % jnp.uint32(T)).astype(jnp.int32)              # [N,L,8]
    flat_idx = idx + (jnp.arange(L, dtype=jnp.int32) * T)[None, :, None]
    feats = jnp.take(table.reshape(L * T, F), flat_idx, axis=0)  # [N,L,8,F] gather
    w = jnp.where(OFFSETS[None, None, :, :] == 1, frac[:, :, None, :], 1.0 - frac[:, :, None, :])
    w = jnp.prod(w, axis=-1)                                 # [N,L,8]
    enc = jnp.sum(feats * w[..., None], axis=2)              # [N,L,F]
    return enc.reshape(x.shape[0], L * F)


def sh_deg4(d):
    x = d[:, 0]; y = d[:, 1]; z = d[:, 2]
    x2 = x * x; y2 = y * y; z2 = z * z
    xy = x * y; yz = y * z; xz = x * z
    return jnp.stack([
        0.28209479177387814 * jnp.ones_like(x),
        -0.48860251190291987 * y,
        0.48860251190291987 * z,
        -0.48860251190291987 * x,
        1.0925484305920792 * xy,
        -1.0925484305920792 * yz,
        0.94617469575755997 * z2 - 0.31539156525252005,
        -1.0925484305920792 * xz,
        0.54627421529603959 * (x2 - y2),
        0.59004358992664352 * y * (-3.0 * x2 + y2),
        2.8906114426405538 * xy * z,
        0.45704579946446572 * y * (1.0 - 5.0 * z2),
        0.3731763325901154 * z * (5.0 * z2 - 3.0),
        0.45704579946446572 * x * (1.0 - 5.0 * z2),
        1.4453057213202769 * z * (x2 - y2),
        0.59004358992664352 * x * (-x2 + 3.0 * y2),
    ], axis=-1)


def setup_inputs(seed: int = 0) -> dict:
    key = jax.random.key(seed)
    ks = jax.random.split(key, 12)
    x = jax.random.uniform(ks[0], (N_PTS, 3), dtype=jnp.float32)
    v = jax.random.normal(ks[1], (N_PTS, 3), dtype=jnp.float32)
    table = jax.random.normal(ks[2], (L, T, F), dtype=jnp.float32) * 1e-2
    enc_dim = L * F
    W1 = jax.random.normal(ks[3], (enc_dim, 64), dtype=jnp.float32) * (1.0 / np.sqrt(enc_dim))
    b1 = jnp.zeros((64,), dtype=jnp.float32)
    W2 = jax.random.normal(ks[4], (64, 1 + N_EXTRA), dtype=jnp.float32) * (1.0 / 8.0)
    b2 = jnp.zeros((1 + N_EXTRA,), dtype=jnp.float32)
    rin = 3 + 16 + N_EXTRA
    Wr1 = jax.random.normal(ks[5], (rin, 64), dtype=jnp.float32) * (1.0 / np.sqrt(rin))
    br1 = jnp.zeros((64,), dtype=jnp.float32)
    Wr2 = jax.random.normal(ks[6], (64, 64), dtype=jnp.float32) * (1.0 / 8.0)
    br2 = jnp.zeros((64,), dtype=jnp.float32)
    Wr3 = jax.random.normal(ks[7], (64, 3), dtype=jnp.float32) * (1.0 / 8.0)
    br3 = jnp.zeros((3,), dtype=jnp.float32)
    return {"x": x, "v": v, "table": table, "W1": W1, "b1": b1, "W2": W2, "b2": b2,
            "Wr1": Wr1, "br1": br1, "Wr2": Wr2, "br2": br2, "Wr3": Wr3, "br3": br3}


def reference(x, v, table, W1, b1, W2, b2, Wr1, br1, Wr2, br2, Wr3, br3):
    h = hash_encode(x, table)                                # [N, L*F]
    out = jax.nn.relu(h @ W1 + b1) @ W2 + b2                 # [N, 1+N_EXTRA]
    sigma = out[..., 0]
    h_extra = out[..., 1:]
    vn = v / (jnp.linalg.norm(v, axis=-1, keepdims=True) + 1e-6)
    dir_embed = sh_deg4(vn)                                  # [N,16]
    r = jnp.concatenate([x, dir_embed, h_extra], axis=-1)
    r = jax.nn.relu(r @ Wr1 + br1)
    r = jax.nn.relu(r @ Wr2 + br2)
    rgb = jax.nn.sigmoid(r @ Wr3 + br3)                      # [N,3]
    return (sigma, rgb)

if __name__ == "__main__":
    import jax
    _d = setup_inputs()
    print(jax.jit(kernel)(*tuple(_d.values())))

</pallas_src>

<mosaic_0001>
#map = affine_map<(d0, d1) -> (0)>
#map1 = affine_map<(d0, d1) -> (0, 0)>
module attributes {stable_mosaic.version = 14 : i64} {
  func.func @k(%arg0: i32, %arg1: i32, %arg2: memref<393216xf32, #tpu.memory_space<hbm>>, %arg3: memref<2097152x8xf32, #tpu.memory_space<hbm>>, %arg4: memref<32x131072xf32, #tpu.memory_space<hbm>>, %arg5: memref<3x16xf32, #tpu.memory_space<vmem>>, %arg6: memref<2048xi32, #tpu.memory_space<vmem>>, %arg7: memref<2048xi32, #tpu.memory_space<vmem>>, %arg8: memref<16x128xi32, #tpu.memory_space<vmem>>, %arg9: memref<16x128xf32, #tpu.memory_space<vmem>>, %arg10: memref<2048x8xf32, #tpu.memory_space<vmem>>, %arg11: memref<2048x8xf32, #tpu.memory_space<vmem>>, %arg12: memref<32x16xf32, #tpu.memory_space<vmem>>, %arg13: memref<2048xi32, #tpu.memory_space<vmem>>, %arg14: memref<2048xi32, #tpu.memory_space<vmem>>, %arg15: memref<16x128xi32, #tpu.memory_space<vmem>>, %arg16: memref<16x128xf32, #tpu.memory_space<vmem>>, %arg17: memref<2048x8xf32, #tpu.memory_space<vmem>>, %arg18: memref<2048x8xf32, #tpu.memory_space<vmem>>, %arg19: memref<32x16xf32, #tpu.memory_space<vmem>>, %arg20: memref<!tpu.dma_semaphore, #tpu.memory_space<semaphore_mem>>, %arg21: memref<!tpu.dma_semaphore, #tpu.memory_space<semaphore_mem>>) attributes {dimension_semantics = [#tpu.dimension_semantics<core_parallel>, #tpu.dimension_semantics<subcore_parallel>], iteration_bounds = array<i64: 2, 16>, scalar_prefetch = 0 : i64, scratch_operands = 17 : i64, tpu.core_type = #tpu.core_type<sc_vector_subcore>, window_params = [{transform_indices = #map}, {transform_indices = #map1}, {transform_indices = #map1}]} {
    %mul3A = arith.constant 2 : i32
    %mul3A_0 = arith.muli %arg1, %mul3A : i32
    %add3A = arith.addi %mul3A_0, %arg0 : i32
    %mul3A_1 = arith.constant 4096 : i32
    %mul3A_2 = arith.muli %add3A, %mul3A_1 : i32
    %iota3A = tpu.iota {dimensions = array<i32: 0>} : vector<16xi32>
    %broadcast_in_dim3A = arith.constant 0.000000e+00 : f32
    %broadcast_in_dim3A_3 = vector.broadcast %broadcast_in_dim3A : f32 to vector<16xf32>
    %eq3A = arith.constant 0 : i32
    %eq3A_4 = vector.broadcast %eq3A : i32 to vector<16xi32>
    %eq3A_5 = arith.cmpi eq, %iota3A, %eq3A_4 : vector<16xi32>
    %jit3A = arith.constant 1.600000e+01 : f32
    %broadcast_in_dim3A_6 = vector.broadcast %jit3A : f32 to vector<16xf32>
    %select_n3A = arith.select %eq3A_5, %broadcast_in_dim3A_6, %broadcast_in_dim3A_3 : vector<16xi1>, vector<16xf32>
    %eq3A_7 = arith.constant 1 : i32
    %eq3A_8 = vector.broadcast %eq3A_7 : i32 to vector<16xi32>
    %eq3A_9 = arith.cmpi eq, %iota3A, %eq3A_8 : vector<16xi32>
    %jit3A_10 = arith.constant 2.200000e+01 : f32
    %broadcast_in_dim3A_11 = vector.broadcast %jit3A_10 : f32 to vector<16xf32>
    %select_n3A_12 = arith.select %eq3A_9, %broadcast_in_dim3A_11, %select_n3A : vector<16xi1>, vector<16xf32>
    %eq3A_13 = arith.constant 2 : i32
    %eq3A_14 = vector.broadcast %eq3A_13 : i32 to vector<16xi32>
    %eq3A_15 = arith.cmpi eq, %iota3A, %eq3A_14 : vector<16xi32>
    %jit3A_16 = arith.constant 3.000000e+01 : f32
    %broadcast_in_dim3A_17 = vector.broadcast %jit3A_16 : f32 to vector<16xf32>
    %select_n3A_18 = arith.select %eq3A_15, %broadcast_in_dim3A_17, %select_n3A_12 : vector<16xi1>, vector<16xf32>
    %eq3A_19 = arith.constant 3 : i32
    %eq3A_20 = vector.broadcast %eq3A_19 : i32 to vector<16xi32>
    %eq3A_21 = arith.cmpi eq, %iota3A, %eq3A_20 : vector<16xi32>
    %jit3A_22 = arith.constant 4.200000e+01 : f32
    %broadcast_in_dim3A_23 = vector.broadcast %jit3A_22 : f32 to vector<16xf32>
    %select_n3A_24 = arith.select %eq3A_21, %broadcast_in_dim3A_23, %select_n3A_18 : vector<16xi1>, vector<16xf32>
    %eq3A_25 = arith.constant 4 : i32
    %eq3A_26 = vector.broadcast %eq3A_25 : i32 to vector<16xi32>
    %eq3A_27 = arith.cmpi eq, %iota3A, %eq3A_26 : vector<16xi32>
    %jit3A_28 = arith.constant 5.800000e+01 : f32
    %broadcast_in_dim3A_29 = vector.broadcast %jit3A_28 : f32 to vector<16xf32>
    %select_n3A_30 = arith.select %eq3A_27, %broadcast_in_dim3A_29, %select_n3A_24 : vector<16xi1>, vector<16xf32>
    %eq3A_31 = arith.constant 5 : i32
    %eq3A_32 = vector.broadcast %eq3A_31 : i32 to vector<16xi32>
    %eq3A_33 = arith.cmpi eq, %iota3A, %eq3A_32 : vector<16xi32>
    %jit3A_34 = arith.constant 8.000000e+01 : f32
    %broadcast_in_dim3A_35 = vector.broadcast %jit3A_34 : f32 to vector<16xf32>
    %select_n3A_36 = arith.select %eq3A_33, %broadcast_in_dim3A_35, %select_n3A_30 : vector<16xi1>, vector<16xf32>
    %eq3A_37 = arith.constant 6 : i32
    %eq3A_38 = vector.broadcast %eq3A_37 : i32 to vector<16xi32>
    %eq3A_39 = arith.cmpi eq, %iota3A, %eq3A_38 : vector<16xi32>
    %jit3A_40 = arith.constant 1.110000e+02 : f32
    %broadcast_in_dim3A_41 = vector.broadcast %jit3A_40 : f32 to vector<16xf32>
    %select_n3A_42 = arith.select %eq3A_39, %broadcast_in_dim3A_41, %select_n3A_36 : vector<16xi1>, vector<16xf32>
    %eq3A_43 = arith.constant 7 : i32
    %eq3A_44 = vector.broadcast %eq3A_43 : i32 to vector<16xi32>
    %eq3A_45 = arith.cmpi eq, %iota3A, %eq3A_44 : vector<16xi32>
    %jit3A_46 = arith.constant 1.530000e+02 : f32
    %broadcast_in_dim3A_47 = vector.broadcast %jit3A_46 : f32 to vector<16xf32>
    %select_n3A_48 = arith.select %eq3A_45, %broadcast_in_dim3A_47, %select_n3A_42 : vector<16xi1>, vector<16xf32>
    %eq3A_49 = arith.constant 8 : i32
    %eq3A_50 = vector.broadcast %eq3A_49 : i32 to vector<16xi32>
    %eq3A_51 = arith.cmpi eq, %iota3A, %eq3A_50 : vector<16xi32>
    %jit3A_52 = arith.constant 2.120000e+02 : f32
    %broadcast_in_dim3A_53 = vector.broadcast %jit3A_52 : f32 to vector<16xf32>
    %select_n3A_54 = arith.select %eq3A_51, %broadcast_in_dim3A_53, %select_n3A_48 : vector<16xi1>, vector<16xf32>
    %eq3A_55 = arith.constant 9 : i32
    %eq3A_56 = vector.broadcast %eq3A_55 : i32 to vector<16xi32>
    %eq3A_57 = arith.cmpi eq, %iota3A, %eq3A_56 : vector<16xi32>
    %jit3A_58 = arith.constant 2.940000e+02 : f32
    %broadcast_in_dim3A_59 = vector.broadcast %jit3A_58 : f32 to vector<16xf32>
    %select_n3A_60 = arith.select %eq3A_57, %broadcast_in_dim3A_59, %select_n3A_54 : vector<16xi1>, vector<16xf32>
    %eq3A_61 = arith.constant 10 : i32
    %eq3A_62 = vector.broadcast %eq3A_61 : i32 to vector<16xi32>
    %eq3A_63 = arith.cmpi eq, %iota3A, %eq3A_62 : vector<16xi32>
    %jit3A_64 = arith.constant 4.060000e+02 : f32
    %broadcast_in_dim3A_65 = vector.broadcast %jit3A_64 : f32 to vector<16xf32>
    %select_n3A_66 = arith.select %eq3A_63, %broadcast_in_dim3A_65, %select_n3A_60 : vector<16xi1>, vector<16xf32>
    %eq3A_67 = arith.constant 11 : i32
    %eq3A_68 = vector.broadcast %eq3A_67 : i32 to vector<16xi32>
    %eq3A_69 = arith.cmpi eq, %iota3A, %eq3A_68 : vector<16xi32>
    %jit3A_70 = arith.constant 5.610000e+02 : f32
    %broadcast_in_dim3A_71 = vector.broadcast %jit3A_70 : f32 to vector<16xf32>
    %select_n3A_72 = arith.select %eq3A_69, %broadcast_in_dim3A_71, %select_n3A_66 : vector<16xi1>, vector<16xf32>
    %eq3A_73 = arith.constant 12 : i32
    %eq3A_74 = vector.broadcast %eq3A_73 : i32 to vector<16xi32>
    %eq3A_75 = arith.cmpi eq, %iota3A, %eq3A_74 : vector<16xi32>
    %jit3A_76 = arith.constant 7.760000e+02 : f32
    %broadcast_in_dim3A_77 = vector.broadcast %jit3A_76 : f32 to vector<16xf32>
    %select_n3A_78 = arith.select %eq3A_75, %broadcast_in_dim3A_77, %select_n3A_72 : vector<16xi1>, vector<16xf32>
    %eq3A_79 = arith.constant 13 : i32
    %eq3A_80 = vector.broadcast %eq3A_79 : i32 to vector<16xi32>
    %eq3A_81 = arith.cmpi eq, %iota3A, %eq3A_80 : vector<16xi32>
    %jit3A_82 = arith.constant 1.072000e+03 : f32
    %broadcast_in_dim3A_83 = vector.broadcast %jit3A_82 : f32 to vector<16xf32>
    %select_n3A_84 = arith.select %eq3A_81, %broadcast_in_dim3A_83, %select_n3A_78 : vector<16xi1>, vector<16xf32>
    %eq3A_85 = arith.constant 14 : i32
    %eq3A_86 = vector.broadcast %eq3A_85 : i32 to vector<16xi32>
    %eq3A_87 = arith.cmpi eq, %iota3A, %eq3A_86 : vector<16xi32>
    %jit3A_88 = arith.constant 1.482000e+03 : f32
    %broadcast_in_dim3A_89 = vector.broadcast %jit3A_88 : f32 to vector<16xf32>
    %select_n3A_90 = arith.select %eq3A_87, %broadcast_in_dim3A_89, %select_n3A_84 : vector<16xi1>, vector<16xf32>
    %eq3A_91 = arith.constant 15 : i32
    %eq3A_92 = vector.broadcast %eq3A_91 : i32 to vector<16xi32>
    %eq3A_93 = arith.cmpi eq, %iota3A, %eq3A_92 : vector<16xi32>
    %jit3A_94 = arith.constant 2.047000e+03 : f32
    %broadcast_in_dim3A_95 = vector.broadcast %jit3A_94 : f32 to vector<16xf32>
    %select_n3A_96 = arith.select %eq3A_93, %broadcast_in_dim3A_95, %select_n3A_90 : vector<16xi1>, vector<16xf32>
    %add3A_97 = arith.constant 0 : i32
    %add3A_98 = arith.addi %mul3A_2, %add3A_97 : i32
    %add3A_99 = arith.constant 0 : i32
    %add3A_100 = arith.addi %add3A_99, %add3A_98 : i32
    %run_scoped3A = arith.constant 0 : i32
    "tpu.region"() ({
      %run_scoped3A_134 = tpu.sem_alloc : memref<!tpu.dma_semaphore, #tpu.memory_space<semaphore_mem>>
      %dma_start3A_135 = arith.constant 0 : i32
      %dma_start3A_136 = tpu.memref_slice %arg5[%run_scoped3A, %dma_start3A_135] : memref<3x16xf32, #tpu.memory_space<vmem>> -> memref<1x16xf32, #tpu.memory_space<vmem>>
      %dma_start3A_137 = tpu.memref_squeeze %dma_start3A_136 : memref<1x16xf32, #tpu.memory_space<vmem>> -> memref<16xf32, #tpu.memory_space<vmem>>
      %dma_start3A_138 = tpu.memref_slice %arg2[%add3A_100] : memref<393216xf32, #tpu.memory_space<hbm>> -> memref<16xf32, #tpu.memory_space<hbm>>
      %dma_start3A_139 = arith.constant 0 : i32
      %dma_start3A_140 = tpu.memref_slice %arg5[%run_scoped3A, %dma_start3A_139] : memref<3x16xf32, #tpu.memory_space<vmem>> -> memref<1x16xf32, #tpu.memory_space<vmem>>
      %dma_start3A_141 = tpu.memref_squeeze %dma_start3A_140 : memref<1x16xf32, #tpu.memory_space<vmem>> -> memref<16xf32, #tpu.memory_space<vmem>>
      %dma_start3A_142 = tpu.memref_slice %arg2[%add3A_100] : memref<393216xf32, #tpu.memory_space<hbm>> -> memref<16xf32, #tpu.memory_space<hbm>>
      tpu.enqueue_dma source(%dma_start3A_142 : memref<16xf32, #tpu.memory_space<hbm>>) target(%dma_start3A_141 : memref<16xf32, #tpu.memory_space<vmem>>) target_semaphore(%run_scoped3A_134 : memref<!tpu.dma_semaphore, #tpu.memory_space<semaphore_mem>>)
      %dma_wait3A = arith.constant 0 : i32
      %dma_wait3A_143 = tpu.memref_slice %arg5[%run_scoped3A, %dma_wait3A] : memref<3x16xf32, #tpu.memory_space<vmem>> -> memref<1x16xf32, #tpu.memory_space<vmem>>
      %dma_wait3A_144 = tpu.memref_squeeze %dma_wait3A_143 : memref<1x16xf32, #tpu.memory_space<vmem>> -> memref<16xf32, #tpu.memory_space<vmem>>
      %dma_wait3A_145 = tpu.memref_slice %arg2[%add3A_100] : memref<393216xf32, #tpu.memory_space<hbm>> -> memref<16xf32, #tpu.memory_space<hbm>>
      %dma_wait3A_146 = arith.constant 0 : i32
      %dma_wait3A_147 = tpu.memref_slice %arg5[%run_scoped3A, %dma_wait3A_146] : memref<3x16xf32, #tpu.memory_space<vmem>> -> memref<1x16xf32, #tpu.memory_space<vmem>>
      %dma_wait3A_148 = tpu.memref_squeeze %dma_wait3A_147 : memref<1x16xf32, #tpu.memory_space<vmem>> -> memref<16xf32, #tpu.memory_space<vmem>>
      %dma_wait3A_149 = tpu.memref_slice %arg2[%add3A_100] : memref<393216xf32, #tpu.memory_space<hbm>> -> memref<16xf32, #tpu.memory_space<hbm>>
      tpu.wait_dma2 semaphore(%run_scoped3A_134 : memref<!tpu.dma_semaphore, #tpu.memory_space<semaphore_mem>>) src(%dma_wait3A_149 : memref<16xf32, #tpu.memory_space<hbm>>) dst(%dma_wait3A_148 : memref<16xf32, #tpu.memory_space<vmem>>)
      tpu.yield
    }) : () -> ()
    %add3A_101 = arith.constant 131072 : i32
    %add3A_102 = arith.addi %add3A_101, %add3A_98 : i32
    %run_scoped3A_103 = arith.constant 1 : i32
    "tpu.region"() ({
      %run_scoped3A_134 = tpu.sem_alloc : memref<!tpu.dma_semaphore, #tpu.memory_space<semaphore_mem>>
      %dma_start3A_135 = arith.constant 0 : i32
      %dma_start3A_136 = tpu.memref_slice %arg5[%run_scoped3A_103, %dma_start3A_135] : memref<3x16xf32, #tpu.memory_space<vmem>> -> memref<1x16xf32, #tpu.memory_space<vmem>>
      %dma_start3A_137 = tpu.memref_squeeze %dma_start3A_136 : memref<1x16xf32, #tpu.memory_space<vmem>> -> memref<16xf32, #tpu.memory_space<vmem>>
      %dma_start3A_138 = tpu.memref_slice %arg2[%add3A_102] : memref<393216xf32, #tpu.memory_space<hbm>> -> memref<16xf32, #tpu.memory_space<hbm>>
      %dma_start3A_139 = arith.constant 0 : i32
      %dma_start3A_140 = tpu.memref_slice %arg5[%run_scoped3A_103, %dma_start3A_139] : memref<3x16xf32, #tpu.memory_space<vmem>> -> memref<1x16xf32, #tpu.memory_space<vmem>>
      %dma_start3A_141 = tpu.memref_squeeze %dma_start3A_140 : memref<1x16xf32, #tpu.memory_space<vmem>> -> memref<16xf32, #tpu.memory_space<vmem>>
      %dma_start3A_142 = tpu.memref_slice %arg2[%add3A_102] : memref<393216xf32, #tpu.memory_space<hbm>> -> memref<16xf32, #tpu.memory_space<hbm>>
      tpu.enqueue_dma source(%dma_start3A_142 : memref<16xf32, #tpu.memory_space<hbm>>) target(%dma_start3A_141 : memref<16xf32, #tpu.memory_space<vmem>>) target_semaphore(%run_scoped3A_134 : memref<!tpu.dma_semaphore, #tpu.memory_space<semaphore_mem>>)
      %dma_wait3A = arith.constant 0 : i32
      %dma_wait3A_143 = tpu.memref_slice %arg5[%run_scoped3A_103, %dma_wait3A] : memref<3x16xf32, #tpu.memory_space<vmem>> -> memref<1x16xf32, #tpu.memory_space<vmem>>
      %dma_wait3A_144 = tpu.memref_squeeze %dma_wait3A_143 : memref<1x16xf32, #tpu.memory_space<vmem>> -> memref<16xf32, #tpu.memory_space<vmem>>
      %dma_wait3A_145 = tpu.memref_slice %arg2[%add3A_102] : memref<393216xf32, #tpu.memory_space<hbm>> -> memref<16xf32, #tpu.memory_space<hbm>>
      %dma_wait3A_146 = arith.constant 0 : i32
      %dma_wait3A_147 = tpu.memref_slice %arg5[%run_scoped3A_103, %dma_wait3A_146] : memref<3x16xf32, #tpu.memory_space<vmem>> -> memref<1x16xf32, #tpu.memory_space<vmem>>
      %dma_wait3A_148 = tpu.memref_squeeze %dma_wait3A_147 : memref<1x16xf32, #tpu.memory_space<vmem>> -> memref<16xf32, #tpu.memory_space<vmem>>
      %dma_wait3A_149 = tpu.memref_slice %arg2[%add3A_102] : memref<393216xf32, #tpu.memory_space<hbm>> -> memref<16xf32, #tpu.memory_space<hbm>>
      tpu.wait_dma2 semaphore(%run_scoped3A_134 : memref<!tpu.dma_semaphore, #tpu.memory_space<semaphore_mem>>) src(%dma_wait3A_149 : memref<16xf32, #tpu.memory_space<hbm>>) dst(%dma_wait3A_148 : memref<16xf32, #tpu.memory_space<vmem>>)
      tpu.yield
    }) : () -> ()
    %add3A_104 = arith.constant 262144 : i32
    %add3A_105 = arith.addi %add3A_104, %add3A_98 : i32
    %run_scoped3A_106 = arith.constant 2 : i32
    "tpu.region"() ({
      %run_scoped3A_134 = tpu.sem_alloc : memref<!tpu.dma_semaphore, #tpu.memory_space<semaphore_mem>>
      %dma_start3A_135 = arith.constant 0 : i32
      %dma_start3A_136 = tpu.memref_slice %arg5[%run_scoped3A_106, %dma_start3A_135] : memref<3x16xf32, #tpu.memory_space<vmem>> -> memref<1x16xf32, #tpu.memory_space<vmem>>
      %dma_start3A_137 = tpu.memref_squeeze %dma_start3A_136 : memref<1x16xf32, #tpu.memory_space<vmem>> -> memref<16xf32, #tpu.memory_space<vmem>>
      %dma_start3A_138 = tpu.memref_slice %arg2[%add3A_105] : memref<393216xf32, #tpu.memory_space<hbm>> -> memref<16xf32, #tpu.memory_space<hbm>>
      %dma_start3A_139 = arith.constant 0 : i32
      %dma_start3A_140 = tpu.memref_slice %arg5[%run_scoped3A_106, %dma_start3A_139] : memref<3x16xf32, #tpu.memory_space<vmem>> -> memref<1x16xf32, #tpu.memory_space<vmem>>
      %dma_start3A_141 = tpu.memref_squeeze %dma_start3A_140 : memref<1x16xf32, #tpu.memory_space<vmem>> -> memref<16xf32, #tpu.memory_space<vmem>>
      %dma_start3A_142 = tpu.memref_slice %arg2[%add3A_105] : memref<393216xf32, #tpu.memory_space<hbm>> -> memref<16xf32, #tpu.memory_space<hbm>>
      tpu.enqueue_dma source(%dma_start3A_142 : memref<16xf32, #tpu.memory_space<hbm>>) target(%dma_start3A_141 : memref<16xf32, #tpu.memory_space<vmem>>) target_semaphore(%run_scoped3A_134 : memref<!tpu.dma_semaphore, #tpu.memory_space<semaphore_mem>>)
      %dma_wait3A = arith.constant 0 : i32
      %dma_wait3A_143 = tpu.memref_slice %arg5[%run_scoped3A_106, %dma_wait3A] : memref<3x16xf32, #tpu.memory_space<vmem>> -> memref<1x16xf32, #tpu.memory_space<vmem>>
      %dma_wait3A_144 = tpu.memref_squeeze %dma_wait3A_143 : memref<1x16xf32, #tpu.memory_space<vmem>> -> memref<16xf32, #tpu.memory_space<vmem>>
      %dma_wait3A_145 = tpu.memref_slice %arg2[%add3A_105] : memref<393216xf32, #tpu.memory_space<hbm>> -> memref<16xf32, #tpu.memory_space<hbm>>
      %dma_wait3A_146 = arith.constant 0 : i32
      %dma_wait3A_147 = tpu.memref_slice %arg5[%run_scoped3A_106, %dma_wait3A_146] : memref<3x16xf32, #tpu.memory_space<vmem>> -> memref<1x16xf32, #tpu.memory_space<vmem>>
      %dma_wait3A_148 = tpu.memref_squeeze %dma_wait3A_147 : memref<1x16xf32, #tpu.memory_space<vmem>> -> memref<16xf32, #tpu.memory_space<vmem>>
      %dma_wait3A_149 = tpu.memref_slice %arg2[%add3A_105] : memref<393216xf32, #tpu.memory_space<hbm>> -> memref<16xf32, #tpu.memory_space<hbm>>
      tpu.wait_dma2 semaphore(%run_scoped3A_134 : memref<!tpu.dma_semaphore, #tpu.memory_space<semaphore_mem>>) src(%dma_wait3A_149 : memref<16xf32, #tpu.memory_space<hbm>>) dst(%dma_wait3A_148 : memref<16xf32, #tpu.memory_space<vmem>>)
      tpu.yield
    }) : () -> ()
    %get3A = arith.constant 0 : i32
    %get3A_107 = arith.index_cast %get3A : i32 to index
    %get3A_108 = arith.constant 0 : index
    %get3A_109 = tpu.vector_load %arg5[%get3A_107, %get3A_108] {strides = array<i32>} : memref<3x16xf32, #tpu.memory_space<vmem>>, vector<16xf32>,
    %get3A_110 = arith.constant 1 : i32
    %get3A_111 = arith.index_cast %get3A_110 : i32 to index
    %get3A_112 = arith.constant 0 : index
    %get3A_113 = tpu.vector_load %arg5[%get3A_111, %get3A_112] {strides = array<i32>} : memref<3x16xf32, #tpu.memory_space<vmem>>, vector<16xf32>,
    %get3A_114 = arith.constant 2 : i32
    %get3A_115 = arith.index_cast %get3A_114 : i32 to index
    %get3A_116 = arith.constant 0 : index
    %get3A_117 = tpu.vector_load %arg5[%get3A_115, %get3A_116] {strides = array<i32>} : memref<3x16xf32, #tpu.memory_space<vmem>>, vector<16xf32>,
    %scan3A = arith.constant 0 : i32
    %scan3A_118 = arith.constant 0 : i32
    %scan3A_119 = arith.constant 16 : i32
    %scan3A_120 = arith.addi %scan3A_118, %scan3A_119 : i32
    %scan3A_121 = arith.constant 1 : i32
    scf.for %scan3A_134 = %scan3A_118 to %scan3A_120 step %scan3A_121  : i32 {
      %broadcast_in_dim3A_135 = vector.broadcast %scan3A_134 : i32 to vector<16x1xi32>
      %gather3A = vector.shape_cast %broadcast_in_dim3A_135 : vector<16x1xi32> to vector<16xi32>
      %gather3A_136 = tpu.dynamic_gather %select_n3A_96[%gather3A] in [0] : vector<16xf32>, vector<16xi32> -> vector<16xf32>
      %mul3A_137 = arith.mulf %get3A_109, %gather3A_136 : vector<16xf32>
      %mul3A_138 = arith.mulf %get3A_113, %gather3A_136 : vector<16xf32>
      %mul3A_139 = arith.mulf %get3A_117, %gather3A_136 : vector<16xf32>
      %convert_element_type3A = arith.fptosi %mul3A_137 : vector<16xf32> to vector<16xi32>
      %convert_element_type3A_140 = arith.fptosi %mul3A_138 : vector<16xf32> to vector<16xi32>
      %convert_element_type3A_141 = arith.fptosi %mul3A_139 : vector<16xf32> to vector<16xi32>
      %convert_element_type3A_142 = arith.sitofp %convert_element_type3A : vector<16xi32> to vector<16xf32>
      %sub3A = arith.subf %mul3A_137, %convert_element_type3A_142 : vector<16xf32>
      %convert_element_type3A_143 = arith.sitofp %convert_element_type3A_140 : vector<16xi32> to vector<16xf32>
      %sub3A_144 = arith.subf %mul3A_138, %convert_element_type3A_143 : vector<16xf32>
      %convert_element_type3A_145 = arith.sitofp %convert_element_type3A_141 : vector<16xi32> to vector<16xf32>
      %sub3A_146 = arith.subf %mul3A_139, %convert_element_type3A_145 : vector<16xf32>
      %sub3A_147 = arith.constant 1.000000e+00 : f32
      %sub3A_148 = vector.broadcast %sub3A_147 : f32 to vector<16xf32>
      %sub3A_149 = arith.subf %sub3A_148, %sub3A : vector<16xf32>
      %sub3A_150 = arith.constant 1.000000e+00 : f32
      %sub3A_151 = vector.broadcast %sub3A_150 : f32 to vector<16xf32>
      %sub3A_152 = arith.subf %sub3A_151, %sub3A_144 : vector<16xf32>
      %sub3A_153 = arith.constant 1.000000e+00 : f32
      %sub3A_154 = vector.broadcast %sub3A_153 : f32 to vector<16xf32>
      %sub3A_155 = arith.subf %sub3A_154, %sub3A_146 : vector<16xf32>
      %mul3A_156 = arith.constant -1640531535 : i32
      %mul3A_157 = vector.broadcast %mul3A_156 : i32 to vector<16xi32>
      %mul3A_158 = arith.muli %convert_element_type3A_140, %mul3A_157 : vector<16xi32>
      %mul3A_159 = arith.constant 805459861 : i32
      %mul3A_160 = vector.broadcast %mul3A_159 : i32 to vector<16xi32>
      %mul3A_161 = arith.muli %convert_element_type3A_141, %mul3A_160 : vector<16xi32>
      %add3A_162 = arith.constant 1 : i32
      %add3A_163 = vector.broadcast %add3A_162 : i32 to vector<16xi32>
      %add3A_164 = arith.addi %convert_element_type3A, %add3A_163 : vector<16xi32>
      %add3A_165 = arith.constant -1640531535 : i32
      %add3A_166 = vector.broadcast %add3A_165 : i32 to vector<16xi32>
      %add3A_167 = arith.addi %mul3A_158, %add3A_166 : vector<16xi32>
      %add3A_168 = arith.constant 805459861 : i32
      %add3A_169 = vector.broadcast %add3A_168 : i32 to vector<16xi32>
      %add3A_170 = arith.addi %mul3A_161, %add3A_169 : vector<16xi32>
      %mul3A_171 = arith.constant 131072 : i32
      %mul3A_172 = arith.muli %scan3A_134, %mul3A_171 : i32
      %mul3A_173 = arith.constant 128 : i32
      %mul3A_174 = vector.broadcast %mul3A_173 : i32 to vector<16xi32>
      %mul3A_175 = arith.muli %iota3A, %mul3A_174 : vector<16xi32>
      %add3A_176 = vector.broadcast %scan3A_134 : i32 to vector<16xi32>
      %add3A_177 = arith.addi %mul3A_175, %add3A_176 : vector<16xi32>
      %xor3A = arith.xori %convert_element_type3A, %mul3A_158 : vector<16xi32>
      %xor3A_178 = arith.xori %xor3A, %mul3A_161 : vector<16xi32>
      %and3A = arith.constant 524287 : i32
      %and3A_179 = vector.broadcast %and3A : i32 to vector<16xi32>
      %and3A_180 = arith.andi %xor3A_178, %and3A_179 : vector<16xi32>
      %mul3A_181 = arith.mulf %sub3A_149, %sub3A_152 : vector<16xf32>
      %mul3A_182 = arith.mulf %mul3A_181, %sub3A_155 : vector<16xf32>
      %shift_right_logical3A = arith.constant 7 : i32
      %shift_right_logical3A_183 = vector.broadcast %shift_right_logical3A : i32 to vector<16xi32>
      %shift_right_logical3A_184 = arith.shrui %and3A_180, %shift_right_logical3A_183 : vector<16xi32>
      %shift_left3A = arith.constant 5 : i32
      %shift_left3A_185 = vector.broadcast %shift_left3A : i32 to vector<16xi32>
      %shift_left3A_186 = arith.shli %shift_right_logical3A_184, %shift_left3A_185 : vector<16xi32>
      %shift_right_logical3A_187 = arith.constant 3 : i32
      %shift_right_logical3A_188 = vector.broadcast %shift_right_logical3A_187 : i32 to vector<16xi32>
      %shift_right_logical3A_189 = arith.shrui %and3A_180, %shift_right_logical3A_188 : vector<16xi32>
      %and3A_190 = arith.constant 15 : i32
      %and3A_191 = vector.broadcast %and3A_190 : i32 to vector<16xi32>
      %and3A_192 = arith.andi %shift_right_logical3A_189, %and3A_191 : vector<16xi32>
      %or3A = arith.ori %shift_left3A_186, %and3A_192 : vector<16xi32>
      %add3A_193 = vector.broadcast %mul3A_172 : i32 to vector<16xi32>
      %add3A_194 = arith.addi %or3A, %add3A_193 : vector<16xi32>
      %broadcast_in_dim3A_195 = arith.constant 0 : i32
      %broadcast_in_dim3A_196 = vector.broadcast %broadcast_in_dim3A_195 : i32 to vector<16xi32>
      %add3A_197 = vector.broadcast %scan3A_134 : i32 to vector<16xi32>
      %add3A_198 = arith.addi %broadcast_in_dim3A_196, %add3A_197 : vector<16xi32>
      %add3A_199 = arith.constant 0 : i32
      %add3A_200 = vector.broadcast %add3A_199 : i32 to vector<16xi32>
      %add3A_201 = arith.addi %add3A_177, %add3A_200 : vector<16xi32>
      tpu.vector_store_idx %arg6[%add3A_201], %add3A_194 : memref<2048xi32, #tpu.memory_space<vmem>>[vector<16xi32>], vector<16xi32>,
      %add3A_202 = arith.constant 16 : i32
      %add3A_203 = vector.broadcast %add3A_202 : i32 to vector<16xi32>
      %add3A_204 = arith.addi %add3A_194, %add3A_203 : vector<16xi32>
      tpu.vector_store_idx %arg7[%add3A_201], %add3A_204 : memref<2048xi32, #tpu.memory_space<vmem>>[vector<16xi32>], vector<16xi32>,
      %and3A_205 = arith.constant 7 : i32
      %and3A_206 = vector.broadcast %and3A_205 : i32 to vector<16xi32>
      %and3A_207 = arith.andi %and3A_180, %and3A_206 : vector<16xi32>
      tpu.vector_store_idx %arg8[%iota3A, %add3A_198], %and3A_207 : memref<16x128xi32, #tpu.memory_space<vmem>>[vector<16xi32>, vector<16xi32>], vector<16xi32>,
      tpu.vector_store_idx %arg9[%iota3A, %add3A_198], %mul3A_182 : memref<16x128xf32, #tpu.memory_space<vmem>>[vector<16xi32>, vector<16xi32>], vector<16xf32>,
      %xor3A_208 = arith.xori %convert_element_type3A, %mul3A_158 : vector<16xi32>
      %xor3A_209 = arith.xori %xor3A_208, %add3A_170 : vector<16xi32>
      %and3A_210 = arith.constant 524287 : i32
      %and3A_211 = vector.broadcast %and3A_210 : i32 to vector<16xi32>
      %and3A_212 = arith.andi %xor3A_209, %and3A_211 : vector<16xi32>
      %mul3A_213 = arith.mulf %sub3A_149, %sub3A_152 : vector<16xf32>
      %mul3A_214 = arith.mulf %mul3A_213, %sub3A_146 : vector<16xf32>
      %shift_right_logical3A_215 = arith.constant 7 : i32
      %shift_right_logical3A_216 = vector.broadcast %shift_right_logical3A_215 : i32 to vector<16xi32>
      %shift_right_logical3A_217 = arith.shrui %and3A_212, %shift_right_logical3A_216 : vector<16xi32>
      %shift_left3A_218 = arith.constant 5 : i32
      %shift_left3A_219 = vector.broadcast %shift_left3A_218 : i32 to vector<16xi32>
      %shift_left3A_220 = arith.shli %shift_right_logical3A_217, %shift_left3A_219 : vector<16xi32>
      %shift_right_logical3A_221 = arith.constant 3 : i32
      %shift_right_logical3A_222 = vector.broadcast %shift_right_logical3A_221 : i32 to vector<16xi32>
      %shift_right_logical3A_223 = arith.shrui %and3A_212, %shift_right_logical3A_222 : vector<16xi32>
      %and3A_224 = arith.constant 15 : i32
      %and3A_225 = vector.broadcast %and3A_224 : i32 to vector<16xi32>
      %and3A_226 = arith.andi %shift_right_logical3A_223, %and3A_225 : vector<16xi32>
      %or3A_227 = arith.ori %shift_left3A_220, %and3A_226 : vector<16xi32>
      %add3A_228 = vector.broadcast %mul3A_172 : i32 to vector<16xi32>
      %add3A_229 = arith.addi %or3A_227, %add3A_228 : vector<16xi32>
      %broadcast_in_dim3A_230 = arith.constant 16 : i32
      %broadcast_in_dim3A_231 = vector.broadcast %broadcast_in_dim3A_230 : i32 to vector<16xi32>
      %add3A_232 = vector.broadcast %scan3A_134 : i32 to vector<16xi32>
      %add3A_233 = arith.addi %broadcast_in_dim3A_231, %add3A_232 : vector<16xi32>
      %add3A_234 = arith.constant 16 : i32
      %add3A_235 = vector.broadcast %add3A_234 : i32 to vector<16xi32>
      %add3A_236 = arith.addi %add3A_177, %add3A_235 : vector<16xi32>
      tpu.vector_store_idx %arg6[%add3A_236], %add3A_229 : memref<2048xi32, #tpu.memory_space<vmem>>[vector<16xi32>], vector<16xi32>,
      %add3A_237 = arith.constant 16 : i32
      %add3A_238 = vector.broadcast %add3A_237 : i32 to vector<16xi32>
      %add3A_239 = arith.addi %add3A_229, %add3A_238 : vector<16xi32>
      tpu.vector_store_idx %arg7[%add3A_236], %add3A_239 : memref<2048xi32, #tpu.memory_space<vmem>>[vector<16xi32>], vector<16xi32>,
      %and3A_240 = arith.constant 7 : i32
      %and3A_241 = vector.broadcast %and3A_240 : i32 to vector<16xi32>
      %and3A_242 = arith.andi %and3A_212, %and3A_241 : vector<16xi32>
      tpu.vector_store_idx %arg8[%iota3A, %add3A_233], %and3A_242 : memref<16x128xi32, #tpu.memory_space<vmem>>[vector<16xi32>, vector<16xi32>], vector<16xi32>,
      tpu.vector_store_idx %arg9[%iota3A, %add3A_233], %mul3A_214 : memref<16x128xf32, #tpu.memory_space<vmem>>[vector<16xi32>, vector<16xi32>], vector<16xf32>,
      %xor3A_243 = arith.xori %convert_element_type3A, %add3A_167 : vector<16xi32>
      %xor3A_244 = arith.xori %xor3A_243, %mul3A_161 : vector<16xi32>
      %and3A_245 = arith.constant 524287 : i32
      %and3A_246 = vector.broadcast %and3A_245 : i32 to vector<16xi32>
      %and3A_247 = arith.andi %xor3A_244, %and3A_246 : vector<16xi32>
      %mul3A_248 = arith.mulf %sub3A_149, %sub3A_144 : vector<16xf32>
      %mul3A_249 = arith.mulf %mul3A_248, %sub3A_155 : vector<16xf32>
      %shift_right_logical3A_250 = arith.constant 7 : i32
      %shift_right_logical3A_251 = vector.broadcast %shift_right_logical3A_250 : i32 to vector<16xi32>
      %shift_right_logical3A_252 = arith.shrui %and3A_247, %shift_right_logical3A_251 : vector<16xi32>
      %shift_left3A_253 = arith.constant 5 : i32
      %shift_left3A_254 = vector.broadcast %shift_left3A_253 : i32 to vector<16xi32>
      %shift_left3A_255 = arith.shli %shift_right_logical3A_252, %shift_left3A_254 : vector<16xi32>
      %shift_right_logical3A_256 = arith.constant 3 : i32
      %shift_right_logical3A_257 = vector.broadcast %shift_right_logical3A_256 : i32 to vector<16xi32>
      %shift_right_logical3A_258 = arith.shrui %and3A_247, %shift_right_logical3A_257 : vector<16xi32>
      %and3A_259 = arith.constant 15 : i32
      %and3A_260 = vector.broadcast %and3A_259 : i32 to vector<16xi32>
      %and3A_261 = arith.andi %shift_right_logical3A_258, %and3A_260 : vector<16xi32>
      %or3A_262 = arith.ori %shift_left3A_255, %and3A_261 : vector<16xi32>
      %add3A_263 = vector.broadcast %mul3A_172 : i32 to vector<16xi32>
      %add3A_264 = arith.addi %or3A_262, %add3A_263 : vector<16xi32>
      %broadcast_in_dim3A_265 = arith.constant 32 : i32
      %broadcast_in_dim3A_266 = vector.broadcast %broadcast_in_dim3A_265 : i32 to vector<16xi32>
      %add3A_267 = vector.broadcast %scan3A_134 : i32 to vector<16xi32>
      %add3A_268 = arith.addi %broadcast_in_dim3A_266, %add3A_267 : vector<16xi32>
      %add3A_269 = arith.constant 32 : i32
      %add3A_270 = vector.broadcast %add3A_269 : i32 to vector<16xi32>
      %add3A_271 = arith.addi %add3A_177, %add3A_270 : vector<16xi32>
      tpu.vector_store_idx %arg6[%add3A_271], %add3A_264 : memref<2048xi32, #tpu.memory_space<vmem>>[vector<16xi32>], vector<16xi32>,
      %add3A_272 = arith.constant 16 : i32
      %add3A_273 = vector.broadcast %add3A_272 : i32 to vector<16xi32>
      %add3A_274 = arith.addi %add3A_264, %add3A_273 : vector<16xi32>
      tpu.vector_store_idx %arg7[%add3A_271], %add3A_274 : memref<2048xi32, #tpu.memory_space<vmem>>[vector<16xi32>], vector<16xi32>,
      %and3A_275 = arith.constant 7 : i32
      %and3A_276 = vector.broadcast %and3A_275 : i32 to vector<16xi32>
      %and3A_277 = arith.andi %and3A_247, %and3A_276 : vector<16xi32>
      tpu.vector_store_idx %arg8[%iota3A, %add3A_268], %and3A_277 : memref<16x128xi32, #tpu.memory_space<vmem>>[vector<16xi32>, vector<16xi32>], vector<16xi32>,
      tpu.vector_store_idx %arg9[%iota3A, %add3A_268], %mul3A_249 : memref<16x128xf32, #tpu.memory_space<vmem>>[vector<16xi32>, vector<16xi32>], vector<16xf32>,
      %xor3A_278 = arith.xori %convert_element_type3A, %add3A_167 : vector<16xi32>
      %xor3A_279 = arith.xori %xor3A_278, %add3A_170 : vector<16xi32>
      %and3A_280 = arith.constant 524287 : i32
      %and3A_281 = vector.broadcast %and3A_280 : i32 to vector<16xi32>
      %and3A_282 = arith.andi %xor3A_279, %and3A_281 : vector<16xi32>
      %mul3A_283 = arith.mulf %sub3A_149, %sub3A_144 : vector<16xf32>
      %mul3A_284 = arith.mulf %mul3A_283, %sub3A_146 : vector<16xf32>
      %shift_right_logical3A_285 = arith.constant 7 : i32
      %shift_right_logical3A_286 = vector.broadcast %shift_right_logical3A_285 : i32 to vector<16xi32>
      %shift_right_logical3A_287 = arith.shrui %and3A_282, %shift_right_logical3A_286 : vector<16xi32>
      %shift_left3A_288 = arith.constant 5 : i32
      %shift_left3A_289 = vector.broadcast %shift_left3A_288 : i32 to vector<16xi32>
      %shift_left3A_290 = arith.shli %shift_right_logical3A_287, %shift_left3A_289 : vector<16xi32>
      %shift_right_logical3A_291 = arith.constant 3 : i32
      %shift_right_logical3A_292 = vector.broadcast %shift_right_logical3A_291 : i32 to vector<16xi32>
      %shift_right_logical3A_293 = arith.shrui %and3A_282, %shift_right_logical3A_292 : vector<16xi32>
      %and3A_294 = arith.constant 15 : i32
      %and3A_295 = vector.broadcast %and3A_294 : i32 to vector<16xi32>
      %and3A_296 = arith.andi %shift_right_logical3A_293, %and3A_295 : vector<16xi32>
      %or3A_297 = arith.ori %shift_left3A_290, %and3A_296 : vector<16xi32>
      %add3A_298 = vector.broadcast %mul3A_172 : i32 to vector<16xi32>
      %add3A_299 = arith.addi %or3A_297, %add3A_298 : vector<16xi32>
      %broadcast_in_dim3A_300 = arith.constant 48 : i32
      %broadcast_in_dim3A_301 = vector.broadcast %broadcast_in_dim3A_300 : i32 to vector<16xi32>
      %add3A_302 = vector.broadcast %scan3A_134 : i32 to vector<16xi32>
      %add3A_303 = arith.addi %broadcast_in_dim3A_301, %add3A_302 : vector<16xi32>
      %add3A_304 = arith.constant 48 : i32
      %add3A_305 = vector.broadcast %add3A_304 : i32 to vector<16xi32>
      %add3A_306 = arith.addi %add3A_177, %add3A_305 : vector<16xi32>
      tpu.vector_store_idx %arg6[%add3A_306], %add3A_299 : memref<2048xi32, #tpu.memory_space<vmem>>[vector<16xi32>], vector<16xi32>,
      %add3A_307 = arith.constant 16 : i32
      %add3A_308 = vector.broadcast %add3A_307 : i32 to vector<16xi32>
      %add3A_309 = arith.addi %add3A_299, %add3A_308 : vector<16xi32>
      tpu.vector_store_idx %arg7[%add3A_306], %add3A_309 : memref<2048xi32, #tpu.memory_space<vmem>>[vector<16xi32>], vector<16xi32>,
      %and3A_310 = arith.constant 7 : i32
      %and3A_311 = vector.broadcast %and3A_310 : i32 to vector<16xi32>
      %and3A_312 = arith.andi %and3A_282, %and3A_311 : vector<16xi32>
      tpu.vector_store_idx %arg8[%iota3A, %add3A_303], %and3A_312 : memref<16x128xi32, #tpu.memory_space<vmem>>[vector<16xi32>, vector<16xi32>], vector<16xi32>,
      tpu.vector_store_idx %arg9[%iota3A, %add3A_303], %mul3A_284 : memref<16x128xf32, #tpu.memory_space<vmem>>[vector<16xi32>, vector<16xi32>], vector<16xf32>,
      %xor3A_313 = arith.xori %add3A_164, %mul3A_158 : vector<16xi32>
      %xor3A_314 = arith.xori %xor3A_313, %mul3A_161 : vector<16xi32>
      %and3A_315 = arith.constant 524287 : i32
      %and3A_316 = vector.broadcast %and3A_315 : i32 to vector<16xi32>
      %and3A_317 = arith.andi %xor3A_314, %and3A_316 : vector<16xi32>
      %mul3A_318 = arith.mulf %sub3A, %sub3A_152 : vector<16xf32>
      %mul3A_319 = arith.mulf %mul3A_318, %sub3A_155 : vector<16xf32>
      %shift_right_logical3A_320 = arith.constant 7 : i32
      %shift_right_logical3A_321 = vector.broadcast %shift_right_logical3A_320 : i32 to vector<16xi32>
      %shift_right_logical3A_322 = arith.shrui %and3A_317, %shift_right_logical3A_321 : vector<16xi32>
      %shift_left3A_323 = arith.constant 5 : i32
      %shift_left3A_324 = vector.broadcast %shift_left3A_323 : i32 to vector<16xi32>
      %shift_left3A_325 = arith.shli %shift_right_logical3A_322, %shift_left3A_324 : vector<16xi32>
      %shift_right_logical3A_326 = arith.constant 3 : i32
      %shift_right_logical3A_327 = vector.broadcast %shift_right_logical3A_326 : i32 to vector<16xi32>
      %shift_right_logical3A_328 = arith.shrui %and3A_317, %shift_right_logical3A_327 : vector<16xi32>
      %and3A_329 = arith.constant 15 : i32
      %and3A_330 = vector.broadcast %and3A_329 : i32 to vector<16xi32>
      %and3A_331 = arith.andi %shift_right_logical3A_328, %and3A_330 : vector<16xi32>
      %or3A_332 = arith.ori %shift_left3A_325, %and3A_331 : vector<16xi32>
      %add3A_333 = vector.broadcast %mul3A_172 : i32 to vector<16xi32>
      %add3A_334 = arith.addi %or3A_332, %add3A_333 : vector<16xi32>
      %broadcast_in_dim3A_335 = arith.constant 64 : i32
      %broadcast_in_dim3A_336 = vector.broadcast %broadcast_in_dim3A_335 : i32 to vector<16xi32>
      %add3A_337 = vector.broadcast %scan3A_134 : i32 to vector<16xi32>
      %add3A_338 = arith.addi %broadcast_in_dim3A_336, %add3A_337 : vector<16xi32>
      %add3A_339 = arith.constant 64 : i32
      %add3A_340 = vector.broadcast %add3A_339 : i32 to vector<16xi32>
      %add3A_341 = arith.addi %add3A_177, %add3A_340 : vector<16xi32>
      tpu.vector_store_idx %arg6[%add3A_341], %add3A_334 : memref<2048xi32, #tpu.memory_space<vmem>>[vector<16xi32>], vector<16xi32>,
      %add3A_342 = arith.constant 16 : i32
      %add3A_343 = vector.broadcast %add3A_342 : i32 to vector<16xi32>
      %add3A_344 = arith.addi %add3A_334, %add3A_343 : vector<16xi32>
      tpu.vector_store_idx %arg7[%add3A_341], %add3A_344 : memref<2048xi32, #tpu.memory_space<vmem>>[vector<16xi32>], vector<16xi32>,
      %and3A_345 = arith.constant 7 : i32
      %and3A_346 = vector.broadcast %and3A_345 : i32 to vector<16xi32>
      %and3A_347 = arith.andi %and3A_317, %and3A_346 : vector<16xi32>
      tpu.vector_store_idx %arg8[%iota3A, %add3A_338], %and3A_347 : memref<16x128xi32, #tpu.memory_space<vmem>>[vector<16xi32>, vector<16xi32>], vector<16xi32>,
      tpu.vector_store_idx %arg9[%iota3A, %add3A_338], %mul3A_319 : memref<16x128xf32, #tpu.memory_space<vmem>>[vector<16xi32>, vector<16xi32>], vector<16xf32>,
      %xor3A_348 = arith.xori %add3A_164, %mul3A_158 : vector<16xi32>
      %xor3A_349 = arith.xori %xor3A_348, %add3A_170 : vector<16xi32>
      %and3A_350 = arith.constant 524287 : i32
      %and3A_351 = vector.broadcast %and3A_350 : i32 to vector<16xi32>
      %and3A_352 = arith.andi %xor3A_349, %and3A_351 : vector<16xi32>
      %mul3A_353 = arith.mulf %sub3A, %sub3A_152 : vector<16xf32>
      %mul3A_354 = arith.mulf %mul3A_353, %sub3A_146 : vector<16xf32>
      %shift_right_logical3A_355 = arith.constant 7 : i32
      %shift_right_logical3A_356 = vector.broadcast %shift_right_logical3A_355 : i32 to vector<16xi32>
      %shift_right_logical3A_357 = arith.shrui %and3A_352, %shift_right_logical3A_356 : vector<16xi32>
      %shift_left3A_358 = arith.constant 5 : i32
      %shift_left3A_359 = vector.broadcast %shift_left3A_358 : i32 to vector<16xi32>
      %shift_left3A_360 = arith.shli %shift_right_logical3A_357, %shift_left3A_359 : vector<16xi32>
      %shift_right_logical3A_361 = arith.constant 3 : i32
      %shift_right_logical3A_362 = vector.broadcast %shift_right_logical3A_361 : i32 to vector<16xi32>
      %shift_right_logical3A_363 = arith.shrui %and3A_352, %shift_right_logical3A_362 : vector<16xi32>
      %and3A_364 = arith.constant 15 : i32
      %and3A_365 = vector.broadcast %and3A_364 : i32 to vector<16xi32>
      %and3A_366 = arith.andi %shift_right_logical3A_363, %and3A_365 : vector<16xi32>
      %or3A_367 = arith.ori %shift_left3A_360, %and3A_366 : vector<16xi32>
      %add3A_368 = vector.broadcast %mul3A_172 : i32 to vector<16xi32>
      %add3A_369 = arith.addi %or3A_367, %add3A_368 : vector<16xi32>
      %broadcast_in_dim3A_370 = arith.constant 80 : i32
      %broadcast_in_dim3A_371 = vector.broadcast %broadcast_in_dim3A_370 : i32 to vector<16xi32>
      %add3A_372 = vector.broadcast %scan3A_134 : i32 to vector<16xi32>
      %add3A_373 = arith.addi %broadcast_in_dim3A_371, %add3A_372 : vector<16xi32>
      %add3A_374 = arith.constant 80 : i32
      %add3A_375 = vector.broadcast %add3A_374 : i32 to vector<16xi32>
      %add3A_376 = arith.addi %add3A_177, %add3A_375 : vector<16xi32>
      tpu.vector_store_idx %arg6[%add3A_376], %add3A_369 : memref<2048xi32, #tpu.memory_space<vmem>>[vector<16xi32>], vector<16xi32>,
      %add3A_377 = arith.constant 16 : i32
      %add3A_378 = vector.broadcast %add3A_377 : i32 to vector<16xi32>
      %add3A_379 = arith.addi %add3A_369, %add3A_378 : vector<16xi32>
      tpu.vector_store_idx %arg7[%add3A_376], %add3A_379 : memref<2048xi32, #tpu.memory_space<vmem>>[vector<16xi32>], vector<16xi32>,
      %and3A_380 = arith.constant 7 : i32
      %and3A_381 = vector.broadcast %and3A_380 : i32 to vector<16xi32>
      %and3A_382 = arith.andi %and3A_352, %and3A_381 : vector<16xi32>
      tpu.vector_store_idx %arg8[%iota3A, %add3A_373], %and3A_382 : memref<16x128xi32, #tpu.memory_space<vmem>>[vector<16xi32>, vector<16xi32>], vector<16xi32>,
      tpu.vector_store_idx %arg9[%iota3A, %add3A_373], %mul3A_354 : memref<16x128xf32, #tpu.memory_space<vmem>>[vector<16xi32>, vector<16xi32>], vector<16xf32>,
      %xor3A_383 = arith.xori %add3A_164, %add3A_167 : vector<16xi32>
      %xor3A_384 = arith.xori %xor3A_383, %mul3A_161 : vector<16xi32>
      %and3A_385 = arith.constant 524287 : i32
      %and3A_386 = vector.broadcast %and3A_385 : i32 to vector<16xi32>
      %and3A_387 = arith.andi %xor3A_384, %and3A_386 : vector<16xi32>
      %mul3A_388 = arith.mulf %sub3A, %sub3A_144 : vector<16xf32>
      %mul3A_389 = arith.mulf %mul3A_388, %sub3A_155 : vector<16xf32>
      %shift_right_logical3A_390 = arith.constant 7 : i32
      %shift_right_logical3A_391 = vector.broadcast %shift_right_logical3A_390 : i32 to vector<16xi32>
      %shift_right_logical3A_392 = arith.shrui %and3A_387, %shift_right_logical3A_391 : vector<16xi32>
      %shift_left3A_393 = arith.constant 5 : i32
      %shift_left3A_394 = vector.broadcast %shift_left3A_393 : i32 to vector<16xi32>
      %shift_left3A_395 = arith.shli %shift_right_logical3A_392, %shift_left3A_394 : vector<16xi32>
      %shift_right_logical3A_396 = arith.constant 3 : i32
      %shift_right_logical3A_397 = vector.broadcast %shift_right_logical3A_396 : i32 to vector<16xi32>
      %shift_right_logical3A_398 = arith.shrui %and3A_387, %shift_right_logical3A_397 : vector<16xi32>
      %and3A_399 = arith.constant 15 : i32
      %and3A_400 = vector.broadcast %and3A_399 : i32 to vector<16xi32>
      %and3A_401 = arith.andi %shift_right_logical3A_398, %and3A_400 : vector<16xi32>
      %or3A_402 = arith.ori %shift_left3A_395, %and3A_401 : vector<16xi32>
      %add3A_403 = vector.broadcast %mul3A_172 : i32 to vector<16xi32>
      %add3A_404 = arith.addi %or3A_402, %add3A_403 : vector<16xi32>
      %broadcast_in_dim3A_405 = arith.constant 96 : i32
      %broadcast_in_dim3A_406 = vector.broadcast %broadcast_in_dim3A_405 : i32 to vector<16xi32>
      %add3A_407 = vector.broadcast %scan3A_134 : i32 to vector<16xi32>
      %add3A_408 = arith.addi %broadcast_in_dim3A_406, %add3A_407 : vector<16xi32>
      %add3A_409 = arith.constant 96 : i32
      %add3A_410 = vector.broadcast %add3A_409 : i32 to vector<16xi32>
      %add3A_411 = arith.addi %add3A_177, %add3A_410 : vector<16xi32>
      tpu.vector_store_idx %arg6[%add3A_411], %add3A_404 : memref<2048xi32, #tpu.memory_space<vmem>>[vector<16xi32>], vector<16xi32>,
      %add3A_412 = arith.constant 16 : i32
      %add3A_413 = vector.broadcast %add3A_412 : i32 to vector<16xi32>
      %add3A_414 = arith.addi %add3A_404, %add3A_413 : vector<16xi32>
      tpu.vector_store_idx %arg7[%add3A_411], %add3A_414 : memref<2048xi32, #tpu.memory_space<vmem>>[vector<16xi32>], vector<16xi32>,
      %and3A_415 = arith.constant 7 : i32
      %and3A_416 = vector.broadcast %and3A_415 : i32 to vector<16xi32>
      %and3A_417 = arith.andi %and3A_387, %and3A_416 : vector<16xi32>
      tpu.vector_store_idx %arg8[%iota3A, %add3A_408], %and3A_417 : memref<16x128xi32, #tpu.memory_space<vmem>>[vector<16xi32>, vector<16xi32>], vector<16xi32>,
      tpu.vector_store_idx %arg9[%iota3A, %add3A_408], %mul3A_389 : memref<16x128xf32, #tpu.memory_space<vmem>>[vector<16xi32>, vector<16xi32>], vector<16xf32>,
      %xor3A_418 = arith.xori %add3A_164, %add3A_167 : vector<16xi32>
      %xor3A_419 = arith.xori %xor3A_418, %add3A_170 : vector<16xi32>
      %and3A_420 = arith.constant 524287 : i32
      %and3A_421 = vector.broadcast %and3A_420 : i32 to vector<16xi32>
      %and3A_422 = arith.andi %xor3A_419, %and3A_421 : vector<16xi32>
      %mul3A_423 = arith.mulf %sub3A, %sub3A_144 : vector<16xf32>
      %mul3A_424 = arith.mulf %mul3A_423, %sub3A_146 : vector<16xf32>
      %shift_right_logical3A_425 = arith.constant 7 : i32
      %shift_right_logical3A_426 = vector.broadcast %shift_right_logical3A_425 : i32 to vector<16xi32>
      %shift_right_logical3A_427 = arith.shrui %and3A_422, %shift_right_logical3A_426 : vector<16xi32>
      %shift_left3A_428 = arith.constant 5 : i32
      %shift_left3A_429 = vector.broadcast %shift_left3A_428 : i32 to vector<16xi32>
      %shift_left3A_430 = arith.shli %shift_right_logical3A_427, %shift_left3A_429 : vector<16xi32>
      %shift_right_logical3A_431 = arith.constant 3 : i32
      %shift_right_logical3A_432 = vector.broadcast %shift_right_logical3A_431 : i32 to vector<16xi32>
      %shift_right_logical3A_433 = arith.shrui %and3A_422, %shift_right_logical3A_432 : vector<16xi32>
      %and3A_434 = arith.constant 15 : i32
      %and3A_435 = vector.broadcast %and3A_434 : i32 to vector<16xi32>
      %and3A_436 = arith.andi %shift_right_logical3A_433, %and3A_435 : vector<16xi32>
      %or3A_437 = arith.ori %shift_left3A_430, %and3A_436 : vector<16xi32>
      %add3A_438 = vector.broadcast %mul3A_172 : i32 to vector<16xi32>
      %add3A_439 = arith.addi %or3A_437, %add3A_438 : vector<16xi32>
      %broadcast_in_dim3A_440 = arith.constant 112 : i32
      %broadcast_in_dim3A_441 = vector.broadcast %broadcast_in_dim3A_440 : i32 to vector<16xi32>
      %add3A_442 = vector.broadcast %scan3A_134 : i32 to vector<16xi32>
      %add3A_443 = arith.addi %broadcast_in_dim3A_441, %add3A_442 : vector<16xi32>
      %add3A_444 = arith.constant 112 : i32
      %add3A_445 = vector.broadcast %add3A_444 : i32 to vector<16xi32>
      %add3A_446 = arith.addi %add3A_177, %add3A_445 : vector<16xi32>
      tpu.vector_store_idx %arg6[%add3A_446], %add3A_439 : memref<2048xi32, #tpu.memory_space<vmem>>[vector<16xi32>], vector<16xi32>,
      %add3A_447 = arith.constant 16 : i32
      %add3A_448 = vector.broadcast %add3A_447 : i32 to vector<16xi32>
      %add3A_449 = arith.addi %add3A_439, %add3A_448 : vector<16xi32>
      tpu.vector_store_idx %arg7[%add3A_446], %add3A_449 : memref<2048xi32, #tpu.memory_space<vmem>>[vector<16xi32>], vector<16xi32>,
      %and3A_450 = arith.constant 7 : i32
      %and3A_451 = vector.broadcast %and3A_450 : i32 to vector<16xi32>
      %and3A_452 = arith.andi %and3A_422, %and3A_451 : vector<16xi32>
      tpu.vector_store_idx %arg8[%iota3A, %add3A_443], %and3A_452 : memref<16x128xi32, #tpu.memory_space<vmem>>[vector<16xi32>, vector<16xi32>], vector<16xi32>,
      tpu.vector_store_idx %arg9[%iota3A, %add3A_443], %mul3A_424 : memref<16x128xf32, #tpu.memory_space<vmem>>[vector<16xi32>, vector<16xi32>], vector<16xf32>,
    }
    %scan3A_122 = arith.constant 16 : i32
    %dma_start3A = arith.constant 0 : i32
    %dma_start3A_123 = arith.constant 0 : i32
    %dma_start3A_124 = tpu.memref_slice %arg3[%dma_start3A, %dma_start3A_123] : memref<2097152x8xf32, #tpu.memory_space<hbm>> -> memref<2097152x8xf32, #tpu.memory_space<hbm>>
    tpu.enqueue_indirect_dma source(%dma_start3A_124 : memref<2097152x8xf32, #tpu.memory_space<hbm>>) target(%arg10 : memref<2048x8xf32, #tpu.memory_space<vmem>>) offsets(%arg6 : memref<2048xi32, #tpu.memory_space<vmem>>) semaphore(%arg20 : memref<!tpu.dma_semaphore, #tpu.memory_space<semaphore_mem>>)
    %dma_start3A_125 = arith.constant 0 : i32
    %dma_start3A_126 = arith.constant 0 : i32
    %dma_start3A_127 = tpu.memref_slice %arg3[%dma_start3A_125, %dma_start3A_126] : memref<2097152x8xf32, #tpu.memory_space<hbm>> -> memref<2097152x8xf32, #tpu.memory_space<hbm>>
    tpu.enqueue_indirect_dma source(%dma_start3A_127 : memref<2097152x8xf32, #tpu.memory_space<hbm>>) target(%arg11 : memref<2048x8xf32, #tpu.memory_space<vmem>>) offsets(%arg7 : memref<2048xi32, #tpu.memory_space<vmem>>) semaphore(%arg20 : memref<!tpu.dma_semaphore, #tpu.memory_space<semaphore_mem>>)
    %scan3A_128 = arith.constant 0 : i32
    %scan3A_129 = arith.constant 0 : i32
    %scan3A_130 = arith.constant 128 : i32
    %scan3A_131 = arith.addi %scan3A_129, %scan3A_130 : i32
    %scan3A_132 = arith.constant 1 : i32
    scf.for %scan3A_134 = %scan3A_129 to %scan3A_131 step %scan3A_132  : i32 {
      %mul3A_135 = arith.constant 2 : i32
      %mul3A_136 = arith.muli %mul3A_135, %scan3A_134 : i32
      %add3A_137 = arith.constant 1 : i32
      %add3A_138 = arith.addi %mul3A_136, %add3A_137 : i32
      %mul3A_139 = arith.constant 16 : i32
      %mul3A_140 = arith.muli %add3A_138, %mul3A_139 : i32
      %add3A_141 = arith.addi %mul3A_2, %mul3A_140 : i32
      %add3A_142 = arith.constant 0 : i32
      %add3A_143 = arith.addi %add3A_142, %add3A_141 : i32
      %run_scoped3A_144 = arith.constant 0 : i32
      "tpu.region"() ({
        %run_scoped3A_210 = tpu.sem_alloc : memref<!tpu.dma_semaphore, #tpu.memory_space<semaphore_mem>>
        %dma_start3A_211 = arith.constant 0 : i32
        %dma_start3A_212 = tpu.memref_slice %arg5[%run_scoped3A_144, %dma_start3A_211] : memref<3x16xf32, #tpu.memory_space<vmem>> -> memref<1x16xf32, #tpu.memory_space<vmem>>
        %dma_start3A_213 = tpu.memref_squeeze %dma_start3A_212 : memref<1x16xf32, #tpu.memory_space<vmem>> -> memref<16xf32, #tpu.memory_space<vmem>>
        %dma_start3A_214 = tpu.memref_slice %arg2[%add3A_143] : memref<393216xf32, #tpu.memory_space<hbm>> -> memref<16xf32, #tpu.memory_space<hbm>>
        %dma_start3A_215 = arith.constant 0 : i32
        %dma_start3A_216 = tpu.memref_slice %arg5[%run_scoped3A_144, %dma_start3A_215] : memref<3x16xf32, #tpu.memory_space<vmem>> -> memref<1x16xf32, #tpu.memory_space<vmem>>
        %dma_start3A_217 = tpu.memref_squeeze %dma_start3A_216 : memref<1x16xf32, #tpu.memory_space<vmem>> -> memref<16xf32, #tpu.memory_space<vmem>>
        %dma_start3A_218 = tpu.memref_slice %arg2[%add3A_143] : memref<393216xf32, #tpu.memory_space<hbm>> -> memref<16xf32, #tpu.memory_space<hbm>>
        tpu.enqueue_dma source(%dma_start3A_218 : memref<16xf32, #tpu.memory_space<hbm>>) target(%dma_start3A_217 : memref<16xf32, #tpu.memory_space<vmem>>) target_semaphore(%run_scoped3A_210 : memref<!tpu.dma_semaphore, #tpu.memory_space<semaphore_mem>>)
        %dma_wait3A_219 = arith.constant 0 : i32
        %dma_wait3A_220 = tpu.memref_slice %arg5[%run_scoped3A_144, %dma_wait3A_219] : memref<3x16xf32, #tpu.memory_space<vmem>> -> memref<1x16xf32, #tpu.memory_space<vmem>>
        %dma_wait3A_221 = tpu.memref_squeeze %dma_wait3A_220 : memref<1x16xf32, #tpu.memory_space<vmem>> -> memref<16xf32, #tpu.memory_space<vmem>>
        %dma_wait3A_222 = tpu.memref_slice %arg2[%add3A_143] : memref<393216xf32, #tpu.memory_space<hbm>> -> memref<16xf32, #tpu.memory_space<hbm>>
        %dma_wait3A_223 = arith.constant 0 : i32
        %dma_wait3A_224 = tpu.memref_slice %arg5[%run_scoped3A_144, %dma_wait3A_223] : memref<3x16xf32, #tpu.memory_space<vmem>> -> memref<1x16xf32, #tpu.memory_space<vmem>>
        %dma_wait3A_225 = tpu.memref_squeeze %dma_wait3A_224 : memref<1x16xf32, #tpu.memory_space<vmem>> -> memref<16xf32, #tpu.memory_space<vmem>>
        %dma_wait3A_226 = tpu.memref_slice %arg2[%add3A_143] : memref<393216xf32, #tpu.memory_space<hbm>> -> memref<16xf32, #tpu.memory_space<hbm>>
        tpu.wait_dma2 semaphore(%run_scoped3A_210 : memref<!tpu.dma_semaphore, #tpu.memory_space<semaphore_mem>>) src(%dma_wait3A_226 : memref<16xf32, #tpu.memory_space<hbm>>) dst(%dma_wait3A_225 : memref<16xf32, #tpu.memory_space<vmem>>)
        tpu.yield
      }) : () -> ()
      %add3A_145 = arith.constant 131072 : i32
      %add3A_146 = arith.addi %add3A_145, %add3A_141 : i32
      %run_scoped3A_147 = arith.constant 1 : i32
      "tpu.region"() ({
        %run_scoped3A_210 = tpu.sem_alloc : memref<!tpu.dma_semaphore, #tpu.memory_space<semaphore_mem>>
        %dma_start3A_211 = arith.constant 0 : i32
        %dma_start3A_212 = tpu.memref_slice %arg5[%run_scoped3A_147, %dma_start3A_211] : memref<3x16xf32, #tpu.memory_space<vmem>> -> memref<1x16xf32, #tpu.memory_space<vmem>>
        %dma_start3A_213 = tpu.memref_squeeze %dma_start3A_212 : memref<1x16xf32, #tpu.memory_space<vmem>> -> memref<16xf32, #tpu.memory_space<vmem>>
        %dma_start3A_214 = tpu.memref_slice %arg2[%add3A_146] : memref<393216xf32, #tpu.memory_space<hbm>> -> memref<16xf32, #tpu.memory_space<hbm>>
        %dma_start3A_215 = arith.constant 0 : i32
        %dma_start3A_216 = tpu.memref_slice %arg5[%run_scoped3A_147, %dma_start3A_215] : memref<3x16xf32, #tpu.memory_space<vmem>> -> memref<1x16xf32, #tpu.memory_space<vmem>>
        %dma_start3A_217 = tpu.memref_squeeze %dma_start3A_216 : memref<1x16xf32, #tpu.memory_space<vmem>> -> memref<16xf32, #tpu.memory_space<vmem>>
        %dma_start3A_218 = tpu.memref_slice %arg2[%add3A_146] : memref<393216xf32, #tpu.memory_space<hbm>> -> memref<16xf32, #tpu.memory_space<hbm>>
        tpu.enqueue_dma source(%dma_start3A_218 : memref<16xf32, #tpu.memory_space<hbm>>) target(%dma_start3A_217 : memref<16xf32, #tpu.memory_space<vmem>>) target_semaphore(%run_scoped3A_210 : memref<!tpu.dma_semaphore, #tpu.memory_space<semaphore_mem>>)
        %dma_wait3A_219 = arith.constant 0 : i32
        %dma_wait3A_220 = tpu.memref_slice %arg5[%run_scoped3A_147, %dma_wait3A_219] : memref<3x16xf32, #tpu.memory_space<vmem>> -> memref<1x16xf32, #tpu.memory_space<vmem>>
        %dma_wait3A_221 = tpu.memref_squeeze %dma_wait3A_220 : memref<1x16xf32, #tpu.memory_space<vmem>> -> memref<16xf32, #tpu.memory_space<vmem>>
        %dma_wait3A_222 = tpu.memref_slice %arg2[%add3A_146] : memref<393216xf32, #tpu.memory_space<hbm>> -> memref<16xf32, #tpu.memory_space<hbm>>
        %dma_wait3A_223 = arith.constant 0 : i32
        %dma_wait3A_224 = tpu.memref_slice %arg5[%run_scoped3A_147, %dma_wait3A_223] : memref<3x16xf32, #tpu.memory_space<vmem>> -> memref<1x16xf32, #tpu.memory_space<vmem>>
        %dma_wait3A_225 = tpu.memref_squeeze %dma_wait3A_224 : memref<1x16xf32, #tpu.memory_space<vmem>> -> memref<16xf32, #tpu.memory_space<vmem>>
        %dma_wait3A_226 = tpu.memref_slice %arg2[%add3A_146] : memref<393216xf32, #tpu.memory_space<hbm>> -> memref<16xf32, #tpu.memory_space<hbm>>
        tpu.wait_dma2 semaphore(%run_scoped3A_210 : memref<!tpu.dma_semaphore, #tpu.memory_space<semaphore_mem>>) src(%dma_wait3A_226 : memref<16xf32, #tpu.memory_space<hbm>>) dst(%dma_wait3A_225 : memref<16xf32, #tpu.memory_space<vmem>>)
        tpu.yield
      }) : () -> ()
      %add3A_148 = arith.constant 262144 : i32
      %add3A_149 = arith.addi %add3A_148, %add3A_141 : i32
      %run_scoped3A_150 = arith.constant 2 : i32
      "tpu.region"() ({
        %run_scoped3A_210 = tpu.sem_alloc : memref<!tpu.dma_semaphore, #tpu.memory_space<semaphore_mem>>
        %dma_start3A_211 = arith.constant 0 : i32
        %dma_start3A_212 = tpu.memref_slice %arg5[%run_scoped3A_150, %dma_start3A_211] : memref<3x16xf32, #tpu.memory_space<vmem>> -> memref<1x16xf32, #tpu.memory_space<vmem>>
        %dma_start3A_213 = tpu.memref_squeeze %dma_start3A_212 : memref<1x16xf32, #tpu.memory_space<vmem>> -> memref<16xf32, #tpu.memory_space<vmem>>
        %dma_start3A_214 = tpu.memref_slice %arg2[%add3A_149] : memref<393216xf32, #tpu.memory_space<hbm>> -> memref<16xf32, #tpu.memory_space<hbm>>
        %dma_start3A_215 = arith.constant 0 : i32
        %dma_start3A_216 = tpu.memref_slice %arg5[%run_scoped3A_150, %dma_start3A_215] : memref<3x16xf32, #tpu.memory_space<vmem>> -> memref<1x16xf32, #tpu.memory_space<vmem>>
        %dma_start3A_217 = tpu.memref_squeeze %dma_start3A_216 : memref<1x16xf32, #tpu.memory_space<vmem>> -> memref<16xf32, #tpu.memory_space<vmem>>
        %dma_start3A_218 = tpu.memref_slice %arg2[%add3A_149] : memref<393216xf32, #tpu.memory_space<hbm>> -> memref<16xf32, #tpu.memory_space<hbm>>
        tpu.enqueue_dma source(%dma_start3A_218 : memref<16xf32, #tpu.memory_space<hbm>>) target(%dma_start3A_217 : memref<16xf32, #tpu.memory_space<vmem>>) target_semaphore(%run_scoped3A_210 : memref<!tpu.dma_semaphore, #tpu.memory_space<semaphore_mem>>)
        %dma_wait3A_219 = arith.constant 0 : i32
        %dma_wait3A_220 = tpu.memref_slice %arg5[%run_scoped3A_150, %dma_wait3A_219] : memref<3x16xf32, #tpu.memory_space<vmem>> -> memref<1x16xf32, #tpu.memory_space<vmem>>
        %dma_wait3A_221 = tpu.memref_squeeze %dma_wait3A_220 : memref<1x16xf32, #tpu.memory_space<vmem>> -> memref<16xf32, #tpu.memory_space<vmem>>
        %dma_wait3A_222 = tpu.memref_slice %arg2[%add3A_149] : memref<393216xf32, #tpu.memory_space<hbm>> -> memref<16xf32, #tpu.memory_space<hbm>>
        %dma_wait3A_223 = arith.constant 0 : i32
        %dma_wait3A_224 = tpu.memref_slice %arg5[%run_scoped3A_150, %dma_wait3A_223] : memref<3x16xf32, #tpu.memory_space<vmem>> -> memref<1x16xf32, #tpu.memory_space<vmem>>
        %dma_wait3A_225 = tpu.memref_squeeze %dma_wait3A_224 : memref<1x16xf32, #tpu.memory_space<vmem>> -> memref<16xf32, #tpu.memory_space<vmem>>
        %dma_wait3A_226 = tpu.memref_slice %arg2[%add3A_149] : memref<393216xf32, #tpu.memory_space<hbm>> -> memref<16xf32, #tpu.memory_space<hbm>>
        tpu.wait_dma2 semaphore(%run_scoped3A_210 : memref<!tpu.dma_semaphore, #tpu.memory_space<semaphore_mem>>) src(%dma_wait3A_226 : memref<16xf32, #tpu.memory_space<hbm>>) dst(%dma_wait3A_225 : memref<16xf32, #tpu.memory_space<vmem>>)
        tpu.yield
      }) : () -> ()
      %get3A_151 = arith.constant 0 : i32
      %get3A_152 = arith.index_cast %get3A_151 : i32 to index
      %get3A_153 = arith.constant 0 : index
      %get3A_154 = tpu.vector_load %arg5[%get3A_152, %get3A_153] {strides = array<i32>} : memref<3x16xf32, #tpu.memory_space<vmem>>, vector<16xf32>,
      %get3A_155 = arith.constant 1 : i32
      %get3A_156 = arith.index_cast %get3A_155 : i32 to index
      %get3A_157 = arith.constant 0 : index
      %get3A_158 = tpu.vector_load %arg5[%get3A_156, %get3A_157] {strides = array<i32>} : memref<3x16xf32, #tpu.memory_space<vmem>>, vector<16xf32>,
      %get3A_159 = arith.constant 2 : i32
      %get3A_160 = arith.index_cast %get3A_159 : i32 to index
      %get3A_161 = arith.constant 0 : index
      %get3A_162 = tpu.vector_load %arg5[%get3A_160, %get3A_161] {strides = array<i32>} : memref<3x16xf32, #tpu.memory_space<vmem>>, vector<16xf32>,
      %scan3A_163 = arith.constant 0 : i32
      %scan3A_164 = arith.constant 0 : i32
      %scan3A_165 = arith.constant 16 : i32
      %scan3A_166 = arith.addi %scan3A_164, %scan3A_165 : i32
      %scan3A_167 = arith.constant 1 : i32
      scf.for %scan3A_210 = %scan3A_164 to %scan3A_166 step %scan3A_167  : i32 {
        %broadcast_in_dim3A_211 = vector.broadcast %scan3A_210 : i32 to vector<16x1xi32>
        %gather3A = vector.shape_cast %broadcast_in_dim3A_211 : vector<16x1xi32> to vector<16xi32>
        %gather3A_212 = tpu.dynamic_gather %select_n3A_96[%gather3A] in [0] : vector<16xf32>, vector<16xi32> -> vector<16xf32>
        %mul3A_213 = arith.mulf %get3A_154, %gather3A_212 : vector<16xf32>
        %mul3A_214 = arith.mulf %get3A_158, %gather3A_212 : vector<16xf32>
        %mul3A_215 = arith.mulf %get3A_162, %gather3A_212 : vector<16xf32>
        %convert_element_type3A_216 = arith.fptosi %mul3A_213 : vector<16xf32> to vector<16xi32>
        %convert_element_type3A_217 = arith.fptosi %mul3A_214 : vector<16xf32> to vector<16xi32>
        %convert_element_type3A_218 = arith.fptosi %mul3A_215 : vector<16xf32> to vector<16xi32>
        %convert_element_type3A_219 = arith.sitofp %convert_element_type3A_216 : vector<16xi32> to vector<16xf32>
        %sub3A = arith.subf %mul3A_213, %convert_element_type3A_219 : vector<16xf32>
        %convert_element_type3A_220 = arith.sitofp %convert_element_type3A_217 : vector<16xi32> to vector<16xf32>
        %sub3A_221 = arith.subf %mul3A_214, %convert_element_type3A_220 : vector<16xf32>
        %convert_element_type3A_222 = arith.sitofp %convert_element_type3A_218 : vector<16xi32> to vector<16xf32>
        %sub3A_223 = arith.subf %mul3A_215, %convert_element_type3A_222 : vector<16xf32>
        %sub3A_224 = arith.constant 1.000000e+00 : f32
        %sub3A_225 = vector.broadcast %sub3A_224 : f32 to vector<16xf32>
        %sub3A_226 = arith.subf %sub3A_225, %sub3A : vector<16xf32>
        %sub3A_227 = arith.constant 1.000000e+00 : f32
        %sub3A_228 = vector.broadcast %sub3A_227 : f32 to vector<16xf32>
        %sub3A_229 = arith.subf %sub3A_228, %sub3A_221 : vector<16xf32>
        %sub3A_230 = arith.constant 1.000000e+00 : f32
        %sub3A_231 = vector.broadcast %sub3A_230 : f32 to vector<16xf32>
        %sub3A_232 = arith.subf %sub3A_231, %sub3A_223 : vector<16xf32>
        %mul3A_233 = arith.constant -1640531535 : i32
        %mul3A_234 = vector.broadcast %mul3A_233 : i32 to vector<16xi32>
        %mul3A_235 = arith.muli %convert_element_type3A_217, %mul3A_234 : vector<16xi32>
        %mul3A_236 = arith.constant 805459861 : i32
        %mul3A_237 = vector.broadcast %mul3A_236 : i32 to vector<16xi32>
        %mul3A_238 = arith.muli %convert_element_type3A_218, %mul3A_237 : vector<16xi32>
        %add3A_239 = arith.constant 1 : i32
        %add3A_240 = vector.broadcast %add3A_239 : i32 to vector<16xi32>
        %add3A_241 = arith.addi %convert_element_type3A_216, %add3A_240 : vector<16xi32>
        %add3A_242 = arith.constant -1640531535 : i32
        %add3A_243 = vector.broadcast %add3A_242 : i32 to vector<16xi32>
        %add3A_244 = arith.addi %mul3A_235, %add3A_243 : vector<16xi32>
        %add3A_245 = arith.constant 805459861 : i32
        %add3A_246 = vector.broadcast %add3A_245 : i32 to vector<16xi32>
        %add3A_247 = arith.addi %mul3A_238, %add3A_246 : vector<16xi32>
        %mul3A_248 = arith.constant 131072 : i32
        %mul3A_249 = arith.muli %scan3A_210, %mul3A_248 : i32
        %mul3A_250 = arith.constant 128 : i32
        %mul3A_251 = vector.broadcast %mul3A_250 : i32 to vector<16xi32>
        %mul3A_252 = arith.muli %iota3A, %mul3A_251 : vector<16xi32>
        %add3A_253 = vector.broadcast %scan3A_210 : i32 to vector<16xi32>
        %add3A_254 = arith.addi %mul3A_252, %add3A_253 : vector<16xi32>
        %xor3A = arith.xori %convert_element_type3A_216, %mul3A_235 : vector<16xi32>
        %xor3A_255 = arith.xori %xor3A, %mul3A_238 : vector<16xi32>
        %and3A = arith.constant 524287 : i32
        %and3A_256 = vector.broadcast %and3A : i32 to vector<16xi32>
        %and3A_257 = arith.andi %xor3A_255, %and3A_256 : vector<16xi32>
        %mul3A_258 = arith.mulf %sub3A_226, %sub3A_229 : vector<16xf32>
        %mul3A_259 = arith.mulf %mul3A_258, %sub3A_232 : vector<16xf32>
        %shift_right_logical3A = arith.constant 7 : i32
        %shift_right_logical3A_260 = vector.broadcast %shift_right_logical3A : i32 to vector<16xi32>
        %shift_right_logical3A_261 = arith.shrui %and3A_257, %shift_right_logical3A_260 : vector<16xi32>
        %shift_left3A = arith.constant 5 : i32
        %shift_left3A_262 = vector.broadcast %shift_left3A : i32 to vector<16xi32>
        %shift_left3A_263 = arith.shli %shift_right_logical3A_261, %shift_left3A_262 : vector<16xi32>
        %shift_right_logical3A_264 = arith.constant 3 : i32
        %shift_right_logical3A_265 = vector.broadcast %shift_right_logical3A_264 : i32 to vector<16xi32>
        %shift_right_logical3A_266 = arith.shrui %and3A_257, %shift_right_logical3A_265 : vector<16xi32>
        %and3A_267 = arith.constant 15 : i32
        %and3A_268 = vector.broadcast %and3A_267 : i32 to vector<16xi32>
        %and3A_269 = arith.andi %shift_right_logical3A_266, %and3A_268 : vector<16xi32>
        %or3A = arith.ori %shift_left3A_263, %and3A_269 : vector<16xi32>
        %add3A_270 = vector.broadcast %mul3A_249 : i32 to vector<16xi32>
        %add3A_271 = arith.addi %or3A, %add3A_270 : vector<16xi32>
        %broadcast_in_dim3A_272 = arith.constant 0 : i32
        %broadcast_in_dim3A_273 = vector.broadcast %broadcast_in_dim3A_272 : i32 to vector<16xi32>
        %add3A_274 = vector.broadcast %scan3A_210 : i32 to vector<16xi32>
        %add3A_275 = arith.addi %broadcast_in_dim3A_273, %add3A_274 : vector<16xi32>
        %add3A_276 = arith.constant 0 : i32
        %add3A_277 = vector.broadcast %add3A_276 : i32 to vector<16xi32>
        %add3A_278 = arith.addi %add3A_254, %add3A_277 : vector<16xi32>
        tpu.vector_store_idx %arg13[%add3A_278], %add3A_271 : memref<2048xi32, #tpu.memory_space<vmem>>[vector<16xi32>], vector<16xi32>,
        %add3A_279 = arith.constant 16 : i32
        %add3A_280 = vector.broadcast %add3A_279 : i32 to vector<16xi32>
        %add3A_281 = arith.addi %add3A_271, %add3A_280 : vector<16xi32>
        tpu.vector_store_idx %arg14[%add3A_278], %add3A_281 : memref<2048xi32, #tpu.memory_space<vmem>>[vector<16xi32>], vector<16xi32>,
        %and3A_282 = arith.constant 7 : i32
        %and3A_283 = vector.broadcast %and3A_282 : i32 to vector<16xi32>
        %and3A_284 = arith.andi %and3A_257, %and3A_283 : vector<16xi32>
        tpu.vector_store_idx %arg15[%iota3A, %add3A_275], %and3A_284 : memref<16x128xi32, #tpu.memory_space<vmem>>[vector<16xi32>, vector<16xi32>], vector<16xi32>,
        tpu.vector_store_idx %arg16[%iota3A, %add3A_275], %mul3A_259 : memref<16x128xf32, #tpu.memory_space<vmem>>[vector<16xi32>, vector<16xi32>], vector<16xf32>,
        %xor3A_285 = arith.xori %convert_element_type3A_216, %mul3A_235 : vector<16xi32>
        %xor3A_286 = arith.xori %xor3A_285, %add3A_247 : vector<16xi32>
        %and3A_287 = arith.constant 524287 : i32
        %and3A_288 = vector.broadcast %and3A_287 : i32 to vector<16xi32>
        %and3A_289 = arith.andi %xor3A_286, %and3A_288 : vector<16xi32>
        %mul3A_290 = arith.mulf %sub3A_226, %sub3A_229 : vector<16xf32>
        %mul3A_291 = arith.mulf %mul3A_290, %sub3A_223 : vector<16xf32>
        %shift_right_logical3A_292 = arith.constant 7 : i32
        %shift_right_logical3A_293 = vector.broadcast %shift_right_logical3A_292 : i32 to vector<16xi32>
        %shift_right_logical3A_294 = arith.shrui %and3A_289, %shift_right_logical3A_293 : vector<16xi32>
        %shift_left3A_295 = arith.constant 5 : i32
        %shift_left3A_296 = vector.broadcast %shift_left3A_295 : i32 to vector<16xi32>
        %shift_left3A_297 = arith.shli %shift_right_logical3A_294, %shift_left3A_296 : vector<16xi32>
        %shift_right_logical3A_298 = arith.constant 3 : i32
        %shift_right_logical3A_299 = vector.broadcast %shift_right_logical3A_298 : i32 to vector<16xi32>
        %shift_right_logical3A_300 = arith.shrui %and3A_289, %shift_right_logical3A_299 : vector<16xi32>
        %and3A_301 = arith.constant 15 : i32
        %and3A_302 = vector.broadcast %and3A_301 : i32 to vector<16xi32>
        %and3A_303 = arith.andi %shift_right_logical3A_300, %and3A_302 : vector<16xi32>
        %or3A_304 = arith.ori %shift_left3A_297, %and3A_303 : vector<16xi32>
        %add3A_305 = vector.broadcast %mul3A_249 : i32 to vector<16xi32>
        %add3A_306 = arith.addi %or3A_304, %add3A_305 : vector<16xi32>
        %broadcast_in_dim3A_307 = arith.constant 16 : i32
        %broadcast_in_dim3A_308 = vector.broadcast %broadcast_in_dim3A_307 : i32 to vector<16xi32>
        %add3A_309 = vector.broadcast %scan3A_210 : i32 to vector<16xi32>
        %add3A_310 = arith.addi %broadcast_in_dim3A_308, %add3A_309 : vector<16xi32>
        %add3A_311 = arith.constant 16 : i32
        %add3A_312 = vector.broadcast %add3A_311 : i32 to vector<16xi32>
        %add3A_313 = arith.addi %add3A_254, %add3A_312 : vector<16xi32>
        tpu.vector_store_idx %arg13[%add3A_313], %add3A_306 : memref<2048xi32, #tpu.memory_space<vmem>>[vector<16xi32>], vector<16xi32>,
        %add3A_314 = arith.constant 16 : i32
        %add3A_315 = vector.broadcast %add3A_314 : i32 to vector<16xi32>
        %add3A_316 = arith.addi %add3A_306, %add3A_315 : vector<16xi32>
        tpu.vector_store_idx %arg14[%add3A_313], %add3A_316 : memref<2048xi32, #tpu.memory_space<vmem>>[vector<16xi32>], vector<16xi32>,
        %and3A_317 = arith.constant 7 : i32
        %and3A_318 = vector.broadcast %and3A_317 : i32 to vector<16xi32>
        %and3A_319 = arith.andi %and3A_289, %and3A_318 : vector<16xi32>
        tpu.vector_store_idx %arg15[%iota3A, %add3A_310], %and3A_319 : memref<16x128xi32, #tpu.memory_space<vmem>>[vector<16xi32>, vector<16xi32>], vector<16xi32>,
        tpu.vector_store_idx %arg16[%iota3A, %add3A_310], %mul3A_291 : memref<16x128xf32, #tpu.memory_space<vmem>>[vector<16xi32>, vector<16xi32>], vector<16xf32>,
        %xor3A_320 = arith.xori %convert_element_type3A_216, %add3A_244 : vector<16xi32>
        %xor3A_321 = arith.xori %xor3A_320, %mul3A_238 : vector<16xi32>
        %and3A_322 = arith.constant 524287 : i32
        %and3A_323 = vector.broadcast %and3A_322 : i32 to vector<16xi32>
        %and3A_324 = arith.andi %xor3A_321, %and3A_323 : vector<16xi32>
        %mul3A_325 = arith.mulf %sub3A_226, %sub3A_221 : vector<16xf32>
        %mul3A_326 = arith.mulf %mul3A_325, %sub3A_232 : vector<16xf32>
        %shift_right_logical3A_327 = arith.constant 7 : i32
        %shift_right_logical3A_328 = vector.broadcast %shift_right_logical3A_327 : i32 to vector<16xi32>
        %shift_right_logical3A_329 = arith.shrui %and3A_324, %shift_right_logical3A_328 : vector<16xi32>
        %shift_left3A_330 = arith.constant 5 : i32
        %shift_left3A_331 = vector.broadcast %shift_left3A_330 : i32 to vector<16xi32>
        %shift_left3A_332 = arith.shli %shift_right_logical3A_329, %shift_left3A_331 : vector<16xi32>
        %shift_right_logical3A_333 = arith.constant 3 : i32
        %shift_right_logical3A_334 = vector.broadcast %shift_right_logical3A_333 : i32 to vector<16xi32>
        %shift_right_logical3A_335 = arith.shrui %and3A_324, %shift_right_logical3A_334 : vector<16xi32>
        %and3A_336 = arith.constant 15 : i32
        %and3A_337 = vector.broadcast %and3A_336 : i32 to vector<16xi32>
        %and3A_338 = arith.andi %shift_right_logical3A_335, %and3A_337 : vector<16xi32>
        %or3A_339 = arith.ori %shift_left3A_332, %and3A_338 : vector<16xi32>
        %add3A_340 = vector.broadcast %mul3A_249 : i32 to vector<16xi32>
        %add3A_341 = arith.addi %or3A_339, %add3A_340 : vector<16xi32>
        %broadcast_in_dim3A_342 = arith.constant 32 : i32
        %broadcast_in_dim3A_343 = vector.broadcast %broadcast_in_dim3A_342 : i32 to vector<16xi32>
        %add3A_344 = vector.broadcast %scan3A_210 : i32 to vector<16xi32>
        %add3A_345 = arith.addi %broadcast_in_dim3A_343, %add3A_344 : vector<16xi32>
        %add3A_346 = arith.constant 32 : i32
        %add3A_347 = vector.broadcast %add3A_346 : i32 to vector<16xi32>
        %add3A_348 = arith.addi %add3A_254, %add3A_347 : vector<16xi32>
        tpu.vector_store_idx %arg13[%add3A_348], %add3A_341 : memref<2048xi32, #tpu.memory_space<vmem>>[vector<16xi32>], vector<16xi32>,
        %add3A_349 = arith.constant 16 : i32
        %add3A_350 = vector.broadcast %add3A_349 : i32 to vector<16xi32>
        %add3A_351 = arith.addi %add3A_341, %add3A_350 : vector<16xi32>
        tpu.vector_store_idx %arg14[%add3A_348], %add3A_351 : memref<2048xi32, #tpu.memory_space<vmem>>[vector<16xi32>], vector<16xi32>,
        %and3A_352 = arith.constant 7 : i32
        %and3A_353 = vector.broadcast %and3A_352 : i32 to vector<16xi32>
        %and3A_354 = arith.andi %and3A_324, %and3A_353 : vector<16xi32>
        tpu.vector_store_idx %arg15[%iota3A, %add3A_345], %and3A_354 : memref<16x128xi32, #tpu.memory_space<vmem>>[vector<16xi32>, vector<16xi32>], vector<16xi32>,
        tpu.vector_store_idx %arg16[%iota3A, %add3A_345], %mul3A_326 : memref<16x128xf32, #tpu.memory_space<vmem>>[vector<16xi32>, vector<16xi32>], vector<16xf32>,
        %xor3A_355 = arith.xori %convert_element_type3A_216, %add3A_244 : vector<16xi32>
        %xor3A_356 = arith.xori %xor3A_355, %add3A_247 : vector<16xi32>
        %and3A_357 = arith.constant 524287 : i32
        %and3A_358 = vector.broadcast %and3A_357 : i32 to vector<16xi32>
        %and3A_359 = arith.andi %xor3A_356, %and3A_358 : vector<16xi32>
        %mul3A_360 = arith.mulf %sub3A_226, %sub3A_221 : vector<16xf32>
        %mul3A_361 = arith.mulf %mul3A_360, %sub3A_223 : vector<16xf32>
        %shift_right_logical3A_362 = arith.constant 7 : i32
        %shift_right_logical3A_363 = vector.broadcast %shift_right_logical3A_362 : i32 to vector<16xi32>
        %shift_right_logical3A_364 = arith.shrui %and3A_359, %shift_right_logical3A_363 : vector<16xi32>
        %shift_left3A_365 = arith.constant 5 : i32
        %shift_left3A_366 = vector.broadcast %shift_left3A_365 : i32 to vector<16xi32>
        %shift_left3A_367 = arith.shli %shift_right_logical3A_364, %shift_left3A_366 : vector<16xi32>
        %shift_right_logical3A_368 = arith.constant 3 : i32
        %shift_right_logical3A_369 = vector.broadcast %shift_right_logical3A_368 : i32 to vector<16xi32>
        %shift_right_logical3A_370 = arith.shrui %and3A_359, %shift_right_logical3A_369 : vector<16xi32>
        %and3A_371 = arith.constant 15 : i32
        %and3A_372 = vector.broadcast %and3A_371 : i32 to vector<16xi32>
        %and3A_373 = arith.andi %shift_right_logical3A_370, %and3A_372 : vector<16xi32>
        %or3A_374 = arith.ori %shift_left3A_367, %and3A_373 : vector<16xi32>
        %add3A_375 = vector.broadcast %mul3A_249 : i32 to vector<16xi32>
        %add3A_376 = arith.addi %or3A_374, %add3A_375 : vector<16xi32>
        %broadcast_in_dim3A_377 = arith.constant 48 : i32
        %broadcast_in_dim3A_378 = vector.broadcast %broadcast_in_dim3A_377 : i32 to vector<16xi32>
        %add3A_379 = vector.broadcast %scan3A_210 : i32 to vector<16xi32>
        %add3A_380 = arith.addi %broadcast_in_dim3A_378, %add3A_379 : vector<16xi32>
        %add3A_381 = arith.constant 48 : i32
        %add3A_382 = vector.broadcast %add3A_381 : i32 to vector<16xi32>
        %add3A_383 = arith.addi %add3A_254, %add3A_382 : vector<16xi32>
        tpu.vector_store_idx %arg13[%add3A_383], %add3A_376 : memref<2048xi32, #tpu.memory_space<vmem>>[vector<16xi32>], vector<16xi32>,
        %add3A_384 = arith.constant 16 : i32
        %add3A_385 = vector.broadcast %add3A_384 : i32 to vector<16xi32>
        %add3A_386 = arith.addi %add3A_376, %add3A_385 : vector<16xi32>
        tpu.vector_store_idx %arg14[%add3A_383], %add3A_386 : memref<2048xi32, #tpu.memory_space<vmem>>[vector<16xi32>], vector<16xi32>,
        %and3A_387 = arith.constant 7 : i32
        %and3A_388 = vector.broadcast %and3A_387 : i32 to vector<16xi32>
        %and3A_389 = arith.andi %and3A_359, %and3A_388 : vector<16xi32>
        tpu.vector_store_idx %arg15[%iota3A, %add3A_380], %and3A_389 : memref<16x128xi32, #tpu.memory_space<vmem>>[vector<16xi32>, vector<16xi32>], vector<16xi32>,
        tpu.vector_store_idx %arg16[%iota3A, %add3A_380], %mul3A_361 : memref<16x128xf32, #tpu.memory_space<vmem>>[vector<16xi32>, vector<16xi32>], vector<16xf32>,
        %xor3A_390 = arith.xori %add3A_241, %mul3A_235 : vector<16xi32>
        %xor3A_391 = arith.xori %xor3A_390, %mul3A_238 : vector<16xi32>
        %and3A_392 = arith.constant 524287 : i32
        %and3A_393 = vector.broadcast %and3A_392 : i32 to vector<16xi32>
        %and3A_394 = arith.andi %xor3A_391, %and3A_393 : vector<16xi32>
        %mul3A_395 = arith.mulf %sub3A, %sub3A_229 : vector<16xf32>
        %mul3A_396 = arith.mulf %mul3A_395, %sub3A_232 : vector<16xf32>
        %shift_right_logical3A_397 = arith.constant 7 : i32
        %shift_right_logical3A_398 = vector.broadcast %shift_right_logical3A_397 : i32 to vector<16xi32>
        %shift_right_logical3A_399 = arith.shrui %and3A_394, %shift_right_logical3A_398 : vector<16xi32>
        %shift_left3A_400 = arith.constant 5 : i32
        %shift_left3A_401 = vector.broadcast %shift_left3A_400 : i32 to vector<16xi32>
        %shift_left3A_402 = arith.shli %shift_right_logical3A_399, %shift_left3A_401 : vector<16xi32>
        %shift_right_logical3A_403 = arith.constant 3 : i32
        %shift_right_logical3A_404 = vector.broadcast %shift_right_logical3A_403 : i32 to vector<16xi32>
        %shift_right_logical3A_405 = arith.shrui %and3A_394, %shift_right_logical3A_404 : vector<16xi32>
        %and3A_406 = arith.constant 15 : i32
        %and3A_407 = vector.broadcast %and3A_406 : i32 to vector<16xi32>
        %and3A_408 = arith.andi %shift_right_logical3A_405, %and3A_407 : vector<16xi32>
        %or3A_409 = arith.ori %shift_left3A_402, %and3A_408 : vector<16xi32>
        %add3A_410 = vector.broadcast %mul3A_249 : i32 to vector<16xi32>
        %add3A_411 = arith.addi %or3A_409, %add3A_410 : vector<16xi32>
        %broadcast_in_dim3A_412 = arith.constant 64 : i32
        %broadcast_in_dim3A_413 = vector.broadcast %broadcast_in_dim3A_412 : i32 to vector<16xi32>
        %add3A_414 = vector.broadcast %scan3A_210 : i32 to vector<16xi32>
        %add3A_415 = arith.addi %broadcast_in_dim3A_413, %add3A_414 : vector<16xi32>
        %add3A_416 = arith.constant 64 : i32
        %add3A_417 = vector.broadcast %add3A_416 : i32 to vector<16xi32>
        %add3A_418 = arith.addi %add3A_254, %add3A_417 : vector<16xi32>
        tpu.vector_store_idx %arg13[%add3A_418], %add3A_411 : memref<2048xi32, #tpu.memory_space<vmem>>[vector<16xi32>], vector<16xi32>,
        %add3A_419 = arith.constant 16 : i32
        %add3A_420 = vector.broadcast %add3A_419 : i32 to vector<16xi32>
        %add3A_421 = arith.addi %add3A_411, %add3A_420 : vector<16xi32>
        tpu.vector_store_idx %arg14[%add3A_418], %add3A_421 : memref<2048xi32, #tpu.memory_space<vmem>>[vector<16xi32>], vector<16xi32>,
        %and3A_422 = arith.constant 7 : i32
        %and3A_423 = vector.broadcast %and3A_422 : i32 to vector<16xi32>
        %and3A_424 = arith.andi %and3A_394, %and3A_423 : vector<16xi32>
        tpu.vector_store_idx %arg15[%iota3A, %add3A_415], %and3A_424 : memref<16x128xi32, #tpu.memory_space<vmem>>[vector<16xi32>, vector<16xi32>], vector<16xi32>,
        tpu.vector_store_idx %arg16[%iota3A, %add3A_415], %mul3A_396 : memref<16x128xf32, #tpu.memory_space<vmem>>[vector<16xi32>, vector<16xi32>], vector<16xf32>,
        %xor3A_425 = arith.xori %add3A_241, %mul3A_235 : vector<16xi32>
        %xor3A_426 = arith.xori %xor3A_425, %add3A_247 : vector<16xi32>
        %and3A_427 = arith.constant 524287 : i32
        %and3A_428 = vector.broadcast %and3A_427 : i32 to vector<16xi32>
        %and3A_429 = arith.andi %xor3A_426, %and3A_428 : vector<16xi32>
        %mul3A_430 = arith.mulf %sub3A, %sub3A_229 : vector<16xf32>
        %mul3A_431 = arith.mulf %mul3A_430, %sub3A_223 : vector<16xf32>
        %shift_right_logical3A_432 = arith.constant 7 : i32
        %shift_right_logical3A_433 = vector.broadcast %shift_right_logical3A_432 : i32 to vector<16xi32>
        %shift_right_logical3A_434 = arith.shrui %and3A_429, %shift_right_logical3A_433 : vector<16xi32>
        %shift_left3A_435 = arith.constant 5 : i32
        %shift_left3A_436 = vector.broadcast %shift_left3A_435 : i32 to vector<16xi32>
        %shift_left3A_437 = arith.shli %shift_right_logical3A_434, %shift_left3A_436 : vector<16xi32>
        %shift_right_logical3A_438 = arith.constant 3 : i32
        %shift_right_logical3A_439 = vector.broadcast %shift_right_logical3A_438 : i32 to vector<16xi32>
        %shift_right_logical3A_440 = arith.shrui %and3A_429, %shift_right_logical3A_439 : vector<16xi32>
        %and3A_441 = arith.constant 15 : i32
        %and3A_442 = vector.broadcast %and3A_441 : i32 to vector<16xi32>
        %and3A_443 = arith.andi %shift_right_logical3A_440, %and3A_442 : vector<16xi32>
        %or3A_444 = arith.ori %shift_left3A_437, %and3A_443 : vector<16xi32>
        %add3A_445 = vector.broadcast %mul3A_249 : i32 to vector<16xi32>
        %add3A_446 = arith.addi %or3A_444, %add3A_445 : vector<16xi32>
        %broadcast_in_dim3A_447 = arith.constant 80 : i32
        %broadcast_in_dim3A_448 = vector.broadcast %broadcast_in_dim3A_447 : i32 to vector<16xi32>
        %add3A_449 = vector.broadcast %scan3A_210 : i32 to vector<16xi32>
        %add3A_450 = arith.addi %broadcast_in_dim3A_448, %add3A_449 : vector<16xi32>
        %add3A_451 = arith.constant 80 : i32
        %add3A_452 = vector.broadcast %add3A_451 : i32 to vector<16xi32>
        %add3A_453 = arith.addi %add3A_254, %add3A_452 : vector<16xi32>
        tpu.vector_store_idx %arg13[%add3A_453], %add3A_446 : memref<2048xi32, #tpu.memory_space<vmem>>[vector<16xi32>], vector<16xi32>,
        %add3A_454 = arith.constant 16 : i32
        %add3A_455 = vector.broadcast %add3A_454 : i32 to vector<16xi32>
        %add3A_456 = arith.addi %add3A_446, %add3A_455 : vector<16xi32>
        tpu.vector_store_idx %arg14[%add3A_453], %add3A_456 : memref<2048xi32, #tpu.memory_space<vmem>>[vector<16xi32>], vector<16xi32>,
        %and3A_457 = arith.constant 7 : i32
        %and3A_458 = vector.broadcast %and3A_457 : i32 to vector<16xi32>
        %and3A_459 = arith.andi %and3A_429, %and3A_458 : vector<16xi32>
        tpu.vector_store_idx %arg15[%iota3A, %add3A_450], %and3A_459 : memref<16x128xi32, #tpu.memory_space<vmem>>[vector<16xi32>, vector<16xi32>], vector<16xi32>,
        tpu.vector_store_idx %arg16[%iota3A, %add3A_450], %mul3A_431 : memref<16x128xf32, #tpu.memory_space<vmem>>[vector<16xi32>, vector<16xi32>], vector<16xf32>,
        %xor3A_460 = arith.xori %add3A_241, %add3A_244 : vector<16xi32>
        %xor3A_461 = arith.xori %xor3A_460, %mul3A_238 : vector<16xi32>
        %and3A_462 = arith.constant 524287 : i32
        %and3A_463 = vector.broadcast %and3A_462 : i32 to vector<16xi32>
        %and3A_464 = arith.andi %xor3A_461, %and3A_463 : vector<16xi32>
        %mul3A_465 = arith.mulf %sub3A, %sub3A_221 : vector<16xf32>
        %mul3A_466 = arith.mulf %mul3A_465, %sub3A_232 : vector<16xf32>
        %shift_right_logical3A_467 = arith.constant 7 : i32
        %shift_right_logical3A_468 = vector.broadcast %shift_right_logical3A_467 : i32 to vector<16xi32>
        %shift_right_logical3A_469 = arith.shrui %and3A_464, %shift_right_logical3A_468 : vector<16xi32>
        %shift_left3A_470 = arith.constant 5 : i32
        %shift_left3A_471 = vector.broadcast %shift_left3A_470 : i32 to vector<16xi32>
        %shift_left3A_472 = arith.shli %shift_right_logical3A_469, %shift_left3A_471 : vector<16xi32>
        %shift_right_logical3A_473 = arith.constant 3 : i32
        %shift_right_logical3A_474 = vector.broadcast %shift_right_logical3A_473 : i32 to vector<16xi32>
        %shift_right_logical3A_475 = arith.shrui %and3A_464, %shift_right_logical3A_474 : vector<16xi32>
        %and3A_476 = arith.constant 15 : i32
        %and3A_477 = vector.broadcast %and3A_476 : i32 to vector<16xi32>
        %and3A_478 = arith.andi %shift_right_logical3A_475, %and3A_477 : vector<16xi32>
        %or3A_479 = arith.ori %shift_left3A_472, %and3A_478 : vector<16xi32>
        %add3A_480 = vector.broadcast %mul3A_249 : i32 to vector<16xi32>
        %add3A_481 = arith.addi %or3A_479, %add3A_480 : vector<16xi32>
        %broadcast_in_dim3A_482 = arith.constant 96 : i32
        %broadcast_in_dim3A_483 = vector.broadcast %broadcast_in_dim3A_482 : i32 to vector<16xi32>
        %add3A_484 = vector.broadcast %scan3A_210 : i32 to vector<16xi32>
        %add3A_485 = arith.addi %broadcast_in_dim3A_483, %add3A_484 : vector<16xi32>
        %add3A_486 = arith.constant 96 : i32
        %add3A_487 = vector.broadcast %add3A_486 : i32 to vector<16xi32>
        %add3A_488 = arith.addi %add3A_254, %add3A_487 : vector<16xi32>
        tpu.vector_store_idx %arg13[%add3A_488], %add3A_481 : memref<2048xi32, #tpu.memory_space<vmem>>[vector<16xi32>], vector<16xi32>,
        %add3A_489 = arith.constant 16 : i32
        %add3A_490 = vector.broadcast %add3A_489 : i32 to vector<16xi32>
        %add3A_491 = arith.addi %add3A_481, %add3A_490 : vector<16xi32>
        tpu.vector_store_idx %arg14[%add3A_488], %add3A_491 : memref<2048xi32, #tpu.memory_space<vmem>>[vector<16xi32>], vector<16xi32>,
        %and3A_492 = arith.constant 7 : i32
        %and3A_493 = vector.broadcast %and3A_492 : i32 to vector<16xi32>
        %and3A_494 = arith.andi %and3A_464, %and3A_493 : vector<16xi32>
        tpu.vector_store_idx %arg15[%iota3A, %add3A_485], %and3A_494 : memref<16x128xi32, #tpu.memory_space<vmem>>[vector<16xi32>, vector<16xi32>], vector<16xi32>,
        tpu.vector_store_idx %arg16[%iota3A, %add3A_485], %mul3A_466 : memref<16x128xf32, #tpu.memory_space<vmem>>[vector<16xi32>, vector<16xi32>], vector<16xf32>,
        %xor3A_495 = arith.xori %add3A_241, %add3A_244 : vector<16xi32>
        %xor3A_496 = arith.xori %xor3A_495, %add3A_247 : vector<16xi32>
        %and3A_497 = arith.constant 524287 : i32
        %and3A_498 = vector.broadcast %and3A_497 : i32 to vector<16xi32>
        %and3A_499 = arith.andi %xor3A_496, %and3A_498 : vector<16xi32>
        %mul3A_500 = arith.mulf %sub3A, %sub3A_221 : vector<16xf32>
        %mul3A_501 = arith.mulf %mul3A_500, %sub3A_223 : vector<16xf32>
        %shift_right_logical3A_502 = arith.constant 7 : i32
        %shift_right_logical3A_503 = vector.broadcast %shift_right_logical3A_502 : i32 to vector<16xi32>
        %shift_right_logical3A_504 = arith.shrui %and3A_499, %shift_right_logical3A_503 : vector<16xi32>
        %shift_left3A_505 = arith.constant 5 : i32
        %shift_left3A_506 = vector.broadcast %shift_left3A_505 : i32 to vector<16xi32>
        %shift_left3A_507 = arith.shli %shift_right_logical3A_504, %shift_left3A_506 : vector<16xi32>
        %shift_right_logical3A_508 = arith.constant 3 : i32
        %shift_right_logical3A_509 = vector.broadcast %shift_right_logical3A_508 : i32 to vector<16xi32>
        %shift_right_logical3A_510 = arith.shrui %and3A_499, %shift_right_logical3A_509 : vector<16xi32>
        %and3A_511 = arith.constant 15 : i32
        %and3A_512 = vector.broadcast %and3A_511 : i32 to vector<16xi32>
        %and3A_513 = arith.andi %shift_right_logical3A_510, %and3A_512 : vector<16xi32>
        %or3A_514 = arith.ori %shift_left3A_507, %and3A_513 : vector<16xi32>
        %add3A_515 = vector.broadcast %mul3A_249 : i32 to vector<16xi32>
        %add3A_516 = arith.addi %or3A_514, %add3A_515 : vector<16xi32>
        %broadcast_in_dim3A_517 = arith.constant 112 : i32
        %broadcast_in_dim3A_518 = vector.broadcast %broadcast_in_dim3A_517 : i32 to vector<16xi32>
        %add3A_519 = vector.broadcast %scan3A_210 : i32 to vector<16xi32>
        %add3A_520 = arith.addi %broadcast_in_dim3A_518, %add3A_519 : vector<16xi32>
        %add3A_521 = arith.constant 112 : i32
        %add3A_522 = vector.broadcast %add3A_521 : i32 to vector<16xi32>
        %add3A_523 = arith.addi %add3A_254, %add3A_522 : vector<16xi32>
        tpu.vector_store_idx %arg13[%add3A_523], %add3A_516 : memref<2048xi32, #tpu.memory_space<vmem>>[vector<16xi32>], vector<16xi32>,
        %add3A_524 = arith.constant 16 : i32
        %add3A_525 = vector.broadcast %add3A_524 : i32 to vector<16xi32>
        %add3A_526 = arith.addi %add3A_516, %add3A_525 : vector<16xi32>
        tpu.vector_store_idx %arg14[%add3A_523], %add3A_526 : memref<2048xi32, #tpu.memory_space<vmem>>[vector<16xi32>], vector<16xi32>,
        %and3A_527 = arith.constant 7 : i32
        %and3A_528 = vector.broadcast %and3A_527 : i32 to vector<16xi32>
        %and3A_529 = arith.andi %and3A_499, %and3A_528 : vector<16xi32>
        tpu.vector_store_idx %arg15[%iota3A, %add3A_520], %and3A_529 : memref<16x128xi32, #tpu.memory_space<vmem>>[vector<16xi32>, vector<16xi32>], vector<16xi32>,
        tpu.vector_store_idx %arg16[%iota3A, %add3A_520], %mul3A_501 : memref<16x128xf32, #tpu.memory_space<vmem>>[vector<16xi32>, vector<16xi32>], vector<16xf32>,
      }
      %scan3A_168 = arith.constant 16 : i32
      %dma_start3A_169 = arith.constant 0 : i32
      %dma_start3A_170 = arith.constant 0 : i32
      %dma_start3A_171 = tpu.memref_slice %arg3[%dma_start3A_169, %dma_start3A_170] : memref<2097152x8xf32, #tpu.memory_space<hbm>> -> memref<2097152x8xf32, #tpu.memory_space<hbm>>
      tpu.enqueue_indirect_dma source(%dma_start3A_171 : memref<2097152x8xf32, #tpu.memory_space<hbm>>) target(%arg17 : memref<2048x8xf32, #tpu.memory_space<vmem>>) offsets(%arg13 : memref<2048xi32, #tpu.memory_space<vmem>>) semaphore(%arg21 : memref<!tpu.dma_semaphore, #tpu.memory_space<semaphore_mem>>)
      %dma_start3A_172 = arith.constant 0 : i32
      %dma_start3A_173 = arith.constant 0 : i32
      %dma_start3A_174 = tpu.memref_slice %arg3[%dma_start3A_172, %dma_start3A_173] : memref<2097152x8xf32, #tpu.memory_space<hbm>> -> memref<2097152x8xf32, #tpu.memory_space<hbm>>
      tpu.enqueue_indirect_dma source(%dma_start3A_174 : memref<2097152x8xf32, #tpu.memory_space<hbm>>) target(%arg18 : memref<2048x8xf32, #tpu.memory_space<vmem>>) offsets(%arg14 : memref<2048xi32, #tpu.memory_space<vmem>>) semaphore(%arg21 : memref<!tpu.dma_semaphore, #tpu.memory_space<semaphore_mem>>)
      %dma_wait3A = arith.constant 0 : i32
      %dma_wait3A_175 = arith.constant 0 : i32
      %dma_wait3A_176 = tpu.memref_slice %arg3[%dma_wait3A, %dma_wait3A_175] : memref<2097152x8xf32, #tpu.memory_space<hbm>> -> memref<2097152x8xf32, #tpu.memory_space<hbm>>
      tpu.wait_indirect_dma semaphore(%arg20 : memref<!tpu.dma_semaphore, #tpu.memory_space<semaphore_mem>>) src(%dma_wait3A_176 : memref<2097152x8xf32, #tpu.memory_space<hbm>>) dst(%arg10 : memref<2048x8xf32, #tpu.memory_space<vmem>>)
      %dma_wait3A_177 = arith.constant 0 : i32
      %dma_wait3A_178 = arith.constant 0 : i32
      %dma_wait3A_179 = tpu.memref_slice %arg3[%dma_wait3A_177, %dma_wait3A_178] : memref<2097152x8xf32, #tpu.memory_space<hbm>> -> memref<2097152x8xf32, #tpu.memory_space<hbm>>
      tpu.wait_indirect_dma semaphore(%arg20 : memref<!tpu.dma_semaphore, #tpu.memory_space<semaphore_mem>>) src(%dma_wait3A_179 : memref<2097152x8xf32, #tpu.memory_space<hbm>>) dst(%arg11 : memref<2048x8xf32, #tpu.memory_space<vmem>>)
      %scan3A_180 = arith.constant 0 : i32
      %scan3A_181 = arith.constant 0 : i32
      %scan3A_182 = arith.constant 16 : i32
      %scan3A_183 = arith.addi %scan3A_181, %scan3A_182 : i32
      %scan3A_184 = arith.constant 1 : i32
      scf.for %scan3A_210 = %scan3A_181 to %scan3A_183 step %scan3A_184  : i32 {
        %broadcast_in_dim3A_211 = arith.constant 0.000000e+00 : f32
        %broadcast_in_dim3A_212 = vector.broadcast %broadcast_in_dim3A_211 : f32 to vector<16xf32>
        %broadcast_in_dim3A_213 = arith.constant 0.000000e+00 : f32
        %broadcast_in_dim3A_214 = vector.broadcast %broadcast_in_dim3A_213 : f32 to vector<16xf32>
        %broadcast_in_dim3A_215 = arith.constant 0 : i32
        %broadcast_in_dim3A_216 = vector.broadcast %broadcast_in_dim3A_215 : i32 to vector<16xi32>
        %add3A_217 = vector.broadcast %scan3A_210 : i32 to vector<16xi32>
        %add3A_218 = arith.addi %broadcast_in_dim3A_216, %add3A_217 : vector<16xi32>
        %mul3A_219 = arith.constant 128 : i32
        %mul3A_220 = vector.broadcast %mul3A_219 : i32 to vector<16xi32>
        %mul3A_221 = arith.muli %iota3A, %mul3A_220 : vector<16xi32>
        %add3A_222 = arith.addi %mul3A_221, %add3A_218 : vector<16xi32>
        %gather3A = tpu.vector_load_idx %arg9[%iota3A, %add3A_218] : memref<16x128xf32, #tpu.memory_space<vmem>>[vector<16xi32>, vector<16xi32>], vector<16xf32>,
        %gather3A_223 = tpu.vector_load_idx %arg8[%iota3A, %add3A_218] : memref<16x128xi32, #tpu.memory_space<vmem>>[vector<16xi32>, vector<16xi32>], vector<16xi32>,
        %gather3A_224 = tpu.vector_load_idx %arg10[%add3A_222, %gather3A_223] : memref<2048x8xf32, #tpu.memory_space<vmem>>[vector<16xi32>, vector<16xi32>], vector<16xf32>,
        %gather3A_225 = tpu.vector_load_idx %arg11[%add3A_222, %gather3A_223] : memref<2048x8xf32, #tpu.memory_space<vmem>>[vector<16xi32>, vector<16xi32>], vector<16xf32>,
        %mul3A_226 = arith.mulf %gather3A_224, %gather3A : vector<16xf32>
        %add3A_227 = arith.addf %broadcast_in_dim3A_212, %mul3A_226 : vector<16xf32>
        %mul3A_228 = arith.mulf %gather3A_225, %gather3A : vector<16xf32>
        %add3A_229 = arith.addf %broadcast_in_dim3A_214, %mul3A_228 : vector<16xf32>
        %broadcast_in_dim3A_230 = arith.constant 16 : i32
        %broadcast_in_dim3A_231 = vector.broadcast %broadcast_in_dim3A_230 : i32 to vector<16xi32>
        %add3A_232 = vector.broadcast %scan3A_210 : i32 to vector<16xi32>
        %add3A_233 = arith.addi %broadcast_in_dim3A_231, %add3A_232 : vector<16xi32>
        %mul3A_234 = arith.constant 128 : i32
        %mul3A_235 = vector.broadcast %mul3A_234 : i32 to vector<16xi32>
        %mul3A_236 = arith.muli %iota3A, %mul3A_235 : vector<16xi32>
        %add3A_237 = arith.addi %mul3A_236, %add3A_233 : vector<16xi32>
        %gather3A_238 = tpu.vector_load_idx %arg9[%iota3A, %add3A_233] : memref<16x128xf32, #tpu.memory_space<vmem>>[vector<16xi32>, vector<16xi32>], vector<16xf32>,
        %gather3A_239 = tpu.vector_load_idx %arg8[%iota3A, %add3A_233] : memref<16x128xi32, #tpu.memory_space<vmem>>[vector<16xi32>, vector<16xi32>], vector<16xi32>,
        %gather3A_240 = tpu.vector_load_idx %arg10[%add3A_237, %gather3A_239] : memref<2048x8xf32, #tpu.memory_space<vmem>>[vector<16xi32>, vector<16xi32>], vector<16xf32>,
        %gather3A_241 = tpu.vector_load_idx %arg11[%add3A_237, %gather3A_239] : memref<2048x8xf32, #tpu.memory_space<vmem>>[vector<16xi32>, vector<16xi32>], vector<16xf32>,
        %mul3A_242 = arith.mulf %gather3A_240, %gather3A_238 : vector<16xf32>
        %add3A_243 = arith.addf %add3A_227, %mul3A_242 : vector<16xf32>
        %mul3A_244 = arith.mulf %gather3A_241, %gather3A_238 : vector<16xf32>
        %add3A_245 = arith.addf %add3A_229, %mul3A_244 : vector<16xf32>
        %broadcast_in_dim3A_246 = arith.constant 32 : i32
        %broadcast_in_dim3A_247 = vector.broadcast %broadcast_in_dim3A_246 : i32 to vector<16xi32>
        %add3A_248 = vector.broadcast %scan3A_210 : i32 to vector<16xi32>
        %add3A_249 = arith.addi %broadcast_in_dim3A_247, %add3A_248 : vector<16xi32>
        %mul3A_250 = arith.constant 128 : i32
        %mul3A_251 = vector.broadcast %mul3A_250 : i32 to vector<16xi32>
        %mul3A_252 = arith.muli %iota3A, %mul3A_251 : vector<16xi32>
        %add3A_253 = arith.addi %mul3A_252, %add3A_249 : vector<16xi32>
        %gather3A_254 = tpu.vector_load_idx %arg9[%iota3A, %add3A_249] : memref<16x128xf32, #tpu.memory_space<vmem>>[vector<16xi32>, vector<16xi32>], vector<16xf32>,
        %gather3A_255 = tpu.vector_load_idx %arg8[%iota3A, %add3A_249] : memref<16x128xi32, #tpu.memory_space<vmem>>[vector<16xi32>, vector<16xi32>], vector<16xi32>,
        %gather3A_256 = tpu.vector_load_idx %arg10[%add3A_253, %gather3A_255] : memref<2048x8xf32, #tpu.memory_space<vmem>>[vector<16xi32>, vector<16xi32>], vector<16xf32>,
        %gather3A_257 = tpu.vector_load_idx %arg11[%add3A_253, %gather3A_255] : memref<2048x8xf32, #tpu.memory_space<vmem>>[vector<16xi32>, vector<16xi32>], vector<16xf32>,
        %mul3A_258 = arith.mulf %gather3A_256, %gather3A_254 : vector<16xf32>
        %add3A_259 = arith.addf %add3A_243, %mul3A_258 : vector<16xf32>
        %mul3A_260 = arith.mulf %gather3A_257, %gather3A_254 : vector<16xf32>
        %add3A_261 = arith.addf %add3A_245, %mul3A_260 : vector<16xf32>
        %broadcast_in_dim3A_262 = arith.constant 48 : i32
        %broadcast_in_dim3A_263 = vector.broadcast %broadcast_in_dim3A_262 : i32 to vector<16xi32>
        %add3A_264 = vector.broadcast %scan3A_210 : i32 to vector<16xi32>
        %add3A_265 = arith.addi %broadcast_in_dim3A_263, %add3A_264 : vector<16xi32>
        %mul3A_266 = arith.constant 128 : i32
        %mul3A_267 = vector.broadcast %mul3A_266 : i32 to vector<16xi32>
        %mul3A_268 = arith.muli %iota3A, %mul3A_267 : vector<16xi32>
        %add3A_269 = arith.addi %mul3A_268, %add3A_265 : vector<16xi32>
        %gather3A_270 = tpu.vector_load_idx %arg9[%iota3A, %add3A_265] : memref<16x128xf32, #tpu.memory_space<vmem>>[vector<16xi32>, vector<16xi32>], vector<16xf32>,
        %gather3A_271 = tpu.vector_load_idx %arg8[%iota3A, %add3A_265] : memref<16x128xi32, #tpu.memory_space<vmem>>[vector<16xi32>, vector<16xi32>], vector<16xi32>,
        %gather3A_272 = tpu.vector_load_idx %arg10[%add3A_269, %gather3A_271] : memref<2048x8xf32, #tpu.memory_space<vmem>>[vector<16xi32>, vector<16xi32>], vector<16xf32>,
        %gather3A_273 = tpu.vector_load_idx %arg11[%add3A_269, %gather3A_271] : memref<2048x8xf32, #tpu.memory_space<vmem>>[vector<16xi32>, vector<16xi32>], vector<16xf32>,
        %mul3A_274 = arith.mulf %gather3A_272, %gather3A_270 : vector<16xf32>
        %add3A_275 = arith.addf %add3A_259, %mul3A_274 : vector<16xf32>
        %mul3A_276 = arith.mulf %gather3A_273, %gather3A_270 : vector<16xf32>
        %add3A_277 = arith.addf %add3A_261, %mul3A_276 : vector<16xf32>
        %broadcast_in_dim3A_278 = arith.constant 64 : i32
        %broadcast_in_dim3A_279 = vector.broadcast %broadcast_in_dim3A_278 : i32 to vector<16xi32>
        %add3A_280 = vector.broadcast %scan3A_210 : i32 to vector<16xi32>
        %add3A_281 = arith.addi %broadcast_in_dim3A_279, %add3A_280 : vector<16xi32>
        %mul3A_282 = arith.constant 128 : i32
        %mul3A_283 = vector.broadcast %mul3A_282 : i32 to vector<16xi32>
        %mul3A_284 = arith.muli %iota3A, %mul3A_283 : vector<16xi32>
        %add3A_285 = arith.addi %mul3A_284, %add3A_281 : vector<16xi32>
        %gather3A_286 = tpu.vector_load_idx %arg9[%iota3A, %add3A_281] : memref<16x128xf32, #tpu.memory_space<vmem>>[vector<16xi32>, vector<16xi32>], vector<16xf32>,
        %gather3A_287 = tpu.vector_load_idx %arg8[%iota3A, %add3A_281] : memref<16x128xi32, #tpu.memory_space<vmem>>[vector<16xi32>, vector<16xi32>], vector<16xi32>,
        %gather3A_288 = tpu.vector_load_idx %arg10[%add3A_285, %gather3A_287] : memref<2048x8xf32, #tpu.memory_space<vmem>>[vector<16xi32>, vector<16xi32>], vector<16xf32>,
        %gather3A_289 = tpu.vector_load_idx %arg11[%add3A_285, %gather3A_287] : memref<2048x8xf32, #tpu.memory_space<vmem>>[vector<16xi32>, vector<16xi32>], vector<16xf32>,
        %mul3A_290 = arith.mulf %gather3A_288, %gather3A_286 : vector<16xf32>
        %add3A_291 = arith.addf %add3A_275, %mul3A_290 : vector<16xf32>
        %mul3A_292 = arith.mulf %gather3A_289, %gather3A_286 : vector<16xf32>
        %add3A_293 = arith.addf %add3A_277, %mul3A_292 : vector<16xf32>
        %broadcast_in_dim3A_294 = arith.constant 80 : i32
        %broadcast_in_dim3A_295 = vector.broadcast %broadcast_in_dim3A_294 : i32 to vector<16xi32>
        %add3A_296 = vector.broadcast %scan3A_210 : i32 to vector<16xi32>
        %add3A_297 = arith.addi %broadcast_in_dim3A_295, %add3A_296 : vector<16xi32>
        %mul3A_298 = arith.constant 128 : i32
        %mul3A_299 = vector.broadcast %mul3A_298 : i32 to vector<16xi32>
        %mul3A_300 = arith.muli %iota3A, %mul3A_299 : vector<16xi32>
        %add3A_301 = arith.addi %mul3A_300, %add3A_297 : vector<16xi32>
        %gather3A_302 = tpu.vector_load_idx %arg9[%iota3A, %add3A_297] : memref<16x128xf32, #tpu.memory_space<vmem>>[vector<16xi32>, vector<16xi32>], vector<16xf32>,
        %gather3A_303 = tpu.vector_load_idx %arg8[%iota3A, %add3A_297] : memref<16x128xi32, #tpu.memory_space<vmem>>[vector<16xi32>, vector<16xi32>], vector<16xi32>,
        %gather3A_304 = tpu.vector_load_idx %arg10[%add3A_301, %gather3A_303] : memref<2048x8xf32, #tpu.memory_space<vmem>>[vector<16xi32>, vector<16xi32>], vector<16xf32>,
        %gather3A_305 = tpu.vector_load_idx %arg11[%add3A_301, %gather3A_303] : memref<2048x8xf32, #tpu.memory_space<vmem>>[vector<16xi32>, vector<16xi32>], vector<16xf32>,
        %mul3A_306 = arith.mulf %gather3A_304, %gather3A_302 : vector<16xf32>
        %add3A_307 = arith.addf %add3A_291, %mul3A_306 : vector<16xf32>
        %mul3A_308 = arith.mulf %gather3A_305, %gather3A_302 : vector<16xf32>
        %add3A_309 = arith.addf %add3A_293, %mul3A_308 : vector<16xf32>
        %broadcast_in_dim3A_310 = arith.constant 96 : i32
        %broadcast_in_dim3A_311 = vector.broadcast %broadcast_in_dim3A_310 : i32 to vector<16xi32>
        %add3A_312 = vector.broadcast %scan3A_210 : i32 to vector<16xi32>
        %add3A_313 = arith.addi %broadcast_in_dim3A_311, %add3A_312 : vector<16xi32>
        %mul3A_314 = arith.constant 128 : i32
        %mul3A_315 = vector.broadcast %mul3A_314 : i32 to vector<16xi32>
        %mul3A_316 = arith.muli %iota3A, %mul3A_315 : vector<16xi32>
        %add3A_317 = arith.addi %mul3A_316, %add3A_313 : vector<16xi32>
        %gather3A_318 = tpu.vector_load_idx %arg9[%iota3A, %add3A_313] : memref<16x128xf32, #tpu.memory_space<vmem>>[vector<16xi32>, vector<16xi32>], vector<16xf32>,
        %gather3A_319 = tpu.vector_load_idx %arg8[%iota3A, %add3A_313] : memref<16x128xi32, #tpu.memory_space<vmem>>[vector<16xi32>, vector<16xi32>], vector<16xi32>,
        %gather3A_320 = tpu.vector_load_idx %arg10[%add3A_317, %gather3A_319] : memref<2048x8xf32, #tpu.memory_space<vmem>>[vector<16xi32>, vector<16xi32>], vector<16xf32>,
        %gather3A_321 = tpu.vector_load_idx %arg11[%add3A_317, %gather3A_319] : memref<2048x8xf32, #tpu.memory_space<vmem>>[vector<16xi32>, vector<16xi32>], vector<16xf32>,
        %mul3A_322 = arith.mulf %gather3A_320, %gather3A_318 : vector<16xf32>
        %add3A_323 = arith.addf %add3A_307, %mul3A_322 : vector<16xf32>
        %mul3A_324 = arith.mulf %gather3A_321, %gather3A_318 : vector<16xf32>
        %add3A_325 = arith.addf %add3A_309, %mul3A_324 : vector<16xf32>
        %broadcast_in_dim3A_326 = arith.constant 112 : i32
        %broadcast_in_dim3A_327 = vector.broadcast %broadcast_in_dim3A_326 : i32 to vector<16xi32>
        %add3A_328 = vector.broadcast %scan3A_210 : i32 to vector<16xi32>
        %add3A_329 = arith.addi %broadcast_in_dim3A_327, %add3A_328 : vector<16xi32>
        %mul3A_330 = arith.constant 128 : i32
        %mul3A_331 = vector.broadcast %mul3A_330 : i32 to vector<16xi32>
        %mul3A_332 = arith.muli %iota3A, %mul3A_331 : vector<16xi32>
        %add3A_333 = arith.addi %mul3A_332, %add3A_329 : vector<16xi32>
        %gather3A_334 = tpu.vector_load_idx %arg9[%iota3A, %add3A_329] : memref<16x128xf32, #tpu.memory_space<vmem>>[vector<16xi32>, vector<16xi32>], vector<16xf32>,
        %gather3A_335 = tpu.vector_load_idx %arg8[%iota3A, %add3A_329] : memref<16x128xi32, #tpu.memory_space<vmem>>[vector<16xi32>, vector<16xi32>], vector<16xi32>,
        %gather3A_336 = tpu.vector_load_idx %arg10[%add3A_333, %gather3A_335] : memref<2048x8xf32, #tpu.memory_space<vmem>>[vector<16xi32>, vector<16xi32>], vector<16xf32>,
        %gather3A_337 = tpu.vector_load_idx %arg11[%add3A_333, %gather3A_335] : memref<2048x8xf32, #tpu.memory_space<vmem>>[vector<16xi32>, vector<16xi32>], vector<16xf32>,
        %mul3A_338 = arith.mulf %gather3A_336, %gather3A_334 : vector<16xf32>
        %add3A_339 = arith.addf %add3A_323, %mul3A_338 : vector<16xf32>
        %mul3A_340 = arith.mulf %gather3A_337, %gather3A_334 : vector<16xf32>
        %add3A_341 = arith.addf %add3A_325, %mul3A_340 : vector<16xf32>
        %broadcast_in_dim3A_342 = arith.constant 2 : i32
        %broadcast_in_dim3A_343 = vector.broadcast %broadcast_in_dim3A_342 : i32 to vector<16xi32>
        %mul3A_344 = vector.broadcast %scan3A_210 : i32 to vector<16xi32>
        %mul3A_345 = arith.muli %broadcast_in_dim3A_343, %mul3A_344 : vector<16xi32>
        tpu.vector_store_idx %arg12[%mul3A_345, %iota3A], %add3A_339 : memref<32x16xf32, #tpu.memory_space<vmem>>[vector<16xi32>, vector<16xi32>], vector<16xf32>,
        %add3A_346 = arith.constant 1 : i32
        %add3A_347 = vector.broadcast %add3A_346 : i32 to vector<16xi32>
        %add3A_348 = arith.addi %mul3A_345, %add3A_347 : vector<16xi32>
        tpu.vector_store_idx %arg12[%add3A_348, %iota3A], %add3A_341 : memref<32x16xf32, #tpu.memory_space<vmem>>[vector<16xi32>, vector<16xi32>], vector<16xf32>,
      }
      %scan3A_185 = arith.constant 16 : i32
      %mul3A_186 = arith.constant 16 : i32
      %mul3A_187 = arith.muli %mul3A_136, %mul3A_186 : i32
      %add3A_188 = arith.addi %mul3A_2, %mul3A_187 : i32
      "tpu.region"() ({
        %run_scoped3A_210 = tpu.sem_alloc : memref<!tpu.dma_semaphore, #tpu.memory_space<semaphore_mem>>
        %dma_start3A_211 = arith.constant 0 : i32
        %dma_start3A_212 = tpu.memref_slice %arg4[%dma_start3A_211, %add3A_188] : memref<32x131072xf32, #tpu.memory_space<hbm>> -> memref<32x16xf32, #tpu.memory_space<hbm>>
        %dma_start3A_213 = arith.constant 0 : i32
        %dma_start3A_214 = tpu.memref_slice %arg4[%dma_start3A_213, %add3A_188] : memref<32x131072xf32, #tpu.memory_space<hbm>> -> memref<32x16xf32, #tpu.memory_space<hbm>>
        tpu.enqueue_dma source(%arg12 : memref<32x16xf32, #tpu.memory_space<vmem>>) target(%dma_start3A_214 : memref<32x16xf32, #tpu.memory_space<hbm>>) target_semaphore(%run_scoped3A_210 : memref<!tpu.dma_semaphore, #tpu.memory_space<semaphore_mem>>)
        %dma_wait3A_215 = arith.constant 0 : i32
        %dma_wait3A_216 = tpu.memref_slice %arg4[%dma_wait3A_215, %add3A_188] : memref<32x131072xf32, #tpu.memory_space<hbm>> -> memref<32x16xf32, #tpu.memory_space<hbm>>
        %dma_wait3A_217 = arith.constant 0 : i32
        %dma_wait3A_218 = tpu.memref_slice %arg4[%dma_wait3A_217, %add3A_188] : memref<32x131072xf32, #tpu.memory_space<hbm>> -> memref<32x16xf32, #tpu.memory_space<hbm>>
        tpu.wait_dma2 semaphore(%run_scoped3A_210 : memref<!tpu.dma_semaphore, #tpu.memory_space<semaphore_mem>>) src(%arg12 : memref<32x16xf32, #tpu.memory_space<vmem>>) dst(%dma_wait3A_218 : memref<32x16xf32, #tpu.memory_space<hbm>>)
        tpu.yield
      }) : () -> ()
      %add3A_189 = arith.constant 2 : i32
      %add3A_190 = arith.addi %mul3A_136, %add3A_189 : i32
      %lt3A = arith.constant 256 : i32
      %lt3A_191 = arith.cmpi slt, %add3A_190, %lt3A : i32
      %convert_element_type3A = arith.extui %lt3A_191 : i1 to i32
      %cond3A = arith.constant 0 : i32
      %cond3A_192 = arith.cmpi ne, %convert_element_type3A, %cond3A : i32
      scf.if %cond3A_192 {
        %add3A_210 = arith.constant 2 : i32
        %add3A_211 = arith.addi %mul3A_136, %add3A_210 : i32
        %mul3A_212 = arith.constant 16 : i32
        %mul3A_213 = arith.muli %add3A_211, %mul3A_212 : i32
        %add3A_214 = arith.addi %mul3A_2, %mul3A_213 : i32
        %add3A_215 = arith.constant 0 : i32
        %add3A_216 = arith.addi %add3A_215, %add3A_214 : i32
        %run_scoped3A_217 = arith.constant 0 : i32
        "tpu.region"() ({
          %run_scoped3A_248 = tpu.sem_alloc : memref<!tpu.dma_semaphore, #tpu.memory_space<semaphore_mem>>
          %dma_start3A_249 = arith.constant 0 : i32
          %dma_start3A_250 = tpu.memref_slice %arg5[%run_scoped3A_217, %dma_start3A_249] : memref<3x16xf32, #tpu.memory_space<vmem>> -> memref<1x16xf32, #tpu.memory_space<vmem>>
          %dma_start3A_251 = tpu.memref_squeeze %dma_start3A_250 : memref<1x16xf32, #tpu.memory_space<vmem>> -> memref<16xf32, #tpu.memory_space<vmem>>
          %dma_start3A_252 = tpu.memref_slice %arg2[%add3A_216] : memref<393216xf32, #tpu.memory_space<hbm>> -> memref<16xf32, #tpu.memory_space<hbm>>
          %dma_start3A_253 = arith.constant 0 : i32
          %dma_start3A_254 = tpu.memref_slice %arg5[%run_scoped3A_217, %dma_start3A_253] : memref<3x16xf32, #tpu.memory_space<vmem>> -> memref<1x16xf32, #tpu.memory_space<vmem>>
          %dma_start3A_255 = tpu.memref_squeeze %dma_start3A_254 : memref<1x16xf32, #tpu.memory_space<vmem>> -> memref<16xf32, #tpu.memory_space<vmem>>
          %dma_start3A_256 = tpu.memref_slice %arg2[%add3A_216] : memref<393216xf32, #tpu.memory_space<hbm>> -> memref<16xf32, #tpu.memory_space<hbm>>
          tpu.enqueue_dma source(%dma_start3A_256 : memref<16xf32, #tpu.memory_space<hbm>>) target(%dma_start3A_255 : memref<16xf32, #tpu.memory_space<vmem>>) target_semaphore(%run_scoped3A_248 : memref<!tpu.dma_semaphore, #tpu.memory_space<semaphore_mem>>)
          %dma_wait3A_257 = arith.constant 0 : i32
          %dma_wait3A_258 = tpu.memref_slice %arg5[%run_scoped3A_217, %dma_wait3A_257] : memref<3x16xf32, #tpu.memory_space<vmem>> -> memref<1x16xf32, #tpu.memory_space<vmem>>
          %dma_wait3A_259 = tpu.memref_squeeze %dma_wait3A_258 : memref<1x16xf32, #tpu.memory_space<vmem>> -> memref<16xf32, #tpu.memory_space<vmem>>
          %dma_wait3A_260 = tpu.memref_slice %arg2[%add3A_216] : memref<393216xf32, #tpu.memory_space<hbm>> -> memref<16xf32, #tpu.memory_space<hbm>>
          %dma_wait3A_261 = arith.constant 0 : i32
          %dma_wait3A_262 = tpu.memref_slice %arg5[%run_scoped3A_217, %dma_wait3A_261] : memref<3x16xf32, #tpu.memory_space<vmem>> -> memref<1x16xf32, #tpu.memory_space<vmem>>
          %dma_wait3A_263 = tpu.memref_squeeze %dma_wait3A_262 : memref<1x16xf32, #tpu.memory_space<vmem>> -> memref<16xf32, #tpu.memory_space<vmem>>
          %dma_wait3A_264 = tpu.memref_slice %arg2[%add3A_216] : memref<393216xf32, #tpu.memory_space<hbm>> -> memref<16xf32, #tpu.memory_space<hbm>>
          tpu.wait_dma2 semaphore(%run_scoped3A_248 : memref<!tpu.dma_semaphore, #tpu.memory_space<semaphore_mem>>) src(%dma_wait3A_264 : memref<16xf32, #tpu.memory_space<hbm>>) dst(%dma_wait3A_263 : memref<16xf32, #tpu.memory_space<vmem>>)
          tpu.yield
        }) : () -> ()
        %add3A_218 = arith.constant 131072 : i32
        %add3A_219 = arith.addi %add3A_218, %add3A_214 : i32
        %run_scoped3A_220 = arith.constant 1 : i32
        "tpu.region"() ({
          %run_scoped3A_248 = tpu.sem_alloc : memref<!tpu.dma_semaphore, #tpu.memory_space<semaphore_mem>>
          %dma_start3A_249 = arith.constant 0 : i32
          %dma_start3A_250 = tpu.memref_slice %arg5[%run_scoped3A_220, %dma_start3A_249] : memref<3x16xf32, #tpu.memory_space<vmem>> -> memref<1x16xf32, #tpu.memory_space<vmem>>
          %dma_start3A_251 = tpu.memref_squeeze %dma_start3A_250 : memref<1x16xf32, #tpu.memory_space<vmem>> -> memref<16xf32, #tpu.memory_space<vmem>>
          %dma_start3A_252 = tpu.memref_slice %arg2[%add3A_219] : memref<393216xf32, #tpu.memory_space<hbm>> -> memref<16xf32, #tpu.memory_space<hbm>>
          %dma_start3A_253 = arith.constant 0 : i32
          %dma_start3A_254 = tpu.memref_slice %arg5[%run_scoped3A_220, %dma_start3A_253] : memref<3x16xf32, #tpu.memory_space<vmem>> -> memref<1x16xf32, #tpu.memory_space<vmem>>
          %dma_start3A_255 = tpu.memref_squeeze %dma_start3A_254 : memref<1x16xf32, #tpu.memory_space<vmem>> -> memref<16xf32, #tpu.memory_space<vmem>>
          %dma_start3A_256 = tpu.memref_slice %arg2[%add3A_219] : memref<393216xf32, #tpu.memory_space<hbm>> -> memref<16xf32, #tpu.memory_space<hbm>>
          tpu.enqueue_dma source(%dma_start3A_256 : memref<16xf32, #tpu.memory_space<hbm>>) target(%dma_start3A_255 : memref<16xf32, #tpu.memory_space<vmem>>) target_semaphore(%run_scoped3A_248 : memref<!tpu.dma_semaphore, #tpu.memory_space<semaphore_mem>>)
          %dma_wait3A_257 = arith.constant 0 : i32
          %dma_wait3A_258 = tpu.memref_slice %arg5[%run_scoped3A_220, %dma_wait3A_257] : memref<3x16xf32, #tpu.memory_space<vmem>> -> memref<1x16xf32, #tpu.memory_space<vmem>>
          %dma_wait3A_259 = tpu.memref_squeeze %dma_wait3A_258 : memref<1x16xf32, #tpu.memory_space<vmem>> -> memref<16xf32, #tpu.memory_space<vmem>>
          %dma_wait3A_260 = tpu.memref_slice %arg2[%add3A_219] : memref<393216xf32, #tpu.memory_space<hbm>> -> memref<16xf32, #tpu.memory_space<hbm>>
          %dma_wait3A_261 = arith.constant 0 : i32
          %dma_wait3A_262 = tpu.memref_slice %arg5[%run_scoped3A_220, %dma_wait3A_261] : memref<3x16xf32, #tpu.memory_space<vmem>> -> memref<1x16xf32, #tpu.memory_space<vmem>>
          %dma_wait3A_263 = tpu.memref_squeeze %dma_wait3A_262 : memref<1x16xf32, #tpu.memory_space<vmem>> -> memref<16xf32, #tpu.memory_space<vmem>>
          %dma_wait3A_264 = tpu.memref_slice %arg2[%add3A_219] : memref<393216xf32, #tpu.memory_space<hbm>> -> memref<16xf32, #tpu.memory_space<hbm>>
          tpu.wait_dma2 semaphore(%run_scoped3A_248 : memref<!tpu.dma_semaphore, #tpu.memory_space<semaphore_mem>>) src(%dma_wait3A_264 : memref<16xf32, #tpu.memory_space<hbm>>) dst(%dma_wait3A_263 : memref<16xf32, #tpu.memory_space<vmem>>)
          tpu.yield
        }) : () -> ()
        %add3A_221 = arith.constant 262144 : i32
        %add3A_222 = arith.addi %add3A_221, %add3A_214 : i32
        %run_scoped3A_223 = arith.constant 2 : i32
        "tpu.region"() ({
          %run_scoped3A_248 = tpu.sem_alloc : memref<!tpu.dma_semaphore, #tpu.memory_space<semaphore_mem>>
          %dma_start3A_249 = arith.constant 0 : i32
          %dma_start3A_250 = tpu.memref_slice %arg5[%run_scoped3A_223, %dma_start3A_249] : memref<3x16xf32, #tpu.memory_space<vmem>> -> memref<1x16xf32, #tpu.memory_space<vmem>>
          %dma_start3A_251 = tpu.memref_squeeze %dma_start3A_250 : memref<1x16xf32, #tpu.memory_space<vmem>> -> memref<16xf32, #tpu.memory_space<vmem>>
          %dma_start3A_252 = tpu.memref_slice %arg2[%add3A_222] : memref<393216xf32, #tpu.memory_space<hbm>> -> memref<16xf32, #tpu.memory_space<hbm>>
          %dma_start3A_253 = arith.constant 0 : i32
          %dma_start3A_254 = tpu.memref_slice %arg5[%run_scoped3A_223, %dma_start3A_253] : memref<3x16xf32, #tpu.memory_space<vmem>> -> memref<1x16xf32, #tpu.memory_space<vmem>>
          %dma_start3A_255 = tpu.memref_squeeze %dma_start3A_254 : memref<1x16xf32, #tpu.memory_space<vmem>> -> memref<16xf32, #tpu.memory_space<vmem>>
          %dma_start3A_256 = tpu.memref_slice %arg2[%add3A_222] : memref<393216xf32, #tpu.memory_space<hbm>> -> memref<16xf32, #tpu.memory_space<hbm>>
          tpu.enqueue_dma source(%dma_start3A_256 : memref<16xf32, #tpu.memory_space<hbm>>) target(%dma_start3A_255 : memref<16xf32, #tpu.memory_space<vmem>>) target_semaphore(%run_scoped3A_248 : memref<!tpu.dma_semaphore, #tpu.memory_space<semaphore_mem>>)
          %dma_wait3A_257 = arith.constant 0 : i32
          %dma_wait3A_258 = tpu.memref_slice %arg5[%run_scoped3A_223, %dma_wait3A_257] : memref<3x16xf32, #tpu.memory_space<vmem>> -> memref<1x16xf32, #tpu.memory_space<vmem>>
          %dma_wait3A_259 = tpu.memref_squeeze %dma_wait3A_258 : memref<1x16xf32, #tpu.memory_space<vmem>> -> memref<16xf32, #tpu.memory_space<vmem>>
          %dma_wait3A_260 = tpu.memref_slice %arg2[%add3A_222] : memref<393216xf32, #tpu.memory_space<hbm>> -> memref<16xf32, #tpu.memory_space<hbm>>
          %dma_wait3A_261 = arith.constant 0 : i32
          %dma_wait3A_262 = tpu.memref_slice %arg5[%run_scoped3A_223, %dma_wait3A_261] : memref<3x16xf32, #tpu.memory_space<vmem>> -> memref<1x16xf32, #tpu.memory_space<vmem>>
          %dma_wait3A_263 = tpu.memref_squeeze %dma_wait3A_262 : memref<1x16xf32, #tpu.memory_space<vmem>> -> memref<16xf32, #tpu.memory_space<vmem>>
          %dma_wait3A_264 = tpu.memref_slice %arg2[%add3A_222] : memref<393216xf32, #tpu.memory_space<hbm>> -> memref<16xf32, #tpu.memory_space<hbm>>
          tpu.wait_dma2 semaphore(%run_scoped3A_248 : memref<!tpu.dma_semaphore, #tpu.memory_space<semaphore_mem>>) src(%dma_wait3A_264 : memref<16xf32, #tpu.memory_space<hbm>>) dst(%dma_wait3A_263 : memref<16xf32, #tpu.memory_space<vmem>>)
          tpu.yield
        }) : () -> ()
        %get3A_224 = arith.constant 0 : i32
        %get3A_225 = arith.index_cast %get3A_224 : i32 to index
        %get3A_226 = arith.constant 0 : index
        %get3A_227 = tpu.vector_load %arg5[%get3A_225, %get3A_226] {strides = array<i32>} : memref<3x16xf32, #tpu.memory_space<vmem>>, vector<16xf32>,
        %get3A_228 = arith.constant 1 : i32
        %get3A_229 = arith.index_cast %get3A_228 : i32 to index
        %get3A_230 = arith.constant 0 : index
        %get3A_231 = tpu.vector_load %arg5[%get3A_229, %get3A_230] {strides = array<i32>} : memref<3x16xf32, #tpu.memory_space<vmem>>, vector<16xf32>,
        %get3A_232 = arith.constant 2 : i32
        %get3A_233 = arith.index_cast %get3A_232 : i32 to index
        %get3A_234 = arith.constant 0 : index
        %get3A_235 = tpu.vector_load %arg5[%get3A_233, %get3A_234] {strides = array<i32>} : memref<3x16xf32, #tpu.memory_space<vmem>>, vector<16xf32>,
        %scan3A_236 = arith.constant 0 : i32
        %scan3A_237 = arith.constant 0 : i32
        %scan3A_238 = arith.constant 16 : i32
        %scan3A_239 = arith.addi %scan3A_237, %scan3A_238 : i32
        %scan3A_240 = arith.constant 1 : i32
        scf.for %scan3A_248 = %scan3A_237 to %scan3A_239 step %scan3A_240  : i32 {
          %broadcast_in_dim3A_249 = vector.broadcast %scan3A_248 : i32 to vector<16x1xi32>
          %gather3A = vector.shape_cast %broadcast_in_dim3A_249 : vector<16x1xi32> to vector<16xi32>
          %gather3A_250 = tpu.dynamic_gather %select_n3A_96[%gather3A] in [0] : vector<16xf32>, vector<16xi32> -> vector<16xf32>
          %mul3A_251 = arith.mulf %get3A_227, %gather3A_250 : vector<16xf32>
          %mul3A_252 = arith.mulf %get3A_231, %gather3A_250 : vector<16xf32>
          %mul3A_253 = arith.mulf %get3A_235, %gather3A_250 : vector<16xf32>
          %convert_element_type3A_254 = arith.fptosi %mul3A_251 : vector<16xf32> to vector<16xi32>
          %convert_element_type3A_255 = arith.fptosi %mul3A_252 : vector<16xf32> to vector<16xi32>
          %convert_element_type3A_256 = arith.fptosi %mul3A_253 : vector<16xf32> to vector<16xi32>
          %convert_element_type3A_257 = arith.sitofp %convert_element_type3A_254 : vector<16xi32> to vector<16xf32>
          %sub3A = arith.subf %mul3A_251, %convert_element_type3A_257 : vector<16xf32>
          %convert_element_type3A_258 = arith.sitofp %convert_element_type3A_255 : vector<16xi32> to vector<16xf32>
          %sub3A_259 = arith.subf %mul3A_252, %convert_element_type3A_258 : vector<16xf32>
          %convert_element_type3A_260 = arith.sitofp %convert_element_type3A_256 : vector<16xi32> to vector<16xf32>
          %sub3A_261 = arith.subf %mul3A_253, %convert_element_type3A_260 : vector<16xf32>
          %sub3A_262 = arith.constant 1.000000e+00 : f32
          %sub3A_263 = vector.broadcast %sub3A_262 : f32 to vector<16xf32>
          %sub3A_264 = arith.subf %sub3A_263, %sub3A : vector<16xf32>
          %sub3A_265 = arith.constant 1.000000e+00 : f32
          %sub3A_266 = vector.broadcast %sub3A_265 : f32 to vector<16xf32>
          %sub3A_267 = arith.subf %sub3A_266, %sub3A_259 : vector<16xf32>
          %sub3A_268 = arith.constant 1.000000e+00 : f32
          %sub3A_269 = vector.broadcast %sub3A_268 : f32 to vector<16xf32>
          %sub3A_270 = arith.subf %sub3A_269, %sub3A_261 : vector<16xf32>
          %mul3A_271 = arith.constant -1640531535 : i32
          %mul3A_272 = vector.broadcast %mul3A_271 : i32 to vector<16xi32>
          %mul3A_273 = arith.muli %convert_element_type3A_255, %mul3A_272 : vector<16xi32>
          %mul3A_274 = arith.constant 805459861 : i32
          %mul3A_275 = vector.broadcast %mul3A_274 : i32 to vector<16xi32>
          %mul3A_276 = arith.muli %convert_element_type3A_256, %mul3A_275 : vector<16xi32>
          %add3A_277 = arith.constant 1 : i32
          %add3A_278 = vector.broadcast %add3A_277 : i32 to vector<16xi32>
          %add3A_279 = arith.addi %convert_element_type3A_254, %add3A_278 : vector<16xi32>
          %add3A_280 = arith.constant -1640531535 : i32
          %add3A_281 = vector.broadcast %add3A_280 : i32 to vector<16xi32>
          %add3A_282 = arith.addi %mul3A_273, %add3A_281 : vector<16xi32>
          %add3A_283 = arith.constant 805459861 : i32
          %add3A_284 = vector.broadcast %add3A_283 : i32 to vector<16xi32>
          %add3A_285 = arith.addi %mul3A_276, %add3A_284 : vector<16xi32>
          %mul3A_286 = arith.constant 131072 : i32
          %mul3A_287 = arith.muli %scan3A_248, %mul3A_286 : i32
          %mul3A_288 = arith.constant 128 : i32
          %mul3A_289 = vector.broadcast %mul3A_288 : i32 to vector<16xi32>
          %mul3A_290 = arith.muli %iota3A, %mul3A_289 : vector<16xi32>
          %add3A_291 = vector.broadcast %scan3A_248 : i32 to vector<16xi32>
          %add3A_292 = arith.addi %mul3A_290, %add3A_291 : vector<16xi32>
          %xor3A = arith.xori %convert_element_type3A_254, %mul3A_273 : vector<16xi32>
          %xor3A_293 = arith.xori %xor3A, %mul3A_276 : vector<16xi32>
          %and3A = arith.constant 524287 : i32
          %and3A_294 = vector.broadcast %and3A : i32 to vector<16xi32>
          %and3A_295 = arith.andi %xor3A_293, %and3A_294 : vector<16xi32>
          %mul3A_296 = arith.mulf %sub3A_264, %sub3A_267 : vector<16xf32>
          %mul3A_297 = arith.mulf %mul3A_296, %sub3A_270 : vector<16xf32>
          %shift_right_logical3A = arith.constant 7 : i32
          %shift_right_logical3A_298 = vector.broadcast %shift_right_logical3A : i32 to vector<16xi32>
          %shift_right_logical3A_299 = arith.shrui %and3A_295, %shift_right_logical3A_298 : vector<16xi32>
          %shift_left3A = arith.constant 5 : i32
          %shift_left3A_300 = vector.broadcast %shift_left3A : i32 to vector<16xi32>
          %shift_left3A_301 = arith.shli %shift_right_logical3A_299, %shift_left3A_300 : vector<16xi32>
          %shift_right_logical3A_302 = arith.constant 3 : i32
          %shift_right_logical3A_303 = vector.broadcast %shift_right_logical3A_302 : i32 to vector<16xi32>
          %shift_right_logical3A_304 = arith.shrui %and3A_295, %shift_right_logical3A_303 : vector<16xi32>
          %and3A_305 = arith.constant 15 : i32
          %and3A_306 = vector.broadcast %and3A_305 : i32 to vector<16xi32>
          %and3A_307 = arith.andi %shift_right_logical3A_304, %and3A_306 : vector<16xi32>
          %or3A = arith.ori %shift_left3A_301, %and3A_307 : vector<16xi32>
          %add3A_308 = vector.broadcast %mul3A_287 : i32 to vector<16xi32>
          %add3A_309 = arith.addi %or3A, %add3A_308 : vector<16xi32>
          %broadcast_in_dim3A_310 = arith.constant 0 : i32
          %broadcast_in_dim3A_311 = vector.broadcast %broadcast_in_dim3A_310 : i32 to vector<16xi32>
          %add3A_312 = vector.broadcast %scan3A_248 : i32 to vector<16xi32>
          %add3A_313 = arith.addi %broadcast_in_dim3A_311, %add3A_312 : vector<16xi32>
          %add3A_314 = arith.constant 0 : i32
          %add3A_315 = vector.broadcast %add3A_314 : i32 to vector<16xi32>
          %add3A_316 = arith.addi %add3A_292, %add3A_315 : vector<16xi32>
          tpu.vector_store_idx %arg6[%add3A_316], %add3A_309 : memref<2048xi32, #tpu.memory_space<vmem>>[vector<16xi32>], vector<16xi32>,
          %add3A_317 = arith.constant 16 : i32
          %add3A_318 = vector.broadcast %add3A_317 : i32 to vector<16xi32>
          %add3A_319 = arith.addi %add3A_309, %add3A_318 : vector<16xi32>
          tpu.vector_store_idx %arg7[%add3A_316], %add3A_319 : memref<2048xi32, #tpu.memory_space<vmem>>[vector<16xi32>], vector<16xi32>,
          %and3A_320 = arith.constant 7 : i32
          %and3A_321 = vector.broadcast %and3A_320 : i32 to vector<16xi32>
          %and3A_322 = arith.andi %and3A_295, %and3A_321 : vector<16xi32>
          tpu.vector_store_idx %arg8[%iota3A, %add3A_313], %and3A_322 : memref<16x128xi32, #tpu.memory_space<vmem>>[vector<16xi32>, vector<16xi32>], vector<16xi32>,
          tpu.vector_store_idx %arg9[%iota3A, %add3A_313], %mul3A_297 : memref<16x128xf32, #tpu.memory_space<vmem>>[vector<16xi32>, vector<16xi32>], vector<16xf32>,
          %xor3A_323 = arith.xori %convert_element_type3A_254, %mul3A_273 : vector<16xi32>
          %xor3A_324 = arith.xori %xor3A_323, %add3A_285 : vector<16xi32>
          %and3A_325 = arith.constant 524287 : i32
          %and3A_326 = vector.broadcast %and3A_325 : i32 to vector<16xi32>
          %and3A_327 = arith.andi %xor3A_324, %and3A_326 : vector<16xi32>
          %mul3A_328 = arith.mulf %sub3A_264, %sub3A_267 : vector<16xf32>
          %mul3A_329 = arith.mulf %mul3A_328, %sub3A_261 : vector<16xf32>
          %shift_right_logical3A_330 = arith.constant 7 : i32
          %shift_right_logical3A_331 = vector.broadcast %shift_right_logical3A_330 : i32 to vector<16xi32>
          %shift_right_logical3A_332 = arith.shrui %and3A_327, %shift_right_logical3A_331 : vector<16xi32>
          %shift_left3A_333 = arith.constant 5 : i32
          %shift_left3A_334 = vector.broadcast %shift_left3A_333 : i32 to vector<16xi32>
          %shift_left3A_335 = arith.shli %shift_right_logical3A_332, %shift_left3A_334 : vector<16xi32>
          %shift_right_logical3A_336 = arith.constant 3 : i32
          %shift_right_logical3A_337 = vector.broadcast %shift_right_logical3A_336 : i32 to vector<16xi32>
          %shift_right_logical3A_338 = arith.shrui %and3A_327, %shift_right_logical3A_337 : vector<16xi32>
          %and3A_339 = arith.constant 15 : i32
          %and3A_340 = vector.broadcast %and3A_339 : i32 to vector<16xi32>
          %and3A_341 = arith.andi %shift_right_logical3A_338, %and3A_340 : vector<16xi32>
          %or3A_342 = arith.ori %shift_left3A_335, %and3A_341 : vector<16xi32>
          %add3A_343 = vector.broadcast %mul3A_287 : i32 to vector<16xi32>
          %add3A_344 = arith.addi %or3A_342, %add3A_343 : vector<16xi32>
          %broadcast_in_dim3A_345 = arith.constant 16 : i32
          %broadcast_in_dim3A_346 = vector.broadcast %broadcast_in_dim3A_345 : i32 to vector<16xi32>
          %add3A_347 = vector.broadcast %scan3A_248 : i32 to vector<16xi32>
          %add3A_348 = arith.addi %broadcast_in_dim3A_346, %add3A_347 : vector<16xi32>
          %add3A_349 = arith.constant 16 : i32
          %add3A_350 = vector.broadcast %add3A_349 : i32 to vector<16xi32>
          %add3A_351 = arith.addi %add3A_292, %add3A_350 : vector<16xi32>
          tpu.vector_store_idx %arg6[%add3A_351], %add3A_344 : memref<2048xi32, #tpu.memory_space<vmem>>[vector<16xi32>], vector<16xi32>,
          %add3A_352 = arith.constant 16 : i32
          %add3A_353 = vector.broadcast %add3A_352 : i32 to vector<16xi32>
          %add3A_354 = arith.addi %add3A_344, %add3A_353 : vector<16xi32>
          tpu.vector_store_idx %arg7[%add3A_351], %add3A_354 : memref<2048xi32, #tpu.memory_space<vmem>>[vector<16xi32>], vector<16xi32>,
          %and3A_355 = arith.constant 7 : i32
          %and3A_356 = vector.broadcast %and3A_355 : i32 to vector<16xi32>
          %and3A_357 = arith.andi %and3A_327, %and3A_356 : vector<16xi32>
          tpu.vector_store_idx %arg8[%iota3A, %add3A_348], %and3A_357 : memref<16x128xi32, #tpu.memory_space<vmem>>[vector<16xi32>, vector<16xi32>], vector<16xi32>,
          tpu.vector_store_idx %arg9[%iota3A, %add3A_348], %mul3A_329 : memref<16x128xf32, #tpu.memory_space<vmem>>[vector<16xi32>, vector<16xi32>], vector<16xf32>,
          %xor3A_358 = arith.xori %convert_element_type3A_254, %add3A_282 : vector<16xi32>
          %xor3A_359 = arith.xori %xor3A_358, %mul3A_276 : vector<16xi32>
          %and3A_360 = arith.constant 524287 : i32
          %and3A_361 = vector.broadcast %and3A_360 : i32 to vector<16xi32>
          %and3A_362 = arith.andi %xor3A_359, %and3A_361 : vector<16xi32>
          %mul3A_363 = arith.mulf %sub3A_264, %sub3A_259 : vector<16xf32>
          %mul3A_364 = arith.mulf %mul3A_363, %sub3A_270 : vector<16xf32>
          %shift_right_logical3A_365 = arith.constant 7 : i32
          %shift_right_logical3A_366 = vector.broadcast %shift_right_logical3A_365 : i32 to vector<16xi32>
          %shift_right_logical3A_367 = arith.shrui %and3A_362, %shift_right_logical3A_366 : vector<16xi32>
          %shift_left3A_368 = arith.constant 5 : i32
          %shift_left3A_369 = vector.broadcast %shift_left3A_368 : i32 to vector<16xi32>
          %shift_left3A_370 = arith.shli %shift_right_logical3A_367, %shift_left3A_369 : vector<16xi32>
          %shift_right_logical3A_371 = arith.constant 3 : i32
          %shift_right_logical3A_372 = vector.broadcast %shift_right_logical3A_371 : i32 to vector<16xi32>
          %shift_right_logical3A_373 = arith.shrui %and3A_362, %shift_right_logical3A_372 : vector<16xi32>
          %and3A_374 = arith.constant 15 : i32
          %and3A_375 = vector.broadcast %and3A_374 : i32 to vector<16xi32>
          %and3A_376 = arith.andi %shift_right_logical3A_373, %and3A_375 : vector<16xi32>
          %or3A_377 = arith.ori %shift_left3A_370, %and3A_376 : vector<16xi32>
          %add3A_378 = vector.broadcast %mul3A_287 : i32 to vector<16xi32>
          %add3A_379 = arith.addi %or3A_377, %add3A_378 : vector<16xi32>
          %broadcast_in_dim3A_380 = arith.constant 32 : i32
          %broadcast_in_dim3A_381 = vector.broadcast %broadcast_in_dim3A_380 : i32 to vector<16xi32>
          %add3A_382 = vector.broadcast %scan3A_248 : i32 to vector<16xi32>
          %add3A_383 = arith.addi %broadcast_in_dim3A_381, %add3A_382 : vector<16xi32>
          %add3A_384 = arith.constant 32 : i32
          %add3A_385 = vector.broadcast %add3A_384 : i32 to vector<16xi32>
          %add3A_386 = arith.addi %add3A_292, %add3A_385 : vector<16xi32>
          tpu.vector_store_idx %arg6[%add3A_386], %add3A_379 : memref<2048xi32, #tpu.memory_space<vmem>>[vector<16xi32>], vector<16xi32>,
          %add3A_387 = arith.constant 16 : i32
          %add3A_388 = vector.broadcast %add3A_387 : i32 to vector<16xi32>
          %add3A_389 = arith.addi %add3A_379, %add3A_388 : vector<16xi32>
          tpu.vector_store_idx %arg7[%add3A_386], %add3A_389 : memref<2048xi32, #tpu.memory_space<vmem>>[vector<16xi32>], vector<16xi32>,
          %and3A_390 = arith.constant 7 : i32
          %and3A_391 = vector.broadcast %and3A_390 : i32 to vector<16xi32>
          %and3A_392 = arith.andi %and3A_362, %and3A_391 : vector<16xi32>
          tpu.vector_store_idx %arg8[%iota3A, %add3A_383], %and3A_392 : memref<16x128xi32, #tpu.memory_space<vmem>>[vector<16xi32>, vector<16xi32>], vector<16xi32>,
          tpu.vector_store_idx %arg9[%iota3A, %add3A_383], %mul3A_364 : memref<16x128xf32, #tpu.memory_space<vmem>>[vector<16xi32>, vector<16xi32>], vector<16xf32>,
          %xor3A_393 = arith.xori %convert_element_type3A_254, %add3A_282 : vector<16xi32>
          %xor3A_394 = arith.xori %xor3A_393, %add3A_285 : vector<16xi32>
          %and3A_395 = arith.constant 524287 : i32
          %and3A_396 = vector.broadcast %and3A_395 : i32 to vector<16xi32>
          %and3A_397 = arith.andi %xor3A_394, %and3A_396 : vector<16xi32>
          %mul3A_398 = arith.mulf %sub3A_264, %sub3A_259 : vector<16xf32>
          %mul3A_399 = arith.mulf %mul3A_398, %sub3A_261 : vector<16xf32>
          %shift_right_logical3A_400 = arith.constant 7 : i32
          %shift_right_logical3A_401 = vector.broadcast %shift_right_logical3A_400 : i32 to vector<16xi32>
          %shift_right_logical3A_402 = arith.shrui %and3A_397, %shift_right_logical3A_401 : vector<16xi32>
          %shift_left3A_403 = arith.constant 5 : i32
          %shift_left3A_404 = vector.broadcast %shift_left3A_403 : i32 to vector<16xi32>
          %shift_left3A_405 = arith.shli %shift_right_logical3A_402, %shift_left3A_404 : vector<16xi32>
          %shift_right_logical3A_406 = arith.constant 3 : i32
          %shift_right_logical3A_407 = vector.broadcast %shift_right_logical3A_406 : i32 to vector<16xi32>
          %shift_right_logical3A_408 = arith.shrui %and3A_397, %shift_right_logical3A_407 : vector<16xi32>
          %and3A_409 = arith.constant 15 : i32
          %and3A_410 = vector.broadcast %and3A_409 : i32 to vector<16xi32>
          %and3A_411 = arith.andi %shift_right_logical3A_408, %and3A_410 : vector<16xi32>
          %or3A_412 = arith.ori %shift_left3A_405, %and3A_411 : vector<16xi32>
          %add3A_413 = vector.broadcast %mul3A_287 : i32 to vector<16xi32>
          %add3A_414 = arith.addi %or3A_412, %add3A_413 : vector<16xi32>
          %broadcast_in_dim3A_415 = arith.constant 48 : i32
          %broadcast_in_dim3A_416 = vector.broadcast %broadcast_in_dim3A_415 : i32 to vector<16xi32>
          %add3A_417 = vector.broadcast %scan3A_248 : i32 to vector<16xi32>
          %add3A_418 = arith.addi %broadcast_in_dim3A_416, %add3A_417 : vector<16xi32>
          %add3A_419 = arith.constant 48 : i32
          %add3A_420 = vector.broadcast %add3A_419 : i32 to vector<16xi32>
          %add3A_421 = arith.addi %add3A_292, %add3A_420 : vector<16xi32>
          tpu.vector_store_idx %arg6[%add3A_421], %add3A_414 : memref<2048xi32, #tpu.memory_space<vmem>>[vector<16xi32>], vector<16xi32>,
          %add3A_422 = arith.constant 16 : i32
          %add3A_423 = vector.broadcast %add3A_422 : i32 to vector<16xi32>
          %add3A_424 = arith.addi %add3A_414, %add3A_423 : vector<16xi32>
          tpu.vector_store_idx %arg7[%add3A_421], %add3A_424 : memref<2048xi32, #tpu.memory_space<vmem>>[vector<16xi32>], vector<16xi32>,
          %and3A_425 = arith.constant 7 : i32
          %and3A_426 = vector.broadcast %and3A_425 : i32 to vector<16xi32>
          %and3A_427 = arith.andi %and3A_397, %and3A_426 : vector<16xi32>
          tpu.vector_store_idx %arg8[%iota3A, %add3A_418], %and3A_427 : memref<16x128xi32, #tpu.memory_space<vmem>>[vector<16xi32>, vector<16xi32>], vector<16xi32>,
          tpu.vector_store_idx %arg9[%iota3A, %add3A_418], %mul3A_399 : memref<16x128xf32, #tpu.memory_space<vmem>>[vector<16xi32>, vector<16xi32>], vector<16xf32>,
          %xor3A_428 = arith.xori %add3A_279, %mul3A_273 : vector<16xi32>
          %xor3A_429 = arith.xori %xor3A_428, %mul3A_276 : vector<16xi32>
          %and3A_430 = arith.constant 524287 : i32
          %and3A_431 = vector.broadcast %and3A_430 : i32 to vector<16xi32>
          %and3A_432 = arith.andi %xor3A_429, %and3A_431 : vector<16xi32>
          %mul3A_433 = arith.mulf %sub3A, %sub3A_267 : vector<16xf32>
          %mul3A_434 = arith.mulf %mul3A_433, %sub3A_270 : vector<16xf32>
          %shift_right_logical3A_435 = arith.constant 7 : i32
          %shift_right_logical3A_436 = vector.broadcast %shift_right_logical3A_435 : i32 to vector<16xi32>
          %shift_right_logical3A_437 = arith.shrui %and3A_432, %shift_right_logical3A_436 : vector<16xi32>
          %shift_left3A_438 = arith.constant 5 : i32
          %shift_left3A_439 = vector.broadcast %shift_left3A_438 : i32 to vector<16xi32>
          %shift_left3A_440 = arith.shli %shift_right_logical3A_437, %shift_left3A_439 : vector<16xi32>
          %shift_right_logical3A_441 = arith.constant 3 : i32
          %shift_right_logical3A_442 = vector.broadcast %shift_right_logical3A_441 : i32 to vector<16xi32>
          %shift_right_logical3A_443 = arith.shrui %and3A_432, %shift_right_logical3A_442 : vector<16xi32>
          %and3A_444 = arith.constant 15 : i32
          %and3A_445 = vector.broadcast %and3A_444 : i32 to vector<16xi32>
          %and3A_446 = arith.andi %shift_right_logical3A_443, %and3A_445 : vector<16xi32>
          %or3A_447 = arith.ori %shift_left3A_440, %and3A_446 : vector<16xi32>
          %add3A_448 = vector.broadcast %mul3A_287 : i32 to vector<16xi32>
          %add3A_449 = arith.addi %or3A_447, %add3A_448 : vector<16xi32>
          %broadcast_in_dim3A_450 = arith.constant 64 : i32
          %broadcast_in_dim3A_451 = vector.broadcast %broadcast_in_dim3A_450 : i32 to vector<16xi32>
          %add3A_452 = vector.broadcast %scan3A_248 : i32 to vector<16xi32>
          %add3A_453 = arith.addi %broadcast_in_dim3A_451, %add3A_452 : vector<16xi32>
          %add3A_454 = arith.constant 64 : i32
          %add3A_455 = vector.broadcast %add3A_454 : i32 to vector<16xi32>
          %add3A_456 = arith.addi %add3A_292, %add3A_455 : vector<16xi32>
          tpu.vector_store_idx %arg6[%add3A_456], %add3A_449 : memref<2048xi32, #tpu.memory_space<vmem>>[vector<16xi32>], vector<16xi32>,
          %add3A_457 = arith.constant 16 : i32
          %add3A_458 = vector.broadcast %add3A_457 : i32 to vector<16xi32>
          %add3A_459 = arith.addi %add3A_449, %add3A_458 : vector<16xi32>
          tpu.vector_store_idx %arg7[%add3A_456], %add3A_459 : memref<2048xi32, #tpu.memory_space<vmem>>[vector<16xi32>], vector<16xi32>,
          %and3A_460 = arith.constant 7 : i32
          %and3A_461 = vector.broadcast %and3A_460 : i32 to vector<16xi32>
          %and3A_462 = arith.andi %and3A_432, %and3A_461 : vector<16xi32>
          tpu.vector_store_idx %arg8[%iota3A, %add3A_453], %and3A_462 : memref<16x128xi32, #tpu.memory_space<vmem>>[vector<16xi32>, vector<16xi32>], vector<16xi32>,
          tpu.vector_store_idx %arg9[%iota3A, %add3A_453], %mul3A_434 : memref<16x128xf32, #tpu.memory_space<vmem>>[vector<16xi32>, vector<16xi32>], vector<16xf32>,
          %xor3A_463 = arith.xori %add3A_279, %mul3A_273 : vector<16xi32>
          %xor3A_464 = arith.xori %xor3A_463, %add3A_285 : vector<16xi32>
          %and3A_465 = arith.constant 524287 : i32
          %and3A_466 = vector.broadcast %and3A_465 : i32 to vector<16xi32>
          %and3A_467 = arith.andi %xor3A_464, %and3A_466 : vector<16xi32>
          %mul3A_468 = arith.mulf %sub3A, %sub3A_267 : vector<16xf32>
          %mul3A_469 = arith.mulf %mul3A_468, %sub3A_261 : vector<16xf32>
          %shift_right_logical3A_470 = arith.constant 7 : i32
          %shift_right_logical3A_471 = vector.broadcast %shift_right_logical3A_470 : i32 to vector<16xi32>
          %shift_right_logical3A_472 = arith.shrui %and3A_467, %shift_right_logical3A_471 : vector<16xi32>
          %shift_left3A_473 = arith.constant 5 : i32
          %shift_left3A_474 = vector.broadcast %shift_left3A_473 : i32 to vector<16xi32>
          %shift_left3A_475 = arith.shli %shift_right_logical3A_472, %shift_left3A_474 : vector<16xi32>
          %shift_right_logical3A_476 = arith.constant 3 : i32
          %shift_right_logical3A_477 = vector.broadcast %shift_right_logical3A_476 : i32 to vector<16xi32>
          %shift_right_logical3A_478 = arith.shrui %and3A_467, %shift_right_logical3A_477 : vector<16xi32>
          %and3A_479 = arith.constant 15 : i32
          %and3A_480 = vector.broadcast %and3A_479 : i32 to vector<16xi32>
          %and3A_481 = arith.andi %shift_right_logical3A_478, %and3A_480 : vector<16xi32>
          %or3A_482 = arith.ori %shift_left3A_475, %and3A_481 : vector<16xi32>
          %add3A_483 = vector.broadcast %mul3A_287 : i32 to vector<16xi32>
          %add3A_484 = arith.addi %or3A_482, %add3A_483 : vector<16xi32>
          %broadcast_in_dim3A_485 = arith.constant 80 : i32
          %broadcast_in_dim3A_486 = vector.broadcast %broadcast_in_dim3A_485 : i32 to vector<16xi32>
          %add3A_487 = vector.broadcast %scan3A_248 : i32 to vector<16xi32>
          %add3A_488 = arith.addi %broadcast_in_dim3A_486, %add3A_487 : vector<16xi32>
          %add3A_489 = arith.constant 80 : i32
          %add3A_490 = vector.broadcast %add3A_489 : i32 to vector<16xi32>
          %add3A_491 = arith.addi %add3A_292, %add3A_490 : vector<16xi32>
          tpu.vector_store_idx %arg6[%add3A_491], %add3A_484 : memref<2048xi32, #tpu.memory_space<vmem>>[vector<16xi32>], vector<16xi32>,
          %add3A_492 = arith.constant 16 : i32
          %add3A_493 = vector.broadcast %add3A_492 : i32 to vector<16xi32>
          %add3A_494 = arith.addi %add3A_484, %add3A_493 : vector<16xi32>
          tpu.vector_store_idx %arg7[%add3A_491], %add3A_494 : memref<2048xi32, #tpu.memory_space<vmem>>[vector<16xi32>], vector<16xi32>,
          %and3A_495 = arith.constant 7 : i32
          %and3A_496 = vector.broadcast %and3A_495 : i32 to vector<16xi32>
          %and3A_497 = arith.andi %and3A_467, %and3A_496 : vector<16xi32>
          tpu.vector_store_idx %arg8[%iota3A, %add3A_488], %and3A_497 : memref<16x128xi32, #tpu.memory_space<vmem>>[vector<16xi32>, vector<16xi32>], vector<16xi32>,
          tpu.vector_store_idx %arg9[%iota3A, %add3A_488], %mul3A_469 : memref<16x128xf32, #tpu.memory_space<vmem>>[vector<16xi32>, vector<16xi32>], vector<16xf32>,
          %xor3A_498 = arith.xori %add3A_279, %add3A_282 : vector<16xi32>
          %xor3A_499 = arith.xori %xor3A_498, %mul3A_276 : vector<16xi32>
          %and3A_500 = arith.constant 524287 : i32
          %and3A_501 = vector.broadcast %and3A_500 : i32 to vector<16xi32>
          %and3A_502 = arith.andi %xor3A_499, %and3A_501 : vector<16xi32>
          %mul3A_503 = arith.mulf %sub3A, %sub3A_259 : vector<16xf32>
          %mul3A_504 = arith.mulf %mul3A_503, %sub3A_270 : vector<16xf32>
          %shift_right_logical3A_505 = arith.constant 7 : i32
          %shift_right_logical3A_506 = vector.broadcast %shift_right_logical3A_505 : i32 to vector<16xi32>
          %shift_right_logical3A_507 = arith.shrui %and3A_502, %shift_right_logical3A_506 : vector<16xi32>
          %shift_left3A_508 = arith.constant 5 : i32
          %shift_left3A_509 = vector.broadcast %shift_left3A_508 : i32 to vector<16xi32>
          %shift_left3A_510 = arith.shli %shift_right_logical3A_507, %shift_left3A_509 : vector<16xi32>
          %shift_right_logical3A_511 = arith.constant 3 : i32
          %shift_right_logical3A_512 = vector.broadcast %shift_right_logical3A_511 : i32 to vector<16xi32>
          %shift_right_logical3A_513 = arith.shrui %and3A_502, %shift_right_logical3A_512 : vector<16xi32>
          %and3A_514 = arith.constant 15 : i32
          %and3A_515 = vector.broadcast %and3A_514 : i32 to vector<16xi32>
          %and3A_516 = arith.andi %shift_right_logical3A_513, %and3A_515 : vector<16xi32>
          %or3A_517 = arith.ori %shift_left3A_510, %and3A_516 : vector<16xi32>
          %add3A_518 = vector.broadcast %mul3A_287 : i32 to vector<16xi32>
          %add3A_519 = arith.addi %or3A_517, %add3A_518 : vector<16xi32>
          %broadcast_in_dim3A_520 = arith.constant 96 : i32
          %broadcast_in_dim3A_521 = vector.broadcast %broadcast_in_dim3A_520 : i32 to vector<16xi32>
          %add3A_522 = vector.broadcast %scan3A_248 : i32 to vector<16xi32>
          %add3A_523 = arith.addi %broadcast_in_dim3A_521, %add3A_522 : vector<16xi32>
          %add3A_524 = arith.constant 96 : i32
          %add3A_525 = vector.broadcast %add3A_524 : i32 to vector<16xi32>
          %add3A_526 = arith.addi %add3A_292, %add3A_525 : vector<16xi32>
          tpu.vector_store_idx %arg6[%add3A_526], %add3A_519 : memref<2048xi32, #tpu.memory_space<vmem>>[vector<16xi32>], vector<16xi32>,
          %add3A_527 = arith.constant 16 : i32
          %add3A_528 = vector.broadcast %add3A_527 : i32 to vector<16xi32>
          %add3A_529 = arith.addi %add3A_519, %add3A_528 : vector<16xi32>
          tpu.vector_store_idx %arg7[%add3A_526], %add3A_529 : memref<2048xi32, #tpu.memory_space<vmem>>[vector<16xi32>], vector<16xi32>,
          %and3A_530 = arith.constant 7 : i32
          %and3A_531 = vector.broadcast %and3A_530 : i32 to vector<16xi32>
          %and3A_532 = arith.andi %and3A_502, %and3A_531 : vector<16xi32>
          tpu.vector_store_idx %arg8[%iota3A, %add3A_523], %and3A_532 : memref<16x128xi32, #tpu.memory_space<vmem>>[vector<16xi32>, vector<16xi32>], vector<16xi32>,
          tpu.vector_store_idx %arg9[%iota3A, %add3A_523], %mul3A_504 : memref<16x128xf32, #tpu.memory_space<vmem>>[vector<16xi32>, vector<16xi32>], vector<16xf32>,
          %xor3A_533 = arith.xori %add3A_279, %add3A_282 : vector<16xi32>
          %xor3A_534 = arith.xori %xor3A_533, %add3A_285 : vector<16xi32>
          %and3A_535 = arith.constant 524287 : i32
          %and3A_536 = vector.broadcast %and3A_535 : i32 to vector<16xi32>
          %and3A_537 = arith.andi %xor3A_534, %and3A_536 : vector<16xi32>
          %mul3A_538 = arith.mulf %sub3A, %sub3A_259 : vector<16xf32>
          %mul3A_539 = arith.mulf %mul3A_538, %sub3A_261 : vector<16xf32>
          %shift_right_logical3A_540 = arith.constant 7 : i32
          %shift_right_logical3A_541 = vector.broadcast %shift_right_logical3A_540 : i32 to vector<16xi32>
          %shift_right_logical3A_542 = arith.shrui %and3A_537, %shift_right_logical3A_541 : vector<16xi32>
          %shift_left3A_543 = arith.constant 5 : i32
          %shift_left3A_544 = vector.broadcast %shift_left3A_543 : i32 to vector<16xi32>
          %shift_left3A_545 = arith.shli %shift_right_logical3A_542, %shift_left3A_544 : vector<16xi32>
          %shift_right_logical3A_546 = arith.constant 3 : i32
          %shift_right_logical3A_547 = vector.broadcast %shift_right_logical3A_546 : i32 to vector<16xi32>
          %shift_right_logical3A_548 = arith.shrui %and3A_537, %shift_right_logical3A_547 : vector<16xi32>
          %and3A_549 = arith.constant 15 : i32
          %and3A_550 = vector.broadcast %and3A_549 : i32 to vector<16xi32>
          %and3A_551 = arith.andi %shift_right_logical3A_548, %and3A_550 : vector<16xi32>
          %or3A_552 = arith.ori %shift_left3A_545, %and3A_551 : vector<16xi32>
          %add3A_553 = vector.broadcast %mul3A_287 : i32 to vector<16xi32>
          %add3A_554 = arith.addi %or3A_552, %add3A_553 : vector<16xi32>
          %broadcast_in_dim3A_555 = arith.constant 112 : i32
          %broadcast_in_dim3A_556 = vector.broadcast %broadcast_in_dim3A_555 : i32 to vector<16xi32>
          %add3A_557 = vector.broadcast %scan3A_248 : i32 to vector<16xi32>
          %add3A_558 = arith.addi %broadcast_in_dim3A_556, %add3A_557 : vector<16xi32>
          %add3A_559 = arith.constant 112 : i32
          %add3A_560 = vector.broadcast %add3A_559 : i32 to vector<16xi32>
          %add3A_561 = arith.addi %add3A_292, %add3A_560 : vector<16xi32>
          tpu.vector_store_idx %arg6[%add3A_561], %add3A_554 : memref<2048xi32, #tpu.memory_space<vmem>>[vector<16xi32>], vector<16xi32>,
          %add3A_562 = arith.constant 16 : i32
          %add3A_563 = vector.broadcast %add3A_562 : i32 to vector<16xi32>
          %add3A_564 = arith.addi %add3A_554, %add3A_563 : vector<16xi32>
          tpu.vector_store_idx %arg7[%add3A_561], %add3A_564 : memref<2048xi32, #tpu.memory_space<vmem>>[vector<16xi32>], vector<16xi32>,
          %and3A_565 = arith.constant 7 : i32
          %and3A_566 = vector.broadcast %and3A_565 : i32 to vector<16xi32>
          %and3A_567 = arith.andi %and3A_537, %and3A_566 : vector<16xi32>
          tpu.vector_store_idx %arg8[%iota3A, %add3A_558], %and3A_567 : memref<16x128xi32, #tpu.memory_space<vmem>>[vector<16xi32>, vector<16xi32>], vector<16xi32>,
          tpu.vector_store_idx %arg9[%iota3A, %add3A_558], %mul3A_539 : memref<16x128xf32, #tpu.memory_space<vmem>>[vector<16xi32>, vector<16xi32>], vector<16xf32>,
        }
        %scan3A_241 = arith.constant 16 : i32
        %dma_start3A_242 = arith.constant 0 : i32
        %dma_start3A_243 = arith.constant 0 : i32
        %dma_start3A_244 = tpu.memref_slice %arg3[%dma_start3A_242, %dma_start3A_243] : memref<2097152x8xf32, #tpu.memory_space<hbm>> -> memref<2097152x8xf32, #tpu.memory_space<hbm>>
        tpu.enqueue_indirect_dma source(%dma_start3A_244 : memref<2097152x8xf32, #tpu.memory_space<hbm>>) target(%arg10 : memref<2048x8xf32, #tpu.memory_space<vmem>>) offsets(%arg6 : memref<2048xi32, #tpu.memory_space<vmem>>) semaphore(%arg20 : memref<!tpu.dma_semaphore, #tpu.memory_space<semaphore_mem>>)
        %dma_start3A_245 = arith.constant 0 : i32
        %dma_start3A_246 = arith.constant 0 : i32
        %dma_start3A_247 = tpu.memref_slice %arg3[%dma_start3A_245, %dma_start3A_246] : memref<2097152x8xf32, #tpu.memory_space<hbm>> -> memref<2097152x8xf32, #tpu.memory_space<hbm>>
        tpu.enqueue_indirect_dma source(%dma_start3A_247 : memref<2097152x8xf32, #tpu.memory_space<hbm>>) target(%arg11 : memref<2048x8xf32, #tpu.memory_space<vmem>>) offsets(%arg7 : memref<2048xi32, #tpu.memory_space<vmem>>) semaphore(%arg20 : memref<!tpu.dma_semaphore, #tpu.memory_space<semaphore_mem>>)
      } else {
      }
      %dma_wait3A_193 = arith.constant 0 : i32
      %dma_wait3A_194 = arith.constant 0 : i32
      %dma_wait3A_195 = tpu.memref_slice %arg3[%dma_wait3A_193, %dma_wait3A_194] : memref<2097152x8xf32, #tpu.memory_space<hbm>> -> memref<2097152x8xf32, #tpu.memory_space<hbm>>
      tpu.wait_indirect_dma semaphore(%arg21 : memref<!tpu.dma_semaphore, #tpu.memory_space<semaphore_mem>>) src(%dma_wait3A_195 : memref<2097152x8xf32, #tpu.memory_space<hbm>>) dst(%arg17 : memref<2048x8xf32, #tpu.memory_space<vmem>>)
      %dma_wait3A_196 = arith.constant 0 : i32
      %dma_wait3A_197 = arith.constant 0 : i32
      %dma_wait3A_198 = tpu.memref_slice %arg3[%dma_wait3A_196, %dma_wait3A_197] : memref<2097152x8xf32, #tpu.memory_space<hbm>> -> memref<2097152x8xf32, #tpu.memory_space<hbm>>
      tpu.wait_indirect_dma semaphore(%arg21 : memref<!tpu.dma_semaphore, #tpu.memory_space<semaphore_mem>>) src(%dma_wait3A_198 : memref<2097152x8xf32, #tpu.memory_space<hbm>>) dst(%arg18 : memref<2048x8xf32, #tpu.memory_space<vmem>>)
      %add3A_199 = arith.constant 1 : i32
      %add3A_200 = arith.addi %mul3A_136, %add3A_199 : i32
      %scan3A_201 = arith.constant 0 : i32
      %scan3A_202 = arith.constant 0 : i32
      %scan3A_203 = arith.constant 16 : i32
      %scan3A_204 = arith.addi %scan3A_202, %scan3A_203 : i32
      %scan3A_205 = arith.constant 1 : i32
      scf.for %scan3A_210 = %scan3A_202 to %scan3A_204 step %scan3A_205  : i32 {
        %broadcast_in_dim3A_211 = arith.constant 0.000000e+00 : f32
        %broadcast_in_dim3A_212 = vector.broadcast %broadcast_in_dim3A_211 : f32 to vector<16xf32>
        %broadcast_in_dim3A_213 = arith.constant 0.000000e+00 : f32
        %broadcast_in_dim3A_214 = vector.broadcast %broadcast_in_dim3A_213 : f32 to vector<16xf32>
        %broadcast_in_dim3A_215 = arith.constant 0 : i32
        %broadcast_in_dim3A_216 = vector.broadcast %broadcast_in_dim3A_215 : i32 to vector<16xi32>
        %add3A_217 = vector.broadcast %scan3A_210 : i32 to vector<16xi32>
        %add3A_218 = arith.addi %broadcast_in_dim3A_216, %add3A_217 : vector<16xi32>
        %mul3A_219 = arith.constant 128 : i32
        %mul3A_220 = vector.broadcast %mul3A_219 : i32 to vector<16xi32>
        %mul3A_221 = arith.muli %iota3A, %mul3A_220 : vector<16xi32>
        %add3A_222 = arith.addi %mul3A_221, %add3A_218 : vector<16xi32>
        %gather3A = tpu.vector_load_idx %arg16[%iota3A, %add3A_218] : memref<16x128xf32, #tpu.memory_space<vmem>>[vector<16xi32>, vector<16xi32>], vector<16xf32>,
        %gather3A_223 = tpu.vector_load_idx %arg15[%iota3A, %add3A_218] : memref<16x128xi32, #tpu.memory_space<vmem>>[vector<16xi32>, vector<16xi32>], vector<16xi32>,
        %gather3A_224 = tpu.vector_load_idx %arg17[%add3A_222, %gather3A_223] : memref<2048x8xf32, #tpu.memory_space<vmem>>[vector<16xi32>, vector<16xi32>], vector<16xf32>,
        %gather3A_225 = tpu.vector_load_idx %arg18[%add3A_222, %gather3A_223] : memref<2048x8xf32, #tpu.memory_space<vmem>>[vector<16xi32>, vector<16xi32>], vector<16xf32>,
        %mul3A_226 = arith.mulf %gather3A_224, %gather3A : vector<16xf32>
        %add3A_227 = arith.addf %broadcast_in_dim3A_212, %mul3A_226 : vector<16xf32>
        %mul3A_228 = arith.mulf %gather3A_225, %gather3A : vector<16xf32>
        %add3A_229 = arith.addf %broadcast_in_dim3A_214, %mul3A_228 : vector<16xf32>
        %broadcast_in_dim3A_230 = arith.constant 16 : i32
        %broadcast_in_dim3A_231 = vector.broadcast %broadcast_in_dim3A_230 : i32 to vector<16xi32>
        %add3A_232 = vector.broadcast %scan3A_210 : i32 to vector<16xi32>
        %add3A_233 = arith.addi %broadcast_in_dim3A_231, %add3A_232 : vector<16xi32>
        %mul3A_234 = arith.constant 128 : i32
        %mul3A_235 = vector.broadcast %mul3A_234 : i32 to vector<16xi32>
        %mul3A_236 = arith.muli %iota3A, %mul3A_235 : vector<16xi32>
        %add3A_237 = arith.addi %mul3A_236, %add3A_233 : vector<16xi32>
        %gather3A_238 = tpu.vector_load_idx %arg16[%iota3A, %add3A_233] : memref<16x128xf32, #tpu.memory_space<vmem>>[vector<16xi32>, vector<16xi32>], vector<16xf32>,
        %gather3A_239 = tpu.vector_load_idx %arg15[%iota3A, %add3A_233] : memref<16x128xi32, #tpu.memory_space<vmem>>[vector<16xi32>, vector<16xi32>], vector<16xi32>,
        %gather3A_240 = tpu.vector_load_idx %arg17[%add3A_237, %gather3A_239] : memref<2048x8xf32, #tpu.memory_space<vmem>>[vector<16xi32>, vector<16xi32>], vector<16xf32>,
        %gather3A_241 = tpu.vector_load_idx %arg18[%add3A_237, %gather3A_239] : memref<2048x8xf32, #tpu.memory_space<vmem>>[vector<16xi32>, vector<16xi32>], vector<16xf32>,
        %mul3A_242 = arith.mulf %gather3A_240, %gather3A_238 : vector<16xf32>
        %add3A_243 = arith.addf %add3A_227, %mul3A_242 : vector<16xf32>
        %mul3A_244 = arith.mulf %gather3A_241, %gather3A_238 : vector<16xf32>
        %add3A_245 = arith.addf %add3A_229, %mul3A_244 : vector<16xf32>
        %broadcast_in_dim3A_246 = arith.constant 32 : i32
        %broadcast_in_dim3A_247 = vector.broadcast %broadcast_in_dim3A_246 : i32 to vector<16xi32>
        %add3A_248 = vector.broadcast %scan3A_210 : i32 to vector<16xi32>
        %add3A_249 = arith.addi %broadcast_in_dim3A_247, %add3A_248 : vector<16xi32>
        %mul3A_250 = arith.constant 128 : i32
        %mul3A_251 = vector.broadcast %mul3A_250 : i32 to vector<16xi32>
        %mul3A_252 = arith.muli %iota3A, %mul3A_251 : vector<16xi32>
        %add3A_253 = arith.addi %mul3A_252, %add3A_249 : vector<16xi32>
        %gather3A_254 = tpu.vector_load_idx %arg16[%iota3A, %add3A_249] : memref<16x128xf32, #tpu.memory_space<vmem>>[vector<16xi32>, vector<16xi32>], vector<16xf32>,
        %gather3A_255 = tpu.vector_load_idx %arg15[%iota3A, %add3A_249] : memref<16x128xi32, #tpu.memory_space<vmem>>[vector<16xi32>, vector<16xi32>], vector<16xi32>,
        %gather3A_256 = tpu.vector_load_idx %arg17[%add3A_253, %gather3A_255] : memref<2048x8xf32, #tpu.memory_space<vmem>>[vector<16xi32>, vector<16xi32>], vector<16xf32>,
        %gather3A_257 = tpu.vector_load_idx %arg18[%add3A_253, %gather3A_255] : memref<2048x8xf32, #tpu.memory_space<vmem>>[vector<16xi32>, vector<16xi32>], vector<16xf32>,
        %mul3A_258 = arith.mulf %gather3A_256, %gather3A_254 : vector<16xf32>
        %add3A_259 = arith.addf %add3A_243, %mul3A_258 : vector<16xf32>
        %mul3A_260 = arith.mulf %gather3A_257, %gather3A_254 : vector<16xf32>
        %add3A_261 = arith.addf %add3A_245, %mul3A_260 : vector<16xf32>
        %broadcast_in_dim3A_262 = arith.constant 48 : i32
        %broadcast_in_dim3A_263 = vector.broadcast %broadcast_in_dim3A_262 : i32 to vector<16xi32>
        %add3A_264 = vector.broadcast %scan3A_210 : i32 to vector<16xi32>
        %add3A_265 = arith.addi %broadcast_in_dim3A_263, %add3A_264 : vector<16xi32>
        %mul3A_266 = arith.constant 128 : i32
        %mul3A_267 = vector.broadcast %mul3A_266 : i32 to vector<16xi32>
        %mul3A_268 = arith.muli %iota3A, %mul3A_267 : vector<16xi32>
        %add3A_269 = arith.addi %mul3A_268, %add3A_265 : vector<16xi32>
        %gather3A_270 = tpu.vector_load_idx %arg16[%iota3A, %add3A_265] : memref<16x128xf32, #tpu.memory_space<vmem>>[vector<16xi32>, vector<16xi32>], vector<16xf32>,
        %gather3A_271 = tpu.vector_load_idx %arg15[%iota3A, %add3A_265] : memref<16x128xi32, #tpu.memory_space<vmem>>[vector<16xi32>, vector<16xi32>], vector<16xi32>,
        %gather3A_272 = tpu.vector_load_idx %arg17[%add3A_269, %gather3A_271] : memref<2048x8xf32, #tpu.memory_space<vmem>>[vector<16xi32>, vector<16xi32>], vector<16xf32>,
        %gather3A_273 = tpu.vector_load_idx %arg18[%add3A_269, %gather3A_271] : memref<2048x8xf32, #tpu.memory_space<vmem>>[vector<16xi32>, vector<16xi32>], vector<16xf32>,
        %mul3A_274 = arith.mulf %gather3A_272, %gather3A_270 : vector<16xf32>
        %add3A_275 = arith.addf %add3A_259, %mul3A_274 : vector<16xf32>
        %mul3A_276 = arith.mulf %gather3A_273, %gather3A_270 : vector<16xf32>
        %add3A_277 = arith.addf %add3A_261, %mul3A_276 : vector<16xf32>
        %broadcast_in_dim3A_278 = arith.constant 64 : i32
        %broadcast_in_dim3A_279 = vector.broadcast %broadcast_in_dim3A_278 : i32 to vector<16xi32>
        %add3A_280 = vector.broadcast %scan3A_210 : i32 to vector<16xi32>
        %add3A_281 = arith.addi %broadcast_in_dim3A_279, %add3A_280 : vector<16xi32>
        %mul3A_282 = arith.constant 128 : i32
        %mul3A_283 = vector.broadcast %mul3A_282 : i32 to vector<16xi32>
        %mul3A_284 = arith.muli %iota3A, %mul3A_283 : vector<16xi32>
        %add3A_285 = arith.addi %mul3A_284, %add3A_281 : vector<16xi32>
        %gather3A_286 = tpu.vector_load_idx %arg16[%iota3A, %add3A_281] : memref<16x128xf32, #tpu.memory_space<vmem>>[vector<16xi32>, vector<16xi32>], vector<16xf32>,
        %gather3A_287 = tpu.vector_load_idx %arg15[%iota3A, %add3A_281] : memref<16x128xi32, #tpu.memory_space<vmem>>[vector<16xi32>, vector<16xi32>], vector<16xi32>,
        %gather3A_288 = tpu.vector_load_idx %arg17[%add3A_285, %gather3A_287] : memref<2048x8xf32, #tpu.memory_space<vmem>>[vector<16xi32>, vector<16xi32>], vector<16xf32>,
        %gather3A_289 = tpu.vector_load_idx %arg18[%add3A_285, %gather3A_287] : memref<2048x8xf32, #tpu.memory_space<vmem>>[vector<16xi32>, vector<16xi32>], vector<16xf32>,
        %mul3A_290 = arith.mulf %gather3A_288, %gather3A_286 : vector<16xf32>
        %add3A_291 = arith.addf %add3A_275, %mul3A_290 : vector<16xf32>
        %mul3A_292 = arith.mulf %gather3A_289, %gather3A_286 : vector<16xf32>
        %add3A_293 = arith.addf %add3A_277, %mul3A_292 : vector<16xf32>
        %broadcast_in_dim3A_294 = arith.constant 80 : i32
        %broadcast_in_dim3A_295 = vector.broadcast %broadcast_in_dim3A_294 : i32 to vector<16xi32>
        %add3A_296 = vector.broadcast %scan3A_210 : i32 to vector<16xi32>
        %add3A_297 = arith.addi %broadcast_in_dim3A_295, %add3A_296 : vector<16xi32>
        %mul3A_298 = arith.constant 128 : i32
        %mul3A_299 = vector.broadcast %mul3A_298 : i32 to vector<16xi32>
        %mul3A_300 = arith.muli %iota3A, %mul3A_299 : vector<16xi32>
        %add3A_301 = arith.addi %mul3A_300, %add3A_297 : vector<16xi32>
        %gather3A_302 = tpu.vector_load_idx %arg16[%iota3A, %add3A_297] : memref<16x128xf32, #tpu.memory_space<vmem>>[vector<16xi32>, vector<16xi32>], vector<16xf32>,
        %gather3A_303 = tpu.vector_load_idx %arg15[%iota3A, %add3A_297] : memref<16x128xi32, #tpu.memory_space<vmem>>[vector<16xi32>, vector<16xi32>], vector<16xi32>,
        %gather3A_304 = tpu.vector_load_idx %arg17[%add3A_301, %gather3A_303] : memref<2048x8xf32, #tpu.memory_space<vmem>>[vector<16xi32>, vector<16xi32>], vector<16xf32>,
        %gather3A_305 = tpu.vector_load_idx %arg18[%add3A_301, %gather3A_303] : memref<2048x8xf32, #tpu.memory_space<vmem>>[vector<16xi32>, vector<16xi32>], vector<16xf32>,
        %mul3A_306 = arith.mulf %gather3A_304, %gather3A_302 : vector<16xf32>
        %add3A_307 = arith.addf %add3A_291, %mul3A_306 : vector<16xf32>
        %mul3A_308 = arith.mulf %gather3A_305, %gather3A_302 : vector<16xf32>
        %add3A_309 = arith.addf %add3A_293, %mul3A_308 : vector<16xf32>
        %broadcast_in_dim3A_310 = arith.constant 96 : i32
        %broadcast_in_dim3A_311 = vector.broadcast %broadcast_in_dim3A_310 : i32 to vector<16xi32>
        %add3A_312 = vector.broadcast %scan3A_210 : i32 to vector<16xi32>
        %add3A_313 = arith.addi %broadcast_in_dim3A_311, %add3A_312 : vector<16xi32>
        %mul3A_314 = arith.constant 128 : i32
        %mul3A_315 = vector.broadcast %mul3A_314 : i32 to vector<16xi32>
        %mul3A_316 = arith.muli %iota3A, %mul3A_315 : vector<16xi32>
        %add3A_317 = arith.addi %mul3A_316, %add3A_313 : vector<16xi32>
        %gather3A_318 = tpu.vector_load_idx %arg16[%iota3A, %add3A_313] : memref<16x128xf32, #tpu.memory_space<vmem>>[vector<16xi32>, vector<16xi32>], vector<16xf32>,
        %gather3A_319 = tpu.vector_load_idx %arg15[%iota3A, %add3A_313] : memref<16x128xi32, #tpu.memory_space<vmem>>[vector<16xi32>, vector<16xi32>], vector<16xi32>,
        %gather3A_320 = tpu.vector_load_idx %arg17[%add3A_317, %gather3A_319] : memref<2048x8xf32, #tpu.memory_space<vmem>>[vector<16xi32>, vector<16xi32>], vector<16xf32>,
        %gather3A_321 = tpu.vector_load_idx %arg18[%add3A_317, %gather3A_319] : memref<2048x8xf32, #tpu.memory_space<vmem>>[vector<16xi32>, vector<16xi32>], vector<16xf32>,
        %mul3A_322 = arith.mulf %gather3A_320, %gather3A_318 : vector<16xf32>
        %add3A_323 = arith.addf %add3A_307, %mul3A_322 : vector<16xf32>
        %mul3A_324 = arith.mulf %gather3A_321, %gather3A_318 : vector<16xf32>
        %add3A_325 = arith.addf %add3A_309, %mul3A_324 : vector<16xf32>
        %broadcast_in_dim3A_326 = arith.constant 112 : i32
        %broadcast_in_dim3A_327 = vector.broadcast %broadcast_in_dim3A_326 : i32 to vector<16xi32>
        %add3A_328 = vector.broadcast %scan3A_210 : i32 to vector<16xi32>
        %add3A_329 = arith.addi %broadcast_in_dim3A_327, %add3A_328 : vector<16xi32>
        %mul3A_330 = arith.constant 128 : i32
        %mul3A_331 = vector.broadcast %mul3A_330 : i32 to vector<16xi32>
        %mul3A_332 = arith.muli %iota3A, %mul3A_331 : vector<16xi32>
        %add3A_333 = arith.addi %mul3A_332, %add3A_329 : vector<16xi32>
        %gather3A_334 = tpu.vector_load_idx %arg16[%iota3A, %add3A_329] : memref<16x128xf32, #tpu.memory_space<vmem>>[vector<16xi32>, vector<16xi32>], vector<16xf32>,
        %gather3A_335 = tpu.vector_load_idx %arg15[%iota3A, %add3A_329] : memref<16x128xi32, #tpu.memory_space<vmem>>[vector<16xi32>, vector<16xi32>], vector<16xi32>,
        %gather3A_336 = tpu.vector_load_idx %arg17[%add3A_333, %gather3A_335] : memref<2048x8xf32, #tpu.memory_space<vmem>>[vector<16xi32>, vector<16xi32>], vector<16xf32>,
        %gather3A_337 = tpu.vector_load_idx %arg18[%add3A_333, %gather3A_335] : memref<2048x8xf32, #tpu.memory_space<vmem>>[vector<16xi32>, vector<16xi32>], vector<16xf32>,
        %mul3A_338 = arith.mulf %gather3A_336, %gather3A_334 : vector<16xf32>
        %add3A_339 = arith.addf %add3A_323, %mul3A_338 : vector<16xf32>
        %mul3A_340 = arith.mulf %gather3A_337, %gather3A_334 : vector<16xf32>
        %add3A_341 = arith.addf %add3A_325, %mul3A_340 : vector<16xf32>
        %broadcast_in_dim3A_342 = arith.constant 2 : i32
        %broadcast_in_dim3A_343 = vector.broadcast %broadcast_in_dim3A_342 : i32 to vector<16xi32>
        %mul3A_344 = vector.broadcast %scan3A_210 : i32 to vector<16xi32>
        %mul3A_345 = arith.muli %broadcast_in_dim3A_343, %mul3A_344 : vector<16xi32>
        tpu.vector_store_idx %arg19[%mul3A_345, %iota3A], %add3A_339 : memref<32x16xf32, #tpu.memory_space<vmem>>[vector<16xi32>, vector<16xi32>], vector<16xf32>,
        %add3A_346 = arith.constant 1 : i32
        %add3A_347 = vector.broadcast %add3A_346 : i32 to vector<16xi32>
        %add3A_348 = arith.addi %mul3A_345, %add3A_347 : vector<16xi32>
        tpu.vector_store_idx %arg19[%add3A_348, %iota3A], %add3A_341 : memref<32x16xf32, #tpu.memory_space<vmem>>[vector<16xi32>, vector<16xi32>], vector<16xf32>,
      }
      %scan3A_206 = arith.constant 16 : i32
      %mul3A_207 = arith.constant 16 : i32
      %mul3A_208 = arith.muli %add3A_200, %mul3A_207 : i32
      %add3A_209 = arith.addi %mul3A_2, %mul3A_208 : i32
      "tpu.region"() ({
        %run_scoped3A_210 = tpu.sem_alloc : memref<!tpu.dma_semaphore, #tpu.memory_space<semaphore_mem>>
        %dma_start3A_211 = arith.constant 0 : i32
        %dma_start3A_212 = tpu.memref_slice %arg4[%dma_start3A_211, %add3A_209] : memref<32x131072xf32, #tpu.memory_space<hbm>> -> memref<32x16xf32, #tpu.memory_space<hbm>>
        %dma_start3A_213 = arith.constant 0 : i32
        %dma_start3A_214 = tpu.memref_slice %arg4[%dma_start3A_213, %add3A_209] : memref<32x131072xf32, #tpu.memory_space<hbm>> -> memref<32x16xf32, #tpu.memory_space<hbm>>
        tpu.enqueue_dma source(%arg19 : memref<32x16xf32, #tpu.memory_space<vmem>>) target(%dma_start3A_214 : memref<32x16xf32, #tpu.memory_space<hbm>>) target_semaphore(%run_scoped3A_210 : memref<!tpu.dma_semaphore, #tpu.memory_space<semaphore_mem>>)
        %dma_wait3A_215 = arith.constant 0 : i32
        %dma_wait3A_216 = tpu.memref_slice %arg4[%dma_wait3A_215, %add3A_209] : memref<32x131072xf32, #tpu.memory_space<hbm>> -> memref<32x16xf32, #tpu.memory_space<hbm>>
        %dma_wait3A_217 = arith.constant 0 : i32
        %dma_wait3A_218 = tpu.memref_slice %arg4[%dma_wait3A_217, %add3A_209] : memref<32x131072xf32, #tpu.memory_space<hbm>> -> memref<32x16xf32, #tpu.memory_space<hbm>>
        tpu.wait_dma2 semaphore(%run_scoped3A_210 : memref<!tpu.dma_semaphore, #tpu.memory_space<semaphore_mem>>) src(%arg19 : memref<32x16xf32, #tpu.memory_space<vmem>>) dst(%dma_wait3A_218 : memref<32x16xf32, #tpu.memory_space<hbm>>)
        tpu.yield
      }) : () -> ()
    }
    %scan3A_133 = arith.constant 128 : i32
    return
  }
}

module attributes {stable_mosaic.version = 14 : i64} {
  func.func @_tc_mlp_body(%arg0: i32, %arg1: memref<32x2048xf32, #tpu.memory_space<vmem>>, %arg2: memref<3x2048xf32, #tpu.memory_space<vmem>>, %arg3: memref<3x2048xf32, #tpu.memory_space<vmem>>, %arg4: memref<64x32xf32, #tpu.memory_space<vmem>>, %arg5: memref<64x1xf32, #tpu.memory_space<vmem>>, %arg6: memref<1x64xf32, #tpu.memory_space<vmem>>, %arg7: memref<15x64xf32, #tpu.memory_space<vmem>>, %arg8: memref<1x1xf32, #tpu.memory_space<vmem>>, %arg9: memref<15x1xf32, #tpu.memory_space<vmem>>, %arg10: memref<64x3xf32, #tpu.memory_space<vmem>>, %arg11: memref<64x16xf32, #tpu.memory_space<vmem>>, %arg12: memref<64x15xf32, #tpu.memory_space<vmem>>, %arg13: memref<64x1xf32, #tpu.memory_space<vmem>>, %arg14: memref<64x64xf32, #tpu.memory_space<vmem>>, %arg15: memref<64x1xf32, #tpu.memory_space<vmem>>, %arg16: memref<3x64xf32, #tpu.memory_space<vmem>>, %arg17: memref<3x1xf32, #tpu.memory_space<vmem>>, %arg18: memref<1x2048xf32, #tpu.memory_space<vmem>>, %arg19: memref<3x2048xf32, #tpu.memory_space<vmem>>) attributes {dimension_semantics = [#tpu.dimension_semantics<arbitrary>], iteration_bounds = array<i64: 64>, scalar_prefetch = 0 : i64, scratch_operands = 0 : i64, tpu.core_type = #tpu.core_type<tc>, window_params = [{transform_indices = @transform_0, window_bounds = array<i64: 32, 2048>}, {transform_indices = @transform_1, window_bounds = array<i64: 3, 2048>}, {transform_indices = @transform_2, window_bounds = array<i64: 3, 2048>}, {pipeline_mode = #tpu.pipeline_mode<synchronous>, transform_indices = @transform_3, window_bounds = array<i64: 64, 32>}, {pipeline_mode = #tpu.pipeline_mode<synchronous>, transform_indices = @transform_4, window_bounds = array<i64: 64, 1>}, {pipeline_mode = #tpu.pipeline_mode<synchronous>, transform_indices = @transform_5, window_bounds = array<i64: 1, 64>}, {pipeline_mode = #tpu.pipeline_mode<synchronous>, transform_indices = @transform_6, window_bounds = array<i64: 15, 64>}, {pipeline_mode = #tpu.pipeline_mode<synchronous>, transform_indices = @transform_7, window_bounds = array<i64: 1, 1>}, {pipeline_mode = #tpu.pipeline_mode<synchronous>, transform_indices = @transform_8, window_bounds = array<i64: 15, 1>}, {pipeline_mode = #tpu.pipeline_mode<synchronous>, transform_indices = @transform_9, window_bounds = array<i64: 64, 3>}, {pipeline_mode = #tpu.pipeline_mode<synchronous>, transform_indices = @transform_10, window_bounds = array<i64: 64, 16>}, {pipeline_mode = #tpu.pipeline_mode<synchronous>, transform_indices = @transform_11, window_bounds = array<i64: 64, 15>}, {pipeline_mode = #tpu.pipeline_mode<synchronous>, transform_indices = @transform_12, window_bounds = array<i64: 64, 1>}, {pipeline_mode = #tpu.pipeline_mode<synchronous>, transform_indices = @transform_13, window_bounds = array<i64: 64, 64>}, {pipeline_mode = #tpu.pipeline_mode<synchronous>, transform_indices = @transform_14, window_bounds = array<i64: 64, 1>}, {pipeline_mode = #tpu.pipeline_mode<synchronous>, transform_indices = @transform_15, window_bounds = array<i64: 3, 64>}, {pipeline_mode = #tpu.pipeline_mode<synchronous>, transform_indices = @transform_16, window_bounds = array<i64: 3, 1>}, {transform_indices = @transform_17, window_bounds = array<i64: 1, 2048>}, {transform_indices = @transform_18, window_bounds = array<i64: 3, 2048>}]} {
    %get3A = arith.constant 0 : index
    %get3A_0 = arith.constant 0 : index
    %get3A_1 = vector.load %arg1[%get3A, %get3A_0] : memref<32x2048xf32, #tpu.memory_space<vmem>>, vector<32x2048xf32>
    %get3A_2 = arith.constant 0 : index
    %get3A_3 = arith.constant 0 : index
    %get3A_4 = vector.load %arg4[%get3A_2, %get3A_3] : memref<64x32xf32, #tpu.memory_space<vmem>>, vector<64x32xf32>
    %dot_general3A = arith.constant dense<0.000000e+00> : vector<64x2048xf32>
    %dot_general3A_5 = tpu.matmul %get3A_4, %get3A_1, %dot_general3A {dimension_numbers = #tpu.dot_dimension_numbers<[1], [0], [0], [1], [0, 0, 1, 1], [], []>, transpose_lhs_hint = false} : vector<64x32xf32>, vector<32x2048xf32>, vector<64x2048xf32> -> vector<64x2048xf32>
    %get3A_6 = arith.constant 0 : index
    %get3A_7 = arith.constant 0 : index
    %get3A_8 = vector.load %arg5[%get3A_6, %get3A_7] : memref<64x1xf32, #tpu.memory_space<vmem>>, vector<64x1xf32>
    %add3A = vector.broadcast %get3A_8 : vector<64x1xf32> to vector<64x2048xf32>
    %add3A_9 = arith.addf %dot_general3A_5, %add3A : vector<64x2048xf32>
    %max3A = arith.constant 0.000000e+00 : f32
    %max3A_10 = vector.broadcast %max3A : f32 to vector<64x2048xf32>
    %max3A_11 = arith.maximumf %add3A_9, %max3A_10 : vector<64x2048xf32>
    %get3A_12 = arith.constant 0 : index
    %get3A_13 = arith.constant 0 : index
    %get3A_14 = vector.load %arg6[%get3A_12, %get3A_13] : memref<1x64xf32, #tpu.memory_space<vmem>>, vector<1x64xf32>
    %dot_general3A_15 = arith.constant dense<0.000000e+00> : vector<1x2048xf32>
    %dot_general3A_16 = tpu.matmul %get3A_14, %max3A_11, %dot_general3A_15 {dimension_numbers = #tpu.dot_dimension_numbers<[1], [0], [0], [1], [0, 0, 1, 1], [], []>, transpose_lhs_hint = false} : vector<1x64xf32>, vector<64x2048xf32>, vector<1x2048xf32> -> vector<1x2048xf32>
    %get3A_17 = arith.constant 0 : index
    %get3A_18 = arith.constant 0 : index
    %get3A_19 = vector.load %arg8[%get3A_17, %get3A_18] : memref<1x1xf32, #tpu.memory_space<vmem>>, vector<1x1xf32>
    %add3A_20 = vector.broadcast %get3A_19 : vector<1x1xf32> to vector<1x2048xf32>
    %add3A_21 = arith.addf %dot_general3A_16, %add3A_20 : vector<1x2048xf32>
    %swap3A = arith.constant 0 : index
    %swap3A_22 = arith.constant 0 : index
    %swap3A_23 = vector.load %arg18[%swap3A, %swap3A_22] : memref<1x2048xf32, #tpu.memory_space<vmem>>, vector<1x2048xf32>
    tpu.vector_store %arg18[%swap3A, %swap3A_22], %add3A_21 {strides = array<i32>} : memref<1x2048xf32, #tpu.memory_space<vmem>>, vector<1x2048xf32>,
    %get3A_24 = arith.constant 0 : index
    %get3A_25 = arith.constant 0 : index
    %get3A_26 = vector.load %arg7[%get3A_24, %get3A_25] : memref<15x64xf32, #tpu.memory_space<vmem>>, vector<15x64xf32>
    %dot_general3A_27 = arith.constant dense<0.000000e+00> : vector<15x2048xf32>
    %dot_general3A_28 = tpu.matmul %get3A_26, %max3A_11, %dot_general3A_27 {dimension_numbers = #tpu.dot_dimension_numbers<[1], [0], [0], [1], [0, 0, 1, 1], [], []>, transpose_lhs_hint = false} : vector<15x64xf32>, vector<64x2048xf32>, vector<15x2048xf32> -> vector<15x2048xf32>
    %get3A_29 = arith.constant 0 : index
    %get3A_30 = arith.constant 0 : index
    %get3A_31 = vector.load %arg9[%get3A_29, %get3A_30] : memref<15x1xf32, #tpu.memory_space<vmem>>, vector<15x1xf32>
    %add3A_32 = vector.broadcast %get3A_31 : vector<15x1xf32> to vector<15x2048xf32>
    %add3A_33 = arith.addf %dot_general3A_28, %add3A_32 : vector<15x2048xf32>
    %get3A_34 = arith.constant 0 : index
    %get3A_35 = arith.constant 0 : index
    %get3A_36 = vector.load %arg3[%get3A_34, %get3A_35] : memref<3x2048xf32, #tpu.memory_space<vmem>>, vector<3x2048xf32>
    %slice3A = vector.extract_strided_slice %get3A_36 {offsets = [0, 0], sizes = [1, 2048], strides = [1, 1]} : vector<3x2048xf32> to vector<1x2048xf32>
    %slice3A_37 = vector.extract_strided_slice %get3A_36 {offsets = [1, 0], sizes = [1, 2048], strides = [1, 1]} : vector<3x2048xf32> to vector<1x2048xf32>
    %slice3A_38 = vector.extract_strided_slice %get3A_36 {offsets = [2, 0], sizes = [1, 2048], strides = [1, 1]} : vector<3x2048xf32> to vector<1x2048xf32>
    %mul3A = arith.mulf %slice3A, %slice3A : vector<1x2048xf32>
    %mul3A_39 = arith.mulf %slice3A_37, %slice3A_37 : vector<1x2048xf32>
    %add3A_40 = arith.addf %mul3A, %mul3A_39 : vector<1x2048xf32>
    %mul3A_41 = arith.mulf %slice3A_38, %slice3A_38 : vector<1x2048xf32>
    %add3A_42 = arith.addf %add3A_40, %mul3A_41 : vector<1x2048xf32>
    %sqrt3A = math.sqrt %add3A_42 : vector<1x2048xf32>
    %add3A_43 = arith.constant 9.99999997E-7 : f32
    %add3A_44 = vector.broadcast %add3A_43 : f32 to vector<1x2048xf32>
    %add3A_45 = arith.addf %sqrt3A, %add3A_44 : vector<1x2048xf32>
    %div3A = arith.constant 1.000000e+00 : f32
    %div3A_46 = vector.broadcast %div3A : f32 to vector<1x2048xf32>
    %div3A_47 = arith.divf %div3A_46, %add3A_45 : vector<1x2048xf32>
    %mul3A_48 = arith.mulf %slice3A, %div3A_47 : vector<1x2048xf32>
    %mul3A_49 = arith.mulf %slice3A_37, %div3A_47 : vector<1x2048xf32>
    %mul3A_50 = arith.mulf %slice3A_38, %div3A_47 : vector<1x2048xf32>
    %mul3A_51 = arith.mulf %mul3A_48, %mul3A_48 : vector<1x2048xf32>
    %mul3A_52 = arith.mulf %mul3A_49, %mul3A_49 : vector<1x2048xf32>
    %mul3A_53 = arith.mulf %mul3A_50, %mul3A_50 : vector<1x2048xf32>
    %mul3A_54 = arith.mulf %mul3A_48, %mul3A_49 : vector<1x2048xf32>
    %mul3A_55 = arith.mulf %mul3A_49, %mul3A_50 : vector<1x2048xf32>
    %mul3A_56 = arith.mulf %mul3A_48, %mul3A_50 : vector<1x2048xf32>
    %broadcast_in_dim3A = arith.constant 0.282094806 : f32
    %broadcast_in_dim3A_57 = vector.broadcast %broadcast_in_dim3A : f32 to vector<1x2048xf32>
    %mul3A_58 = arith.constant -0.488602519 : f32
    %mul3A_59 = vector.broadcast %mul3A_58 : f32 to vector<1x2048xf32>
    %mul3A_60 = arith.mulf %mul3A_59, %mul3A_49 : vector<1x2048xf32>
    %mul3A_61 = arith.constant 0.488602519 : f32
    %mul3A_62 = vector.broadcast %mul3A_61 : f32 to vector<1x2048xf32>
    %mul3A_63 = arith.mulf %mul3A_62, %mul3A_50 : vector<1x2048xf32>
    %mul3A_64 = arith.constant -0.488602519 : f32
    %mul3A_65 = vector.broadcast %mul3A_64 : f32 to vector<1x2048xf32>
    %mul3A_66 = arith.mulf %mul3A_65, %mul3A_48 : vector<1x2048xf32>
    %mul3A_67 = arith.constant 1.09254849 : f32
    %mul3A_68 = vector.broadcast %mul3A_67 : f32 to vector<1x2048xf32>
    %mul3A_69 = arith.mulf %mul3A_68, %mul3A_54 : vector<1x2048xf32>
    %mul3A_70 = arith.constant -1.09254849 : f32
    %mul3A_71 = vector.broadcast %mul3A_70 : f32 to vector<1x2048xf32>
    %mul3A_72 = arith.mulf %mul3A_71, %mul3A_55 : vector<1x2048xf32>
    %mul3A_73 = arith.constant 0.946174681 : f32
    %mul3A_74 = vector.broadcast %mul3A_73 : f32 to vector<1x2048xf32>
    %mul3A_75 = arith.mulf %mul3A_74, %mul3A_53 : vector<1x2048xf32>
    %sub3A = arith.constant 0.31539157 : f32
    %sub3A_76 = vector.broadcast %sub3A : f32 to vector<1x2048xf32>
    %sub3A_77 = arith.subf %mul3A_75, %sub3A_76 : vector<1x2048xf32>
    %mul3A_78 = arith.constant -1.09254849 : f32
    %mul3A_79 = vector.broadcast %mul3A_78 : f32 to vector<1x2048xf32>
    %mul3A_80 = arith.mulf %mul3A_79, %mul3A_56 : vector<1x2048xf32>
    %sub3A_81 = arith.subf %mul3A_51, %mul3A_52 : vector<1x2048xf32>
    %mul3A_82 = arith.constant 0.546274245 : f32
    %mul3A_83 = vector.broadcast %mul3A_82 : f32 to vector<1x2048xf32>
    %mul3A_84 = arith.mulf %mul3A_83, %sub3A_81 : vector<1x2048xf32>
    %mul3A_85 = arith.constant 0.590043604 : f32
    %mul3A_86 = vector.broadcast %mul3A_85 : f32 to vector<1x2048xf32>
    %mul3A_87 = arith.mulf %mul3A_86, %mul3A_49 : vector<1x2048xf32>
    %mul3A_88 = arith.constant -3.000000e+00 : f32
    %mul3A_89 = vector.broadcast %mul3A_88 : f32 to vector<1x2048xf32>
    %mul3A_90 = arith.mulf %mul3A_89, %mul3A_51 : vector<1x2048xf32>
    %add3A_91 = arith.addf %mul3A_90, %mul3A_52 : vector<1x2048xf32>
    %mul3A_92 = arith.mulf %mul3A_87, %add3A_91 : vector<1x2048xf32>
    %mul3A_93 = arith.constant 2.89061141 : f32
    %mul3A_94 = vector.broadcast %mul3A_93 : f32 to vector<1x2048xf32>
    %mul3A_95 = arith.mulf %mul3A_94, %mul3A_54 : vector<1x2048xf32>
    %mul3A_96 = arith.mulf %mul3A_95, %mul3A_50 : vector<1x2048xf32>
    %mul3A_97 = arith.constant 0.457045794 : f32
    %mul3A_98 = vector.broadcast %mul3A_97 : f32 to vector<1x2048xf32>
    %mul3A_99 = arith.mulf %mul3A_98, %mul3A_49 : vector<1x2048xf32>
    %mul3A_100 = arith.constant 5.000000e+00 : f32
    %mul3A_101 = vector.broadcast %mul3A_100 : f32 to vector<1x2048xf32>
    %mul3A_102 = arith.mulf %mul3A_101, %mul3A_53 : vector<1x2048xf32>
    %sub3A_103 = arith.constant 1.000000e+00 : f32
    %sub3A_104 = vector.broadcast %sub3A_103 : f32 to vector<1x2048xf32>
    %sub3A_105 = arith.subf %sub3A_104, %mul3A_102 : vector<1x2048xf32>
    %mul3A_106 = arith.mulf %mul3A_99, %sub3A_105 : vector<1x2048xf32>
    %mul3A_107 = arith.constant 0.373176336 : f32
    %mul3A_108 = vector.broadcast %mul3A_107 : f32 to vector<1x2048xf32>
    %mul3A_109 = arith.mulf %mul3A_108, %mul3A_50 : vector<1x2048xf32>
    %mul3A_110 = arith.constant 5.000000e+00 : f32
    %mul3A_111 = vector.broadcast %mul3A_110 : f32 to vector<1x2048xf32>
    %mul3A_112 = arith.mulf %mul3A_111, %mul3A_53 : vector<1x2048xf32>
    %sub3A_113 = arith.constant 3.000000e+00 : f32
    %sub3A_114 = vector.broadcast %sub3A_113 : f32 to vector<1x2048xf32>
    %sub3A_115 = arith.subf %mul3A_112, %sub3A_114 : vector<1x2048xf32>
    %mul3A_116 = arith.mulf %mul3A_109, %sub3A_115 : vector<1x2048xf32>
    %mul3A_117 = arith.constant 0.457045794 : f32
    %mul3A_118 = vector.broadcast %mul3A_117 : f32 to vector<1x2048xf32>
    %mul3A_119 = arith.mulf %mul3A_118, %mul3A_48 : vector<1x2048xf32>
    %mul3A_120 = arith.constant 5.000000e+00 : f32
    %mul3A_121 = vector.broadcast %mul3A_120 : f32 to vector<1x2048xf32>
    %mul3A_122 = arith.mulf %mul3A_121, %mul3A_53 : vector<1x2048xf32>
    %sub3A_123 = arith.constant 1.000000e+00 : f32
    %sub3A_124 = vector.broadcast %sub3A_123 : f32 to vector<1x2048xf32>
    %sub3A_125 = arith.subf %sub3A_124, %mul3A_122 : vector<1x2048xf32>
    %mul3A_126 = arith.mulf %mul3A_119, %sub3A_125 : vector<1x2048xf32>
    %mul3A_127 = arith.constant 1.44530571 : f32
    %mul3A_128 = vector.broadcast %mul3A_127 : f32 to vector<1x2048xf32>
    %mul3A_129 = arith.mulf %mul3A_128, %mul3A_50 : vector<1x2048xf32>
    %sub3A_130 = arith.subf %mul3A_51, %mul3A_52 : vector<1x2048xf32>
    %mul3A_131 = arith.mulf %mul3A_129, %sub3A_130 : vector<1x2048xf32>
    %mul3A_132 = arith.constant 0.590043604 : f32
    %mul3A_133 = vector.broadcast %mul3A_132 : f32 to vector<1x2048xf32>
    %mul3A_134 = arith.mulf %mul3A_133, %mul3A_48 : vector<1x2048xf32>
    %neg3A = arith.constant 0.000000e+00 : f32
    %neg3A_135 = vector.broadcast %neg3A : f32 to vector<1x2048xf32>
    %neg3A_136 = arith.subf %neg3A_135, %mul3A_51 : vector<1x2048xf32>
    %mul3A_137 = arith.constant 3.000000e+00 : f32
    %mul3A_138 = vector.broadcast %mul3A_137 : f32 to vector<1x2048xf32>
    %mul3A_139 = arith.mulf %mul3A_138, %mul3A_52 : vector<1x2048xf32>
    %add3A_140 = arith.addf %neg3A_136, %mul3A_139 : vector<1x2048xf32>
    %mul3A_141 = arith.mulf %mul3A_134, %add3A_140 : vector<1x2048xf32>
    %concatenate3A = tpu.concatenate %broadcast_in_dim3A_57, %mul3A_60, %mul3A_63, %mul3A_66, %mul3A_69, %mul3A_72, %sub3A_77, %mul3A_80, %mul3A_84, %mul3A_92, %mul3A_96, %mul3A_106, %mul3A_116, %mul3A_126, %mul3A_131, %mul3A_141 in 0 : vector<1x2048xf32>, vector<1x2048xf32>, vector<1x2048xf32>, vector<1x2048xf32>, vector<1x2048xf32>, vector<1x2048xf32>, vector<1x2048xf32>, vector<1x2048xf32>, vector<1x2048xf32>, vector<1x2048xf32>, vector<1x2048xf32>, vector<1x2048xf32>, vector<1x2048xf32>, vector<1x2048xf32>, vector<1x2048xf32>, vector<1x2048xf32> -> vector<16x2048xf32>
    %get3A_142 = arith.constant 0 : index
    %get3A_143 = arith.constant 0 : index
    %get3A_144 = vector.load %arg10[%get3A_142, %get3A_143] : memref<64x3xf32, #tpu.memory_space<vmem>>, vector<64x3xf32>
    %get3A_145 = arith.constant 0 : index
    %get3A_146 = arith.constant 0 : index
    %get3A_147 = vector.load %arg2[%get3A_145, %get3A_146] : memref<3x2048xf32, #tpu.memory_space<vmem>>, vector<3x2048xf32>
    %dot_general3A_148 = arith.constant dense<0.000000e+00> : vector<64x2048xf32>
    %dot_general3A_149 = tpu.matmul %get3A_144, %get3A_147, %dot_general3A_148 {dimension_numbers = #tpu.dot_dimension_numbers<[1], [0], [0], [1], [0, 0, 1, 1], [], []>, transpose_lhs_hint = false} : vector<64x3xf32>, vector<3x2048xf32>, vector<64x2048xf32> -> vector<64x2048xf32>
    %get3A_150 = arith.constant 0 : index
    %get3A_151 = arith.constant 0 : index
    %get3A_152 = vector.load %arg11[%get3A_150, %get3A_151] : memref<64x16xf32, #tpu.memory_space<vmem>>, vector<64x16xf32>
    %dot_general3A_153 = arith.constant dense<0.000000e+00> : vector<64x2048xf32>
    %dot_general3A_154 = tpu.matmul %get3A_152, %concatenate3A, %dot_general3A_153 {dimension_numbers = #tpu.dot_dimension_numbers<[1], [0], [0], [1], [0, 0, 1, 1], [], []>, transpose_lhs_hint = false} : vector<64x16xf32>, vector<16x2048xf32>, vector<64x2048xf32> -> vector<64x2048xf32>
    %add3A_155 = arith.addf %dot_general3A_149, %dot_general3A_154 : vector<64x2048xf32>
    %get3A_156 = arith.constant 0 : index
    %get3A_157 = arith.constant 0 : index
    %get3A_158 = vector.load %arg12[%get3A_156, %get3A_157] : memref<64x15xf32, #tpu.memory_space<vmem>>, vector<64x15xf32>
    %dot_general3A_159 = arith.constant dense<0.000000e+00> : vector<64x2048xf32>
    %dot_general3A_160 = tpu.matmul %get3A_158, %add3A_33, %dot_general3A_159 {dimension_numbers = #tpu.dot_dimension_numbers<[1], [0], [0], [1], [0, 0, 1, 1], [], []>, transpose_lhs_hint = false} : vector<64x15xf32>, vector<15x2048xf32>, vector<64x2048xf32> -> vector<64x2048xf32>
    %add3A_161 = arith.addf %add3A_155, %dot_general3A_160 : vector<64x2048xf32>
    %get3A_162 = arith.constant 0 : index
    %get3A_163 = arith.constant 0 : index
    %get3A_164 = vector.load %arg13[%get3A_162, %get3A_163] : memref<64x1xf32, #tpu.memory_space<vmem>>, vector<64x1xf32>
    %add3A_165 = vector.broadcast %get3A_164 : vector<64x1xf32> to vector<64x2048xf32>
    %add3A_166 = arith.addf %add3A_161, %add3A_165 : vector<64x2048xf32>
    %max3A_167 = arith.constant 0.000000e+00 : f32
    %max3A_168 = vector.broadcast %max3A_167 : f32 to vector<64x2048xf32>
    %max3A_169 = arith.maximumf %add3A_166, %max3A_168 : vector<64x2048xf32>
    %get3A_170 = arith.constant 0 : index
    %get3A_171 = arith.constant 0 : index
    %get3A_172 = vector.load %arg14[%get3A_170, %get3A_171] : memref<64x64xf32, #tpu.memory_space<vmem>>, vector<64x64xf32>
    %dot_general3A_173 = arith.constant dense<0.000000e+00> : vector<64x2048xf32>
    %dot_general3A_174 = tpu.matmul %get3A_172, %max3A_169, %dot_general3A_173 {dimension_numbers = #tpu.dot_dimension_numbers<[1], [0], [0], [1], [0, 0, 1, 1], [], []>, transpose_lhs_hint = false} : vector<64x64xf32>, vector<64x2048xf32>, vector<64x2048xf32> -> vector<64x2048xf32>
    %get3A_175 = arith.constant 0 : index
    %get3A_176 = arith.constant 0 : index
    %get3A_177 = vector.load %arg15[%get3A_175, %get3A_176] : memref<64x1xf32, #tpu.memory_space<vmem>>, vector<64x1xf32>
    %add3A_178 = vector.broadcast %get3A_177 : vector<64x1xf32> to vector<64x2048xf32>
    %add3A_179 = arith.addf %dot_general3A_174, %add3A_178 : vector<64x2048xf32>
    %max3A_180 = arith.constant 0.000000e+00 : f32
    %max3A_181 = vector.broadcast %max3A_180 : f32 to vector<64x2048xf32>
    %max3A_182 = arith.maximumf %add3A_179, %max3A_181 : vector<64x2048xf32>
    %get3A_183 = arith.constant 0 : index
    %get3A_184 = arith.constant 0 : index
    %get3A_185 = vector.load %arg16[%get3A_183, %get3A_184] : memref<3x64xf32, #tpu.memory_space<vmem>>, vector<3x64xf32>
    %dot_general3A_186 = arith.constant dense<0.000000e+00> : vector<3x2048xf32>
    %dot_general3A_187 = tpu.matmul %get3A_185, %max3A_182, %dot_general3A_186 {dimension_numbers = #tpu.dot_dimension_numbers<[1], [0], [0], [1], [0, 0, 1, 1], [], []>, transpose_lhs_hint = false} : vector<3x64xf32>, vector<64x2048xf32>, vector<3x2048xf32> -> vector<3x2048xf32>
    %get3A_188 = arith.constant 0 : index
    %get3A_189 = arith.constant 0 : index
    %get3A_190 = vector.load %arg17[%get3A_188, %get3A_189] : memref<3x1xf32, #tpu.memory_space<vmem>>, vector<3x1xf32>
    %add3A_191 = vector.broadcast %get3A_190 : vector<3x1xf32> to vector<3x2048xf32>
    %add3A_192 = arith.addf %dot_general3A_187, %add3A_191 : vector<3x2048xf32>
    %neg3A_193 = arith.constant 0.000000e+00 : f32
    %neg3A_194 = vector.broadcast %neg3A_193 : f32 to vector<3x2048xf32>
    %neg3A_195 = arith.subf %neg3A_194, %add3A_192 : vector<3x2048xf32>
    %exp3A = math.exp %neg3A_195 : vector<3x2048xf32>
    %add3A_196 = arith.constant 1.000000e+00 : f32
    %add3A_197 = vector.broadcast %add3A_196 : f32 to vector<3x2048xf32>
    %add3A_198 = arith.addf %add3A_197, %exp3A : vector<3x2048xf32>
    %div3A_199 = arith.constant 1.000000e+00 : f32
    %div3A_200 = vector.broadcast %div3A_199 : f32 to vector<3x2048xf32>
    %div3A_201 = arith.divf %div3A_200, %add3A_198 : vector<3x2048xf32>
    %swap3A_202 = arith.constant 0 : index
    %swap3A_203 = arith.constant 0 : index
    %swap3A_204 = vector.load %arg19[%swap3A_202, %swap3A_203] : memref<3x2048xf32, #tpu.memory_space<vmem>>, vector<3x2048xf32>
    tpu.vector_store %arg19[%swap3A_202, %swap3A_203], %div3A_201 {strides = array<i32>} : memref<3x2048xf32, #tpu.memory_space<vmem>>, vector<3x2048xf32>,
    return
  }
  func.func @transform_0(%arg0: i32) -> (i32, i32) {
    %c0_i32 = arith.constant 0 : i32
    %c0_i32_0 = arith.constant 0 : i32
    return %c0_i32, %arg0 : i32, i32
  }
  func.func @transform_1(%arg0: i32) -> (i32, i32) {
    %c0_i32 = arith.constant 0 : i32
    %c0_i32_0 = arith.constant 0 : i32
    return %c0_i32, %arg0 : i32, i32
  }
  func.func @transform_2(%arg0: i32) -> (i32, i32) {
    %c0_i32 = arith.constant 0 : i32
    %c0_i32_0 = arith.constant 0 : i32
    return %c0_i32, %arg0 : i32, i32
  }
  func.func @transform_3(%arg0: i32) -> (i32, i32) {
    %c0_i32 = arith.constant 0 : i32
    %c0_i32_0 = arith.constant 0 : i32
    %c0_i32_1 = arith.constant 0 : i32
    return %c0_i32, %c0_i32_0 : i32, i32
  }
  func.func @transform_4(%arg0: i32) -> (i32, i32) {
    %c0_i32 = arith.constant 0 : i32
    %c0_i32_0 = arith.constant 0 : i32
    %c0_i32_1 = arith.constant 0 : i32
    return %c0_i32, %c0_i32_0 : i32, i32
  }
  func.func @transform_5(%arg0: i32) -> (i32, i32) {
    %c0_i32 = arith.constant 0 : i32
    %c0_i32_0 = arith.constant 0 : i32
    %c0_i32_1 = arith.constant 0 : i32
    return %c0_i32, %c0_i32_0 : i32, i32
  }
  func.func @transform_6(%arg0: i32) -> (i32, i32) {
    %c0_i32 = arith.constant 0 : i32
    %c0_i32_0 = arith.constant 0 : i32
    %c0_i32_1 = arith.constant 0 : i32
    return %c0_i32, %c0_i32_0 : i32, i32
  }
  func.func @transform_7(%arg0: i32) -> (i32, i32) {
    %c0_i32 = arith.constant 0 : i32
    %c0_i32_0 = arith.constant 0 : i32
    %c0_i32_1 = arith.constant 0 : i32
    return %c0_i32, %c0_i32_0 : i32, i32
  }
  func.func @transform_8(%arg0: i32) -> (i32, i32) {
    %c0_i32 = arith.constant 0 : i32
    %c0_i32_0 = arith.constant 0 : i32
    %c0_i32_1 = arith.constant 0 : i32
    return %c0_i32, %c0_i32_0 : i32, i32
  }
  func.func @transform_9(%arg0: i32) -> (i32, i32) {
    %c0_i32 = arith.constant 0 : i32
    %c0_i32_0 = arith.constant 0 : i32
    %c0_i32_1 = arith.constant 0 : i32
    return %c0_i32, %c0_i32_0 : i32, i32
  }
  func.func @transform_10(%arg0: i32) -> (i32, i32) {
    %c0_i32 = arith.constant 0 : i32
    %c0_i32_0 = arith.constant 0 : i32
    %c0_i32_1 = arith.constant 0 : i32
    return %c0_i32, %c0_i32_0 : i32, i32
  }
  func.func @transform_11(%arg0: i32) -> (i32, i32) {
    %c0_i32 = arith.constant 0 : i32
    %c0_i32_0 = arith.constant 0 : i32
    %c0_i32_1 = arith.constant 0 : i32
    return %c0_i32, %c0_i32_0 : i32, i32
  }
  func.func @transform_12(%arg0: i32) -> (i32, i32) {
    %c0_i32 = arith.constant 0 : i32
    %c0_i32_0 = arith.constant 0 : i32
    %c0_i32_1 = arith.constant 0 : i32
    return %c0_i32, %c0_i32_0 : i32, i32
  }
  func.func @transform_13(%arg0: i32) -> (i32, i32) {
    %c0_i32 = arith.constant 0 : i32
    %c0_i32_0 = arith.constant 0 : i32
    %c0_i32_1 = arith.constant 0 : i32
    return %c0_i32, %c0_i32_0 : i32, i32
  }
  func.func @transform_14(%arg0: i32) -> (i32, i32) {
    %c0_i32 = arith.constant 0 : i32
    %c0_i32_0 = arith.constant 0 : i32
    %c0_i32_1 = arith.constant 0 : i32
    return %c0_i32, %c0_i32_0 : i32, i32
  }
  func.func @transform_15(%arg0: i32) -> (i32, i32) {
    %c0_i32 = arith.constant 0 : i32
    %c0_i32_0 = arith.constant 0 : i32
    %c0_i32_1 = arith.constant 0 : i32
    return %c0_i32, %c0_i32_0 : i32, i32
  }
  func.func @transform_16(%arg0: i32) -> (i32, i32) {
    %c0_i32 = arith.constant 0 : i32
    %c0_i32_0 = arith.constant 0 : i32
    %c0_i32_1 = arith.constant 0 : i32
    return %c0_i32, %c0_i32_0 : i32, i32
  }
  func.func @transform_17(%arg0: i32) -> (i32, i32) {
    %c0_i32 = arith.constant 0 : i32
    %c0_i32_0 = arith.constant 0 : i32
    return %c0_i32, %arg0 : i32, i32
  }
  func.func @transform_18(%arg0: i32) -> (i32, i32) {
    %c0_i32 = arith.constant 0 : i32
    %c0_i32_0 = arith.constant 0 : i32
    return %c0_i32, %arg0 : i32, i32
  }
}

</mosaic_0001>

<sc_bundles>
// kernel: kernel.4.cloned.1.call-start
scs
__scs_entry_jumppad:
0x0: {  	(pc) =	sbr.rel $0x88, $3  }
0x1: {  	(tag) =	ssettag $0x0;
	lr =	simm.s32 $0x1  }
0x2: {  	[smem:$0x3F94] =	sst lr;
	_ =	strace $0xD0000000  }
0x3: {  	_ = 	snop  }
0x4: {  	_ = 	snop  }
0x5: {  	_ = 	snop  }
0x6: {  	_ = 	snop  }
0x7: {  	_ = 	snop  }
__scs_overlays_trampoline_lowered:
0x8: {  	[smem:$0x3FA3] =	sst s0  }
0x9: {  	[smem:$0x3FA4] =	sst s1  }
0xa: {  	[smem:$0x3FA5] =	sst s2  }
0xb: {  	[smem:$0x3FA6] =	sst s3  }
0xc: {  	[smem:$0x3FA7] =	sst s4  }
0xd: {  	[smem:$0x3FA8] =	sst s5  }
0xe: {  	[smem:$0x3FA9] =	sst s6  }
0xf: {  	[smem:$0x3FAA] =	sst s7  }
0x10: {  	[smem:$0x3FAB] =	sst s8  }
0x11: {  	[smem:$0x3FAC] =	sst s9;
	s0 =	simm.s32 @!p0 $0x0  }
0x12: {  	s1 =	sld [smem:$0x3F92];
	s0 =	simm.s32 @p0 $0x1  }
0x13: {  	[smem:$0x3FAD] =	sst s0;
	s0 =	simm.s32 @!p1 $0x0  }
0x14: {  	s2 =	sld [smem:$0x3F91];
	s0 =	simm.s32 @p1 $0x1  }
0x15: {  	[smem:$0x3FAE] =	sst s0;
	s0 =	simm.s32 @!p2 $0x0  }
0x16: {  	s3 =	sld [smem:$0x3FDB];
	s0 =	simm.s32 @p2 $0x1  }
0x17: {  	s4 =	simm.s32 $0x1BF5;
	[smem:$0x3FB0] =	sst s0  }
0x18: {  	s0 =	sld [smem:$0x3F93];
	_ =	swait.ge [sflag:s4], $0x0  }
0x19: {  	s7 =	sld [smem:$0x3F94]  }
0x1a: {  	s8 =	sadd.s32 $0xFFFFE003, lr  }
0x1b: {  	s9 =	sadd.s32 $0xFFFFFEF7, lr;
	s5 =	simm.s32 $0xFFFFFFFF;
	p2 =	slt.u32 s8, $0xFFFFF086  }
0x1c: {  	p1 =	slt.u32 s9, $0xF7A;
	s5 =	simm.s32 @!p2 $0x0  }
0x1d: {  	s5 =	simm.s32 @p1 $0x1;
	p0 =	seq.s32 s7, s2  }
0x1e: {  	s7 =	smul.u32 @!p0 $0xF7A, s2;
	p2 =	seq.s32 @!p0 s5, $0x0  }
0x1f: {  	s9 =	smul.u32 $0xF7A, s1;
	s8 =	simm.s32 @!p0 $0x1BF5;
	p2 =	por !p2, p0  }
0x20: {  	[sflag:s8] =	ssyncset.s32 @!p0 $0xFFFFF086;
	s6 =	sadd.s32 @!p0 s3, s7;
	s7 =	simm.s32 @!p0 $0x108  }
0x21: {  	s3 =	sadd.s32 s3, s9;
	s6 =	sadd.s32 @!p0 $0x88, s6;
	s7 =	simm.s32 @p2 $0x1082  }
0x22: {  	[simem:s7], [sflag:s8] =	dma.local @!p0 [hbm:s6], $0xF7A  }
0x23: {  	s9 =	sor.u32 $0xD0000000, s2;
	s6 =	simm.s32 $0x108;
	_ =	swait.ge @!p0 [sflag:s8], $0x0  }
0x24: {  	s3 =	sadd.s32 $0x88, s3;
	s6 =	simm.s32 @!p1 $0x1082;
	[sflag:s4] =	ssyncset.s32 $0xFFFFF086  }
0x25: {  	[simem:s6], [sflag:s4] =	dma.local [hbm:s3], $0xF7A  }
0x26: {  	[smem:$0x3F94] =	sst s1;
	(tag) =	ssettag s2;
	_ =	strace s9  }
0x27: {  	s1 =	sld [smem:$0x3FA4]  }
0x28: {  	s2 =	sld [smem:$0x3FA5]  }
0x29: {  	s4 =	sld [smem:$0x3FA7]  }
0x2a: {  	p0 =	seq.s32 s5, $0x0;
	s5 =	sld [smem:$0x3FA8]  }
0x2b: {  	s6 =	sld [smem:$0x3FA9]  }
0x2c: {  	s7 =	sld [smem:$0x3FAA]  }
0x2d: {  	s3 =	simm.s32 $0x108;
	s8 =	sld [smem:$0x3FAB]  }
0x2e: {  	s3 =	simm.s32 @!p0 $0x1082;
	s9 =	sld [smem:$0x3FAC]  }
0x2f: {  	lr =	sadd.s32 s0, s3;
	s0 =	sld [smem:$0x3FA3]  }
0x30: {  	s3 =	sld [smem:$0x3FA6]  }
0x31: {  	[smem:$0x3FAF] =	sst s10  }
0x32: {  	s10 =	sld [smem:$0x3FAD];
	_ =	sdelay $0x3  }
0x33: {  	p0 =	seq.s32 s10, $0x1;
	s10 =	sld [smem:$0x3FAF];
	_ =	sdelay $0x3  }
0x34: {  	[smem:$0x3FAF] =	sst s10  }
0x35: {  	s10 =	sld [smem:$0x3FAE];
	_ =	sdelay $0x3  }
0x36: {  	p1 =	seq.s32 s10, $0x1;
	s10 =	sld [smem:$0x3FAF];
	_ =	sdelay $0x3  }
0x37: {  	[smem:$0x3FAF] =	sst s10  }
0x38: {  	s10 =	sld [smem:$0x3FB0]  }
0x39: {  	_ = 	snop;
	(pc) =	sbr.ind lr, $3  }
0x3a: {  	_ = 	snop  }
0x3b: {  	_ = 	snop  }
0x3c: {  	p2 =	seq.s32 s10, $0x1;
	s10 =	sld [smem:$0x3FAF]  }
0x3d: {  	_ =	shalt  }
0x3e: {  	_ =	shalt  }
0x3f: {  	_ =	shalt  }
0x40: {  	_ =	shalt  }
0x41: {  	_ =	shalt  }
0x42: {  	_ =	shalt  }
0x43: {  	_ =	shalt  }
0x44: {  	_ =	shalt  }
0x45: {  	_ =	shalt  }
0x46: {  	_ =	shalt  }
0x47: {  	_ =	shalt  }
0x48: {  	_ =	shalt  }
0x49: {  	_ =	shalt  }
0x4a: {  	_ =	shalt  }
0x4b: {  	_ =	shalt  }
0x4c: {  	_ =	shalt  }
0x4d: {  	_ =	shalt  }
0x4e: {  	_ =	shalt  }
0x4f: {  	_ =	shalt  }
0x50: {  	_ =	shalt  }
0x51: {  	_ =	shalt  }
0x52: {  	_ =	shalt  }
0x53: {  	_ =	shalt  }
0x54: {  	_ =	shalt  }
0x55: {  	_ =	shalt  }
0x56: {  	_ =	shalt  }
0x57: {  	_ =	shalt  }
0x58: {  	_ =	shalt  }
0x59: {  	_ =	shalt  }
0x5a: {  	_ =	shalt  }
0x5b: {  	_ =	shalt  }
0x5c: {  	_ =	shalt  }
0x5d: {  	_ =	shalt  }
0x5e: {  	_ =	shalt  }
0x5f: {  	_ =	shalt  }
0x60: {  	_ =	shalt  }
0x61: {  	_ =	shalt  }
0x62: {  	_ =	shalt  }
0x63: {  	_ =	shalt  }
0x64: {  	_ =	shalt  }
0x65: {  	_ =	shalt  }
0x66: {  	_ =	shalt  }
0x67: {  	_ =	shalt  }
0x68: {  	_ =	shalt  }
0x69: {  	_ =	shalt  }
0x6a: {  	_ =	shalt  }
0x6b: {  	_ =	shalt  }
0x6c: {  	_ =	shalt  }
0x6d: {  	_ =	shalt  }
0x6e: {  	_ =	shalt  }
0x6f: {  	_ =	shalt  }
0x70: {  	_ =	shalt  }
0x71: {  	_ =	shalt  }
0x72: {  	_ =	shalt  }
0x73: {  	_ =	shalt  }
0x74: {  	_ =	shalt  }
0x75: {  	_ =	shalt  }
0x76: {  	_ =	shalt  }
0x77: {  	_ =	shalt  }
0x78: {  	_ =	shalt  }
0x79: {  	_ =	shalt  }
0x7a: {  	_ =	shalt  }
0x7b: {  	_ =	shalt  }
0x7c: {  	_ =	shalt  }
0x7d: {  	_ =	shalt  }
0x7e: {  	_ =	shalt  }
0x7f: {  	_ =	shalt  }
0x80: {  	_ =	shalt  }
0x81: {  	_ =	shalt  }
0x82: {  	_ =	shalt  }
0x83: {  	_ =	shalt  }
0x84: {  	_ =	shalt  }
0x85: {  	_ =	shalt  }
0x86: {  	_ =	shalt  }
0x87: {  	_ =	shalt  }
.Lfunc_end0:
.L_simem_size_0:
called_computation_lowered:
.L_overlay_start_0:
0x88: {  	s2 =	sld [smem:$0x3FD9]  }
0x89: {  	s3 =	sld [smem:$0x3FFE];
	_ =	sdelay $0x1  }
0x8a: {  	s1 =	srdreg.scid  }
0x8b: {  	s0 =	sand.u32 $0x1, s1  }
0x8c: {  	s14 =	sshll.u32 s0, $0xA;
	s2 =	sadd.s32 s3, s2  }
0x8d: {  	s2 =	sadd.s32 s2, s14  }
0x8e: {  	[smem:$0x3FBB] =	sst s2  }
0x8f: {  	_ = 	snop  }
0x90: {  	s2 =	sld [smem:$0x3FD0];
	_ =	sdelay $0x2  }
0x91: {  	s4 =	simm.s32 $0xA;
	s5 =	simm.s32 $0x10;
	s15 =	sld [smem:$0x3FC7]  }
0x92: {  	[smem:s5], [sflag:s4] =	dma.local [hbm:s2], $0x1  }
0x93: {  	_ =	swait.eq [sflag:s4], $0x1  }
0x94: {  	[sflag:s4] =	ssyncset.done $0x0  }
0x95: {  	[sflag:s4] =	ssyncadd.s32 $0xFFFFFFFF  }
0x96: {  	s16 =	sld [smem:$0x11];
	(tm) =	ssettm $0x1  }
0x97: {  	s17 =	sld [smem:$0x3FFB];
	_ =	sdelay $0x3  }
0x98: {  	_ =	strace s17  }
0x99: {  	s4 =	sld [smem:$0x3FFC];
	_ =	sdelay $0x3  }
0x9a: {  	_ =	strace s4  }
0x9b: {  	s4 =	sld [smem:$0x3FFD];
	_ =	sdelay $0x3  }
0x9c: {  	_ =	strace s4  }
0x9d: {  	_ =	strace $0x8FFFFFFF  }
0x9e: {  	s18 =	sld [smem:$0x3FDB];
	_ =	sdelay $0x1  }
0x9f: {  	s19 =	simm.s32 $_scs_section_size  }
0xa0: {  	s6 =	simm.s32 $_size__tile_overlayer_lowered;
	s7 =	simm.s32 $_tile_overlayer_lowered  }
0xa1: {  	s22 =	simm.s32 $0x1BFF;
	s21 =	sshll.u32 s7, $0x1;
	s4 =	sadd.s32 s19, s18  }
0xa2: {  	s8 =	simm.s32 $0x0;
	s20 =	sshll.u32 s6, $0x1;
	s6 =	sadd.s32 s21, s4  }
0xa3: {  	[timem:s8], [sflag:s22] =	dma.local [hbm:s6], s20  }
0xa4: {  	_ =	swait.ge [sflag:s22], s20  }
0xa5: {  	s5 =	ssub.s32 $0x0, s20;
	[sflag:s22] =	ssyncset.done $0x0  }
0xa6: {  	[sflag:s22] =	ssyncadd.s32 s5;
	_ =	sdelay $0x1  }
0xa7: {  	s23 =	simm.s32 $0x1B8B  }
0xa8: {  	_ =	swait.ge [sflag:s23], $0x1  }
0xa9: {  	[sflag:s23] =	ssyncset.done $0x0  }
0xaa: {  	s25 =	simm.s32 $0x1B8E;
	s24 =	sld [smem:$0x3FFE];
	[sflag:s23] =	ssyncadd.s32 $0xFFFFFFFF  }
0xab: {  	s26 =	simm.s32 $execute0_lowered;
	[smem:$0x3FD2] =	sst s25  }
0xac: {  	s6 =	sshll.u32 s26, $0x1;
	_ =	strace $0x80000046;
	[dreg:$0x1] =	wrdreg $0xFFFFFFFF  }
0xad: {  	s28 =	simm.s32 $_size_execute0_lowered;
	s4 =	sadd.s32 s4, s6;
	[dreg:$0x0] =	wrdreg $0x0  }
0xae: {  	s6 =	sshll.u32 s28, $0x1;
	[dreg:$0x2] =	wrdreg s4  }
0xaf: {  	[dreg:$0x3] =	wrdreg s6  }
0xb0: {  	[dreg:$0x4] =	wrdreg $0xC0  }
0xb1: {  	_ =	task [dreg:s8], $0x5FFFF  }
0xb2: {  	[dreg:$0x1] =	wrdreg $0xFFFFFFFF  }
0xb3: {  	[dreg:$0x0] =	wrdreg $0x60  }
0xb4: {  	[dreg:$0x2] =	wrdreg s16  }
0xb5: {  	[dreg:$0x3] =	wrdreg s15  }
0xb6: {  	[dreg:$0x4] =	wrdreg s24  }
0xb7: {  	[dreg:$0x5] =	wrdreg $0x9  }
0xb8: {  	_ =	task.clear_ibuf [dreg:s8], $0x6FFFF;
	_ =	strace $0x90000046  }
0xb9: {  	s29 =	simm.s32 $0x9;
	_ =	strace $0x80000048  }
0xba: {  	_ =	swait.ge [sflag:s29], $0x1  }
0xbb: {  	[sflag:s29] =	ssyncadd.s32 $0xFFFFFFFF  }
0xbc: {  	_ =	strace $0x90000048  }
0xbd: {  	_ =	sfence  }
0xbe: {  	s30 =	sld [smem:$0x0];
	_ =	sdelay $0x2  }
0xbf: {  	s31 =	sshll.u32 s1, $0xD;
	s1 =	sshrl.u32 s1, $0x2  }
0xc0: {  	s3 =	sand.u32 $0x4000, s31;
	s1 =	sadd.s32 s1, s30  }
0xc1: {  	s0 =	sor.u32 s3, s0;
	s1 =	sshll.u32 s1, $0x11  }
0xc2: {  	s0 =	sor.u32 s1, s0  }
0xc3: {  	s0 =	sadd.s32 $0x8F2B, s0  }
0xc4: {  	[sflag:s0] =	ssyncadd.remote.s32 $0x1  }
0xc5: {  	_ =	sfence.sel $0xFFFF  }
0xc6: {  	[dreg:$0x0] =	wrdreg $0xFFFFFFFF;
	(pc) =	sbr.abs _section_cstart, $3  }
0xc7: {  	[dreg:$0x1] =	wrdreg $0xFFFFFFFF  }
0xc8: {  	_ =	task.clear_ibuf [dreg:s8], $0x2FFFF;
	_ =	strace $0x9FFFFFFF  }
0xc9: {  	(tm) =	ssettm $0x7FFFFFFF  }
tec
execute0_lowered:
.L_overlay_start_1:
0x0: {  	(tag) =	ssettag $0x1  }
0x1: {  	s7 =	rddreg [dreg:$0x0];
	v0 =	vimm.f32 $2.047000000e+03;
	vm0 =	vcmask $0x300  }
0x2: {  	vm14 =	vcmask $0x704;
	s0 =	rddreg [dreg:$0x2];
	s3 =	simm.s32 $0x0;
	s1 =	srdreg.scid;
	v0 =	vsel vm0, $0x41800000, v0  }
0x3: {  	vm15 =	vcmask $0xB08;
	s5 =	stileid.u32;
	s14 =	simm.s32 $0x3;
	s15 =	simm.s32 $0x10;
	v0 =	vsel vm14, $0x41B00000, v0  }
0x4: {  	vm4 =	vcmask $0xF0C;
	s17 =	simm.s32 $0x30;
	s18 =	simm.s32 $0x830;
	s19 =	simm.s32 $0x1030;
	v0 =	vsel vm15, $0x41F00000, v0  }
0x5: {  	vm5 =	vcmask $0x1310;
	s28 =	simm.s32 $0xBA30;
	s29 =	simm.s32 $0xC230;
	s30 =	simm.s32 $0x10230;
	v0 =	vsel vm4, $0x42280000, v0  }
0x6: {  	vm6 =	vcmask $0x1714;
	s31 =	simm.s32 $0x1;
	s9 =	simm.s32 $0x2;
	s10 =	simm.s32 $0x14230;
	v0 =	vsel vm5, $0x42680000, v0  }
0x7: {  	vm7 =	vcmask $0x1B18;
	s13 =	simm.s32 $0x0;
	[smem:$0x7FF] =	sst s3;
	s1 =	sand.u32 $0x1, s1;
	v0 =	vsel vm6, $0x42A00000, v0  }
0x8: {  	vm8 =	vcmask $0x1F1C;
	s6 =	sshll.u32 s5, $0xD;
	s5 =	sadd.s32 $0x2200, s0;
	s23 =	sadd.s32 $0x4000, s7;
	v0 =	vsel vm7, $0x42DE0000, v0  }
0x9: {  	vm9 =	vcmask $0x2320;
	s24 =	sadd.s32 $0x8000, s7;
	s3 =	simm.s32 $0x0;
	s20 =	ssub.s32 $0x2, s1;
	v0 =	vsel vm8, $0x43190000, v0  }
0xa: {  	vm10 =	vcmask $0x2724;
	_ =	strace $0x80000047;
	s1 =	sshll.u32 s1, $0xC;
	s4 =	sshrl.u32 s20, $0x1;
	v0 =	vsel vm9, $0x43540000, v0  }
0xb: {  	vm11 =	vcmask $0x2B28;
	[dreg:$0x5] =	wrdreg s23;
	s22 =	sor.u32 s1, s6;
	s21 =	ssub.s32 s20, s4;
	v0 =	vsel vm10, $0x43930000, v0  }
0xc: {  	vm12 =	vcmask $0x2F2C;
	s1 =	sshrl.u32 s22, $0x3;
	[dreg:$0x4] =	wrdreg s22;
	s26 =	sor.u32 $0x20, s22;
	v0 =	vsel vm11, $0x43CB0000, v0  }
0xd: {  	vm13 =	vcmask $0x3330;
	s20 =	simm.s32 $0x1830;
	s2 =	sadd.s32 s7, s1;
	[dreg:$0x9] =	wrdreg s26;
	v1 =	vsel vm12, $0x440C4000, v0;
	v0 =	vlaneseq.u32  }
0xe: {  	vm14 =	vcmask $0x3734;
	s22 =	simm.s32 $0x2030;
	s25 =	sadd.s32 s1, s23;
	[dreg:$0x6] =	wrdreg s2;
	v2 =	vsel vm13, $0x44420000, v1;
	v1 =	vmul.u32 $0x80, v0  }
0xf: {  	vm15 =	vcmask $0x3B38;
	s1 =	sadd.s32 s1, s24;
	s0 =	smax.u32 s21, $0x1;
	[dreg:$0x7] =	wrdreg s25;
	v2 =	vsel vm14, $0x44860000, v2  }
0x10: {  	s21 =	simm.s32 $0x800;
	s23 =	simm.s32 $0x6030;
	[dreg:$0x8] =	wrdreg s1;
	v2 =	vsel vm15, $0x44B94000, v2;
	v3 =	vor.u32 $0x10, v1  }
0x11: {  	s26 =	simm.s32 $0xB230;
	s2 =	smov.u32 s24;
	[dreg:$0xa] =	wrdreg s0;
	v4 =	vor.u32 $0x20, v1;
	v5 =	vor.u32 $0x30, v1;
	v6 =	vor.u32 $0x40, v1  }
0x12: {  	s24 =	simm.s32 $0xA230;
	s25 =	simm.s32 $0xAA30;
	s1 =	simm.s32 $0xA030;
	v7 =	vor.u32 $0x50, v1;
	v8 =	vor.u32 $0x60, v1;
	v9 =	vor.u32 $0x70, v1  }
.LBB2_1:
0x13: {  	[dreg:$0xb] =	wrdreg s3  }
0x14: {  	s11 =	simm.s32 $0x0;
	s0 =	rddreg [dreg:$0x6]  }
0x15: {  	[tilespmem:s11], [sflag:$0x3] =	stream.linear.gather [hbm4b:s0+s11], $0x10, $0x38;
	[tilespmem:$0x14430] =	vst v63  }
0x16: {  	_ =	swait.ge [sflag:s14], $0x10  }
0x17: {  	[sflag:s14] =	ssyncset.done $0x0  }
0x18: {  	s12 =	rddreg [dreg:$0x7];
	[sflag:s14] =	ssyncadd.s32 $0xFFFFFFF0  }
0x19: {  	[tilespmem:s15], [sflag:$0x3] =	stream.linear.gather [hbm4b:s12+s11], $0x10, $0x38;
	[tilespmem:$0x14430] =	vst v63  }
0x1a: {  	_ =	swait.ge [sflag:s14], $0x10  }
0x1b: {  	[sflag:s14] =	ssyncset.done $0x0  }
0x1c: {  	s4 =	simm.s32 $0x20;
	s16 =	rddreg [dreg:$0x8];
	[sflag:s14] =	ssyncadd.s32 $0xFFFFFFF0  }
0x1d: {  	[tilespmem:s4], [sflag:$0x3] =	stream.linear.gather [hbm4b:s16+s11], $0x10, $0x38;
	[tilespmem:$0x14430] =	vst v63  }
0x1e: {  	_ =	swait.ge [sflag:s14], $0x10  }
0x1f: {  	[sflag:s14] =	ssyncset.done $0x0  }
0x20: {  	[sflag:s14] =	ssyncadd.s32 $0xFFFFFFF0  }
0x21: {  	v10 =	vld [tilespmem:$0x10]  }
0x22: {  	v11 =	vld [tilespmem:$0x20]  }
0x23: {  	v12 =	vld [tilespmem:$0x0]  }
0x24: {  	v13 =	vmov s11  }
0x25: {  	v13 =	vperm.xlane v2, v13;
	_ =	sdelay $0x1  }
0x26: {  	v14 =	vmul.f32 v13, v10;
	v16 =	vmul.f32 v13, v11  }
0x27: {  	v15 =	vor.u32 s11, v6;
	v20 =	vor.u32 s11, v5;
	v17 =	vmul.f32 v13, v12  }
0x28: {  	v22 =	vor.u32 s11, v4;
	v18 =	vtrunc.f32 v14;
	v19 =	vtrunc.f32 v16  }
0x29: {  	v24 =	vor.u32 s11, v3;
	v21 =	vtrunc.f32 v17;
	v18 =	vcvt.f32.s32 v18  }
0x2a: {  	v26 =	vor.u32 s11, v1;
	v19 =	vcvt.f32.s32 v19;
	v21 =	vcvt.f32.s32 v21  }
0x2b: {  	v13 =	vor.u32 s11, v7;
	v23 =	vmul.u32 $0x9E3779B1, v18;
	v18 =	vcvt.s32.f32 v18  }
0x2c: {  	v25 =	vmul.u32 $0x30025795, v19;
	v27 =	vcvt.s32.f32 v21;
	v19 =	vcvt.s32.f32 v19  }
0x2d: {  	v37 =	vadd.s32 $0x1, v21;
	v28 =	vxor.u32 v21, v23;
	v14 =	vsub.f32 v14, v18  }
0x2e: {  	v29 =	vadd.s32 $0x9E3779B1, v23;
	v17 =	vsub.f32 v17, v27;
	v16 =	vsub.f32 v16, v19  }
0x2f: {  	v23 =	vxor.u32 v23, v37;
	v18 =	vxor.u32 v25, v28;
	v21 =	vxor.u32 v21, v29  }
0x30: {  	v39 =	vxor.u32 v25, v23;
	v30 =	vshrl.u32 v18, $0x2;
	v31 =	vshrl.u32 v18, $0x3  }
0x31: {  	v19 =	vsub.f32 $1.000000000e+00, v14;
	v33 =	vmul.f32 v14, v17;
	v18 =	vand.u32 $0x7, v18  }
0x32: {  	v35 =	vsub.f32 $1.000000000e+00, v16;
	v27 =	vand.u32 $0x1FFE0, v30;
	v30 =	vand.u32 $0xF, v31  }
0x33: {  	v60 =	vshrl.u32 v39, $0x3;
	v31 =	vsub.f32 $1.000000000e+00, v17;
	v27 =	vor.u32 v27, v30  }
0x34: {  	v30 =	vadd.s32 $0x30025795, v25;
	v17 =	vmul.f32 v19, v17;
	v27 =	vor.u32 s11, v27  }
0x35: {  	v28 =	vxor.u32 v30, v28;
	v38 =	vmul.f32 v19, v31;
	v14 =	vmul.f32 v31, v14  }
0x36: {  	v31 =	vxor.u32 v25, v21;
	v40 =	vxor.u32 v30, v23;
	v21 =	vxor.u32 v30, v21  }
0x37: {  	v19 =	vmul.f32 v33, v16;
	v32 =	vor.u32 $0x10, v27;
	v34 =	vshrl.u32 v28, $0x2  }
0x38: {  	v36 =	vshrl.u32 v28, $0x3;
	v23 =	vshrl.u32 v31, $0x2;
	v28 =	vand.u32 $0x7, v28  }
0x39: {  	v42 =	vshrl.u32 v31, $0x3;
	v43 =	vshrl.u32 v40, $0x3;
	[tilespmem:v26+s17+$0x0] =	vst.idx.msk $0xffff, v27;
	v27 =	vshrl.u32 v39, $0x2  }
0x3a: {  	v56 =	vshrl.u32 v21, $0x2;
	v57 =	vshrl.u32 v21, $0x3;
	v34 =	vand.u32 $0x1FFE0, v34  }
0x3b: {  	v36 =	vand.u32 $0xF, v36;
	v41 =	vmul.f32 v38, v16;
	v38 =	vmul.f32 v38, v35;
	[tilespmem:v26+s18+$0x0] =	vst.idx.msk $0xffff, v32  }
0x3c: {  	v21 =	vand.u32 $0x7, v21;
	v63 =	vand.u32 $0x7, v40;
	v34 =	vor.u32 v34, v36;
	[tilespmem:v26+s19+$0x0] =	vst.idx.msk $0xffff, v18  }
0x3d: {  	v23 =	vand.u32 $0x1FFE0, v23;
	v58 =	vand.u32 $0xF, v57;
	v34 =	vor.u32 s11, v34;
	[tilespmem:v26+s20+$0x0] =	vst.idx.msk $0xffff, v38  }
0x3e: {  	v18 =	vand.u32 $0x1FFE0, v56;
	v26 =	vand.u32 $0x7, v31;
	[tilespmem:v24+s17+$0x0] =	vst.idx.msk $0xffff, v34;
	v31 =	vor.u32 $0x10, v34  }
0x3f: {  	v42 =	vand.u32 $0xF, v42;
	v27 =	vand.u32 $0x1FFE0, v27;
	v18 =	vor.u32 v18, v58;
	[tilespmem:v24+s18+$0x0] =	vst.idx.msk $0xffff, v31  }
0x40: {  	v32 =	vmul.f32 v17, v16;
	v23 =	vor.u32 v23, v42;
	v18 =	vor.u32 s11, v18;
	[tilespmem:v24+s19+$0x0] =	vst.idx.msk $0xffff, v28  }
0x41: {  	v23 =	vor.u32 s11, v23;
	v59 =	vor.u32 $0x10, v18;
	v31 =	vand.u32 $0xF, v60;
	[tilespmem:v24+s20+$0x0] =	vst.idx.msk $0xffff, v41  }
0x42: {  	v28 =	vmul.f32 v14, v35;
	v27 =	vor.u32 v27, v31;
	[tilespmem:v22+s17+$0x0] =	vst.idx.msk $0xffff, v23;
	v23 =	vor.u32 $0x10, v23  }
0x43: {  	v31 =	vshrl.u32 v40, $0x2;
	v14 =	vmul.f32 v14, v16;
	v24 =	vxor.u32 v37, v29;
	[tilespmem:v22+s18+$0x0] =	vst.idx.msk $0xffff, v23  }
0x44: {  	v29 =	vand.u32 $0x1FFE0, v31;
	v27 =	vor.u32 s11, v27;
	v61 =	vxor.u32 v25, v24;
	[tilespmem:v22+s19+$0x0] =	vst.idx.msk $0xffff, v26  }
0x45: {  	v25 =	vand.u32 $0xF, v43;
	v23 =	vshrl.u32 v61, $0x2;
	v31 =	vshrl.u32 v61, $0x3;
	[tilespmem:v22+s20+$0x0] =	vst.idx.msk $0xffff, v28  }
0x46: {  	v25 =	vor.u32 v29, v25;
	v23 =	vand.u32 $0x1FFE0, v23;
	v26 =	vand.u32 $0xF, v31;
	[tilespmem:v20+s17+$0x0] =	vst.idx.msk $0xffff, v18  }
0x47: {  	v29 =	vor.u32 $0x10, v27;
	v22 =	vor.u32 v23, v26;
	v26 =	vand.u32 $0x7, v39;
	[tilespmem:v20+s18+$0x0] =	vst.idx.msk $0xffff, v59  }
0x48: {  	v23 =	vxor.u32 v30, v24;
	v30 =	vor.u32 s11, v25;
	v25 =	vor.u32 s11, v8;
	[tilespmem:v20+s19+$0x0] =	vst.idx.msk $0xffff, v21  }
0x49: {  	v28 =	vand.u32 $0x7, v61;
	v18 =	vshrl.u32 v23, $0x2;
	v24 =	vshrl.u32 v23, $0x3;
	[tilespmem:v20+s20+$0x0] =	vst.idx.msk $0xffff, v14  }
0x4a: {  	s0 =	simm.s32 $0x1;
	v62 =	vor.u32 $0x10, v30;
	v18 =	vand.u32 $0x1FFE0, v18;
	v24 =	vand.u32 $0xF, v24;
	[tilespmem:v15+s17+$0x0] =	vst.idx.msk $0xffff, v27  }
0x4b: {  	v24 =	vor.u32 v18, v24;
	v20 =	vmul.f32 v17, v35;
	v14 =	vmov s0;
	[tilespmem:v15+s18+$0x0] =	vst.idx.msk $0xffff, v29  }
0x4c: {  	v21 =	vor.u32 s11, v9;
	v18 =	vor.u32 s0, v7;
	v16 =	vperm.xlane v2, v14;
	[tilespmem:v15+s19+$0x0] =	vst.idx.msk $0xffff, v26  }
0x4d: {  	v17 =	vor.u32 s0, v3;
	v27 =	vor.u32 s11, v22;
	v14 =	vor.u32 s0, v6;
	[tilespmem:v15+s20+$0x0] =	vst.idx.msk $0xffff, v20  }
0x4e: {  	v31 =	vor.u32 $0x10, v27;
	v29 =	vmul.f32 v16, v10;
	v26 =	vmul.f32 v16, v11;
	[tilespmem:v13+s17+$0x0] =	vst.idx.msk $0xffff, v30  }
0x4f: {  	v15 =	vor.u32 s0, v5;
	v20 =	vmul.f32 v35, v33;
	v30 =	vmul.f32 v16, v12;
	[tilespmem:v13+s18+$0x0] =	vst.idx.msk $0xffff, v62  }
0x50: {  	s7 =	simm.s32 $0x2;
	s3 =	simm.s32 $0x0;
	s6 =	simm.s32 $0x0;
	v16 =	vor.u32 s0, v4;
	v33 =	vtrunc.f32 v29;
	v22 =	vtrunc.f32 v26;
	[tilespmem:v13+s19+$0x0] =	vst.idx.msk $0xffff, v63  }
.LBB2_2:
0x51: {  	p0 =	sne.s32 s7, $0xF  }
0x52: {  	v34 =	vtrunc.f32 v30;
	v33 =	vcvt.f32.s32 v33;
	v35 =	vor.u32 s0, v1;
	[tilespmem:v13+s20+$0x0] =	vst.idx.msk $0xffff, v32;
	s3 =	sadd.s32 $0x20000, s3;
	v13 =	vmovc v18;
	s4 =	smov.u32 s7;
	s7 =	sadd.s32 $0x1, s7  }
0x53: {  	v18 =	vcvt.f32.s32 v22;
	v22 =	vand.u32 $0x7, v23;
	v32 =	vcvt.f32.s32 v34;
	[tilespmem:v25+s17+$0x0] =	vst.idx.msk $0xffff, v27  }
0x54: {  	v24 =	vor.u32 s6, v24;
	s6 =	smov.u32 s3;
	v23 =	vcvt.s32.f32 v33;
	v27 =	vmul.u32 $0x9E3779B1, v33;
	[tilespmem:v25+s18+$0x0] =	vst.idx.msk $0xffff, v31  }
0x55: {  	v33 =	vcvt.s32.f32 v18;
	v34 =	vmul.u32 $0x30025795, v18;
	v31 =	vcvt.s32.f32 v32;
	[tilespmem:v25+s19+$0x0] =	vst.idx.msk $0xffff, v28  }
0x56: {  	v23 =	vsub.f32 v29, v23;
	v28 =	vadd.s32 $0x9E3779B1, v27;
	v29 =	vxor.u32 v32, v27;
	[tilespmem:v25+s20+$0x0] =	vst.idx.msk $0xffff, v20  }
0x57: {  	v20 =	vor.u32 $0x10, v24;
	v25 =	vsub.f32 v30, v31;
	v30 =	vxor.u32 v34, v29;
	[tilespmem:v21+s17+$0x0] =	vst.idx.msk $0xffff, v24  }
0x58: {  	v18 =	vsub.f32 v26, v33;
	v24 =	vshrl.u32 v30, $0x2;
	v26 =	vshrl.u32 v30, $0x3;
	[tilespmem:v21+s18+$0x0] =	vst.idx.msk $0xffff, v20  }
0x59: {  	v31 =	vsub.f32 $1.000000000e+00, v23;
	v20 =	vand.u32 $0x1FFE0, v24;
	v24 =	vand.u32 $0xF, v26;
	[tilespmem:v21+s19+$0x0] =	vst.idx.msk $0xffff, v22  }
0x5a: {  	v26 =	vadd.s32 $0x30025795, v34;
	v22 =	vor.u32 v20, v24;
	v20 =	vmul.f32 v23, v25;
	[tilespmem:v21+s20+$0x0] =	vst.idx.msk $0xffff, v19  }
0x5b: {  	v21 =	vand.u32 $0x7, v30;
	v24 =	vxor.u32 v26, v29;
	v19 =	vor.u32 s3, v22  }
0x5c: {  	v29 =	vsub.f32 $1.000000000e+00, v25;
	v30 =	vshrl.u32 v24, $0x2;
	[tilespmem:v35+s17+$0x0] =	vst.idx.msk $0xffff, v19;
	v19 =	vor.u32 $0x10, v19  }
0x5d: {  	v22 =	vsub.f32 $1.000000000e+00, v18;
	[tilespmem:v35+s18+$0x0] =	vst.idx.msk $0xffff, v19;
	v19 =	vand.u32 $0x1FFE0, v30;
	v30 =	vshrl.u32 v24, $0x3  }
0x5e: {  	v33 =	vadd.s32 $0x1, v32;
	v36 =	vmul.f32 v31, v29;
	[tilespmem:v35+s19+$0x0] =	vst.idx.msk $0xffff, v21;
	v21 =	vxor.u32 v32, v28  }
0x5f: {  	v29 =	vmul.f32 v29, v23;
	v23 =	vxor.u32 v27, v33;
	v30 =	vand.u32 $0xF, v30  }
0x60: {  	v37 =	vxor.u32 v26, v23;
	v32 =	vxor.u32 v34, v23;
	v27 =	vxor.u32 v34, v21  }
0x61: {  	v24 =	vand.u32 $0x7, v24;
	v23 =	vmul.f32 v36, v18;
	v38 =	vshrl.u32 v27, $0x2  }
0x62: {  	v40 =	vshrl.u32 v37, $0x3;
	v39 =	vshrl.u32 v27, $0x3;
	v38 =	vand.u32 $0x1FFE0, v38  }
0x63: {  	v36 =	vmul.f32 v36, v22;
	v21 =	vxor.u32 v26, v21;
	v41 =	vshrl.u32 v32, $0x2  }
0x64: {  	v42 =	vshrl.u32 v21, $0x2;
	v43 =	vshrl.u32 v21, $0x3;
	v39 =	vand.u32 $0xF, v39  }
0x65: {  	v19 =	vor.u32 v19, v30;
	v30 =	vand.u32 $0x1FFE0, v42;
	v42 =	vand.u32 $0xF, v43  }
0x66: {  	v19 =	vor.u32 s3, v19;
	v30 =	vor.u32 v30, v42;
	[tilespmem:v35+s20+$0x0] =	vst.idx.msk $0xffff, v36;
	v35 =	vor.u32 v38, v39  }
0x67: {  	v27 =	vand.u32 $0x7, v27;
	v30 =	vor.u32 s3, v30;
	v36 =	vand.u32 $0x1FFE0, v41;
	[tilespmem:v17+s17+$0x0] =	vst.idx.msk $0xffff, v19  }
0x68: {  	v38 =	vor.u32 $0x10, v30;
	v39 =	vshrl.u32 v32, $0x3;
	v19 =	vor.u32 $0x10, v19  }
0x69: {  	v21 =	vand.u32 $0x7, v21;
	[tilespmem:v17+s18+$0x0] =	vst.idx.msk $0xffff, v19;
	v19 =	vor.u32 s3, v35;
	v35 =	vand.u32 $0xF, v39  }
0x6a: {  	[tilespmem:v17+s19+$0x0] =	vst.idx.msk $0xffff, v24;
	v24 =	vmul.f32 v29, v22;
	v35 =	vor.u32 v36, v35;
	v36 =	vshrl.u32 v37, $0x2  }
0x6b: {  	v28 =	vxor.u32 v33, v28;
	[tilespmem:v17+s20+$0x0] =	vst.idx.msk $0xffff, v23;
	v17 =	vand.u32 $0x1FFE0, v36;
	v23 =	vand.u32 $0xF, v40  }
0x6c: {  	v33 =	vxor.u32 v34, v28;
	[tilespmem:v16+s17+$0x0] =	vst.idx.msk $0xffff, v19;
	v19 =	vor.u32 $0x10, v19;
	v17 =	vor.u32 v17, v23  }
0x6d: {  	v34 =	vor.u32 s3, v35;
	v23 =	vshrl.u32 v33, $0x3;
	[tilespmem:v16+s18+$0x0] =	vst.idx.msk $0xffff, v19;
	v19 =	vshrl.u32 v33, $0x2  }
0x6e: {  	v23 =	vand.u32 $0xF, v23;
	[tilespmem:v16+s19+$0x0] =	vst.idx.msk $0xffff, v27;
	v27 =	vor.u32 $0x10, v34;
	v19 =	vand.u32 $0x1FFE0, v19  }
0x6f: {  	[tilespmem:v16+s20+$0x0] =	vst.idx.msk $0xffff, v24;
	v16 =	vand.u32 $0x7, v32;
	v35 =	vor.u32 v19, v23;
	v23 =	vxor.u32 v26, v28  }
0x70: {  	v19 =	vmul.f32 v29, v18;
	[tilespmem:v15+s17+$0x0] =	vst.idx.msk $0xffff, v30;
	v24 =	vshrl.u32 v23, $0x2;
	v26 =	vshrl.u32 v23, $0x3  }
0x71: {  	v17 =	vor.u32 s3, v17;
	[tilespmem:v15+s18+$0x0] =	vst.idx.msk $0xffff, v38;
	v24 =	vand.u32 $0x1FFE0, v24;
	v26 =	vand.u32 $0xF, v26  }
0x72: {  	v36 =	vor.u32 $0x10, v17;
	[tilespmem:v15+s19+$0x0] =	vst.idx.msk $0xffff, v21;
	v21 =	vmul.f32 v31, v25;
	v24 =	vor.u32 v24, v26  }
0x73: {  	v37 =	vand.u32 $0x7, v37;
	[tilespmem:v15+s20+$0x0] =	vst.idx.msk $0xffff, v19;
	v19 =	vmul.f32 v20, v18  }
0x74: {  	v15 =	vmul.f32 v21, v22;
	[tilespmem:v14+s17+$0x0] =	vst.idx.msk $0xffff, v34;
	v32 =	vmul.f32 v21, v18  }
0x75: {  	v18 =	vmov s4;
	v21 =	vor.u32 s0, v9;
	[tilespmem:v14+s18+$0x0] =	vst.idx.msk $0xffff, v27;
	v27 =	vor.u32 s3, v35  }
.Ltmp0:
0x76: {  	v25 =	vor.u32 s0, v8;
	s0 =	smov.u32 s4;
	v30 =	vperm.xlane v2, v18;
	[tilespmem:v14+s19+$0x0] =	vst.idx.msk $0xffff, v16;
	v31 =	vor.u32 $0x10, v27;
	(pc) =	sbr.rel @p0 .LBB2_2-.Ltmp0, $4  }
0x77: {  	v28 =	vand.u32 $0x7, v33;
	v18 =	vor.u32 s0, v7;
	[tilespmem:v14+s20+$0x0] =	vst.idx.msk $0xffff, v15;
	v14 =	vor.u32 s0, v6  }
0x78: {  	v29 =	vmul.f32 v30, v10;
	v26 =	vmul.f32 v30, v11;
	v15 =	vor.u32 s0, v5;
	[tilespmem:v13+s17+$0x0] =	vst.idx.msk $0xffff, v17  }
0x79: {  	v20 =	vmul.f32 v22, v20;
	v16 =	vor.u32 s0, v4;
	v30 =	vmul.f32 v30, v12;
	[tilespmem:v13+s18+$0x0] =	vst.idx.msk $0xffff, v36  }
0x7a: {  	v17 =	vor.u32 s0, v3;
	v33 =	vtrunc.f32 v29;
	v22 =	vtrunc.f32 v26;
	[tilespmem:v13+s19+$0x0] =	vst.idx.msk $0xffff, v37  }
0x7b: {  	_ =	sdelay $0x2  }
0x7c: {  	v10 =	vtrunc.f32 v30;
	v11 =	vcvt.f32.s32 v33;
	v12 =	vor.u32 s0, v1  }
0x7d: {  	[tilespmem:v13+s20+$0x0] =	vst.idx.msk $0xffff, v32;
	v40 =	vcvt.f32.s32 v22;
	v41 =	vand.u32 $0x7, v23;
	v24 =	vor.u32 s6, v24  }
0x7e: {  	v10 =	vcvt.f32.s32 v10;
	[tilespmem:v25+s17+$0x0] =	vst.idx.msk $0xffff, v27;
	v42 =	vcvt.s32.f32 v11;
	v11 =	vmul.u32 $0x9E3779B1, v11  }
0x7f: {  	v46 =	vor.u32 $0x10, v24;
	[tilespmem:v25+s18+$0x0] =	vst.idx.msk $0xffff, v31;
	v31 =	vmul.u32 $0x30025795, v40;
	v13 =	vcvt.s32.f32 v40  }
0x80: {  	v43 =	vcvt.s32.f32 v10;
	[tilespmem:v25+s19+$0x0] =	vst.idx.msk $0xffff, v28;
	v23 =	vsub.f32 v29, v42;
	v44 =	vxor.u32 v10, v11  }
0x81: {  	[tilespmem:v25+s20+$0x0] =	vst.idx.msk $0xffff, v20;
	v13 =	vsub.f32 v26, v13;
	v22 =	vadd.s32 $0x30025795, v31;
	v51 =	vadd.s32 $0x9E3779B1, v11  }
0x82: {  	v20 =	vsub.f32 v30, v43;
	v45 =	vxor.u32 v31, v44;
	v53 =	vxor.u32 v22, v44  }
0x83: {  	[tilespmem:v21+s17+$0x0] =	vst.idx.msk $0xffff, v24;
	v47 =	vshrl.u32 v45, $0x2;
	v48 =	vshrl.u32 v45, $0x3;
	v49 =	vsub.f32 $1.000000000e+00, v23  }
0x84: {  	[tilespmem:v21+s18+$0x0] =	vst.idx.msk $0xffff, v46;
	v24 =	vand.u32 $0x1FFE0, v47;
	v26 =	vand.u32 $0xF, v48;
	v50 =	vsub.f32 $1.000000000e+00, v20  }
0x85: {  	s3 =	sadd.s32 $0x20000, s3;
	v58 =	vxor.u32 v10, v51;
	v25 =	vand.u32 $0x7, v45;
	[tilespmem:v21+s19+$0x0] =	vst.idx.msk $0xffff, v41;
	v24 =	vor.u32 v24, v26  }
0x86: {  	[tilespmem:v21+s20+$0x0] =	vst.idx.msk $0xffff, v19;
	v52 =	vor.u32 s3, v24;
	v24 =	vsub.f32 $1.000000000e+00, v13;
	v54 =	vmul.f32 v49, v50  }
0x87: {  	v55 =	vshrl.u32 v53, $0x2;
	v56 =	vshrl.u32 v53, $0x3;
	[tilespmem:v12+s17+$0x0] =	vst.idx.msk $0xffff, v52;
	v19 =	vor.u32 $0x10, v52  }
0x88: {  	v30 =	vand.u32 $0x1FFE0, v55;
	[tilespmem:v12+s18+$0x0] =	vst.idx.msk $0xffff, v19;
	v19 =	vand.u32 $0xF, v56;
	v57 =	vmul.f32 v54, v24  }
0x89: {  	v10 =	vadd.s32 $0x1, v10;
	v59 =	vxor.u32 v31, v58;
	[tilespmem:v12+s19+$0x0] =	vst.idx.msk $0xffff, v25;
	v19 =	vor.u32 v30, v19  }
0x8a: {  	v63 =	vxor.u32 v22, v58;
	v61 =	vshrl.u32 v59, $0x2;
	[tilespmem:v12+s20+$0x0] =	vst.idx.msk $0xffff, v57;
	v60 =	vor.u32 s3, v19  }
0x8b: {  	v62 =	vshrl.u32 v59, $0x3;
	v21 =	vand.u32 $0x7, v53;
	[tilespmem:v17+s17+$0x0] =	vst.idx.msk $0xffff, v60;
	v12 =	vor.u32 $0x10, v60  }
0x8c: {  	v28 =	vmul.f32 v54, v13;
	v25 =	vand.u32 $0xF, v62;
	v19 =	vand.u32 $0x1FFE0, v61;
	[tilespmem:v17+s18+$0x0] =	vst.idx.msk $0xffff, v12  }
0x8d: {  	v11 =	vxor.u32 v11, v10;
	v19 =	vor.u32 v19, v25;
	[tilespmem:v17+s19+$0x0] =	vst.idx.msk $0xffff, v21  }
0x8e: {  	v32 =	vshrl.u32 v63, $0x3;
	v26 =	vmul.f32 v50, v23;
	v19 =	vor.u32 s3, v19;
	[tilespmem:v17+s20+$0x0] =	vst.idx.msk $0xffff, v28  }
0x8f: {  	v33 =	vand.u32 $0x7, v59;
	v25 =	vshrl.u32 v63, $0x2;
	[tilespmem:v16+s17+$0x0] =	vst.idx.msk $0xffff, v19;
	v19 =	vor.u32 $0x10, v19  }
0x90: {  	v34 =	vmul.f32 v26, v24;
	v21 =	vand.u32 $0x1FFE0, v25;
	v17 =	vand.u32 $0xF, v32;
	[tilespmem:v16+s18+$0x0] =	vst.idx.msk $0xffff, v19  }
0x91: {  	v35 =	vxor.u32 v31, v11;
	v17 =	vor.u32 v21, v17;
	[tilespmem:v16+s19+$0x0] =	vst.idx.msk $0xffff, v33  }
0x92: {  	v10 =	vxor.u32 v10, v51;
	v36 =	vshrl.u32 v35, $0x2;
	v17 =	vor.u32 s3, v17;
	[tilespmem:v16+s20+$0x0] =	vst.idx.msk $0xffff, v34  }
0x93: {  	v39 =	vshrl.u32 v35, $0x3;
	v37 =	vand.u32 $0x1FFE0, v36;
	v38 =	vor.u32 $0x10, v17;
	[tilespmem:v15+s17+$0x0] =	vst.idx.msk $0xffff, v17  }
0x94: {  	v40 =	vand.u32 $0xF, v39;
	v41 =	vmul.f32 v26, v13;
	v12 =	vand.u32 $0x7, v63;
	[tilespmem:v15+s18+$0x0] =	vst.idx.msk $0xffff, v38  }
0x95: {  	v11 =	vxor.u32 v22, v11;
	v16 =	vor.u32 v37, v40;
	[tilespmem:v15+s19+$0x0] =	vst.idx.msk $0xffff, v12  }
0x96: {  	v43 =	vshrl.u32 v11, $0x3;
	v45 =	vmul.f32 v49, v20;
	v16 =	vor.u32 s3, v16;
	[tilespmem:v15+s20+$0x0] =	vst.idx.msk $0xffff, v41  }
0x97: {  	v44 =	vshrl.u32 v11, $0x2;
	v48 =	vand.u32 $0x7, v35;
	v47 =	vor.u32 $0x10, v16;
	[tilespmem:v14+s17+$0x0] =	vst.idx.msk $0xffff, v16  }
0x98: {  	v46 =	vand.u32 $0xF, v43;
	v49 =	vmul.f32 v45, v24;
	v12 =	vand.u32 $0x1FFE0, v44;
	[tilespmem:v14+s18+$0x0] =	vst.idx.msk $0xffff, v47  }
0x99: {  	v42 =	vmul.f32 v23, v20;
	v11 =	vand.u32 $0x7, v11;
	v12 =	vor.u32 v12, v46;
	[tilespmem:v14+s19+$0x0] =	vst.idx.msk $0xffff, v48  }
0x9a: {  	v50 =	vxor.u32 v31, v10;
	v52 =	vor.u32 s0, v8;
	v12 =	vor.u32 s3, v12;
	[tilespmem:v14+s20+$0x0] =	vst.idx.msk $0xffff, v49  }
0x9b: {  	v51 =	vshrl.u32 v50, $0x2;
	v53 =	vshrl.u32 v50, $0x3;
	v54 =	vor.u32 $0x10, v12;
	[tilespmem:v18+s17+$0x0] =	vst.idx.msk $0xffff, v12  }
0x9c: {  	v55 =	vand.u32 $0xF, v53;
	v56 =	vmul.f32 v45, v13;
	v16 =	vand.u32 $0x1FFE0, v51;
	[tilespmem:v18+s18+$0x0] =	vst.idx.msk $0xffff, v54  }
0x9d: {  	v10 =	vxor.u32 v22, v10;
	v12 =	vor.u32 v16, v55;
	[tilespmem:v18+s19+$0x0] =	vst.idx.msk $0xffff, v11  }
0x9e: {  	v58 =	vshrl.u32 v10, $0x3;
	v57 =	vor.u32 s0, v9;
	v12 =	vor.u32 s3, v12;
	[tilespmem:v18+s20+$0x0] =	vst.idx.msk $0xffff, v56  }
0x9f: {  	v62 =	vmul.f32 v24, v42;
	v11 =	vshrl.u32 v10, $0x2;
	v59 =	vor.u32 $0x10, v12;
	[tilespmem:v52+s17+$0x0] =	vst.idx.msk $0xffff, v12  }
0xa0: {  	v61 =	vand.u32 $0x7, v50;
	v60 =	vand.u32 $0xF, v58;
	v11 =	vand.u32 $0x1FFE0, v11;
	[tilespmem:v52+s18+$0x0] =	vst.idx.msk $0xffff, v59  }
0xa1: {  	v11 =	vor.u32 v11, v60;
	[tilespmem:v52+s19+$0x0] =	vst.idx.msk $0xffff, v61  }
0xa2: {  	v11 =	vor.u32 s3, v11;
	[tilespmem:v52+s20+$0x0] =	vst.idx.msk $0xffff, v62  }
0xa3: {  	[tilespmem:v57+s17+$0x0] =	vst.idx.msk $0xffff, v11;
	v11 =	vor.u32 $0x10, v11  }
0xa4: {  	v63 =	vmul.f32 v42, v13;
	v10 =	vand.u32 $0x7, v10;
	[tilespmem:v57+s18+$0x0] =	vst.idx.msk $0xffff, v11  }
0xa5: {  	[tilespmem:v57+s19+$0x0] =	vst.idx.msk $0xffff, v10  }
0xa6: {  	s16 =	rddreg [dreg:$0x1];
	[tilespmem:v57+s20+$0x0] =	vst.idx.msk $0xffff, v63  }
0xa7: {  	[tilespmem:s22], [sflag:$0x1] =	stream.indirect.gather [hbm4b:s16+s21], $0x8, s17, s21, $0xb8;
	[tilespmem:$0x14430] =	vst v63  }
0xa8: {  	s11 =	simm.s32 $0x0  }
0xa9: {  	[tilespmem:s23], [sflag:$0x1] =	stream.indirect.gather [hbm4b:s16+s21], $0x8, s18, s21, $0xb8;
	[tilespmem:$0x14430] =	vst v63  }
.LBB2_4:
0xaa: {  	s12 =	sshll.u32 s11, $0x5;
	s0 =	rddreg [dreg:$0x4]  }
0xab: {  	s0 =	sor.u32 s12, s0  }
0xac: {  	s0 =	sshrl.u32 s0, $0x3  }
0xad: {  	s4 =	rddreg [dreg:$0x0];
	s3 =	sor.u32 $0x2, s0  }
0xae: {  	s4 =	sadd.s32 s4, s3  }
0xaf: {  	[tilespmem:s13], [sflag:$0x3] =	stream.linear.gather [hbm4b:s4+s13], $0x10, $0x38;
	[tilespmem:$0x14430] =	vst v63  }
0xb0: {  	_ =	swait.ge [sflag:s14], $0x10  }
0xb1: {  	[sflag:s14] =	ssyncset.done $0x0;
	s8 =	rddreg [dreg:$0x5]  }
0xb2: {  	[sflag:s14] =	ssyncadd.s32 $0xFFFFFFF0;
	s4 =	sadd.s32 s3, s8  }
0xb3: {  	[tilespmem:s15], [sflag:$0x3] =	stream.linear.gather [hbm4b:s4+s13], $0x10, $0x38;
	[tilespmem:$0x14430] =	vst v63  }
0xb4: {  	_ =	swait.ge [sflag:s14], $0x10  }
0xb5: {  	[sflag:s14] =	ssyncset.done $0x0  }
0xb6: {  	s6 =	simm.s32 $0x20;
	s16 =	sadd.s32 s3, s2;
	[sflag:s14] =	ssyncadd.s32 $0xFFFFFFF0  }
0xb7: {  	[tilespmem:s6], [sflag:$0x3] =	stream.linear.gather [hbm4b:s16+s13], $0x10, $0x38;
	[tilespmem:$0x14430] =	vst v63  }
0xb8: {  	_ =	swait.ge [sflag:s14], $0x10  }
0xb9: {  	[sflag:s14] =	ssyncset.done $0x0  }
0xba: {  	[sflag:s14] =	ssyncadd.s32 $0xFFFFFFF0  }
0xbb: {  	v10 =	vld [tilespmem:$0x10]  }
0xbc: {  	v11 =	vld [tilespmem:$0x20]  }
0xbd: {  	v12 =	vld [tilespmem:$0x0]  }
0xbe: {  	v13 =	vmov s13  }
0xbf: {  	v13 =	vperm.xlane v2, v13;
	_ =	sdelay $0x1  }
0xc0: {  	v14 =	vmul.f32 v13, v10;
	v16 =	vmul.f32 v13, v11  }
0xc1: {  	v15 =	vor.u32 s13, v6;
	v20 =	vor.u32 s13, v5;
	v17 =	vmul.f32 v13, v12  }
0xc2: {  	v22 =	vor.u32 s13, v4;
	v18 =	vtrunc.f32 v14;
	v19 =	vtrunc.f32 v16  }
0xc3: {  	v24 =	vor.u32 s13, v3;
	v21 =	vtrunc.f32 v17;
	v18 =	vcvt.f32.s32 v18  }
0xc4: {  	v26 =	vor.u32 s13, v1;
	v19 =	vcvt.f32.s32 v19;
	v21 =	vcvt.f32.s32 v21  }
0xc5: {  	v13 =	vor.u32 s13, v7;
	v23 =	vmul.u32 $0x9E3779B1, v18;
	v18 =	vcvt.s32.f32 v18  }
0xc6: {  	v25 =	vmul.u32 $0x30025795, v19;
	v27 =	vcvt.s32.f32 v21;
	v19 =	vcvt.s32.f32 v19  }
0xc7: {  	v37 =	vadd.s32 $0x1, v21;
	v28 =	vxor.u32 v21, v23;
	v14 =	vsub.f32 v14, v18  }
0xc8: {  	v29 =	vadd.s32 $0x9E3779B1, v23;
	v17 =	vsub.f32 v17, v27;
	v16 =	vsub.f32 v16, v19  }
0xc9: {  	v23 =	vxor.u32 v23, v37;
	v18 =	vxor.u32 v25, v28;
	v21 =	vxor.u32 v21, v29  }
0xca: {  	v39 =	vxor.u32 v25, v23;
	v30 =	vshrl.u32 v18, $0x2;
	v31 =	vshrl.u32 v18, $0x3  }
0xcb: {  	v19 =	vsub.f32 $1.000000000e+00, v14;
	v33 =	vmul.f32 v14, v17;
	v18 =	vand.u32 $0x7, v18  }
0xcc: {  	v35 =	vsub.f32 $1.000000000e+00, v16;
	v27 =	vand.u32 $0x1FFE0, v30;
	v30 =	vand.u32 $0xF, v31  }
0xcd: {  	v60 =	vshrl.u32 v39, $0x3;
	v31 =	vsub.f32 $1.000000000e+00, v17;
	v27 =	vor.u32 v27, v30  }
0xce: {  	v30 =	vadd.s32 $0x30025795, v25;
	v17 =	vmul.f32 v19, v17;
	v27 =	vor.u32 s13, v27  }
0xcf: {  	v28 =	vxor.u32 v30, v28;
	v38 =	vmul.f32 v19, v31;
	v14 =	vmul.f32 v31, v14  }
0xd0: {  	v31 =	vxor.u32 v25, v21;
	v40 =	vxor.u32 v30, v23;
	v21 =	vxor.u32 v30, v21  }
0xd1: {  	v19 =	vmul.f32 v33, v16;
	v32 =	vor.u32 $0x10, v27;
	v34 =	vshrl.u32 v28, $0x2  }
0xd2: {  	v36 =	vshrl.u32 v28, $0x3;
	v23 =	vshrl.u32 v31, $0x2;
	v28 =	vand.u32 $0x7, v28  }
0xd3: {  	v42 =	vshrl.u32 v31, $0x3;
	v43 =	vshrl.u32 v40, $0x3;
	[tilespmem:v26+s24+$0x0] =	vst.idx.msk $0xffff, v27;
	v27 =	vshrl.u32 v39, $0x2  }
0xd4: {  	v56 =	vshrl.u32 v21, $0x2;
	v57 =	vshrl.u32 v21, $0x3;
	v34 =	vand.u32 $0x1FFE0, v34  }
0xd5: {  	v36 =	vand.u32 $0xF, v36;
	v41 =	vmul.f32 v38, v16;
	v38 =	vmul.f32 v38, v35;
	[tilespmem:v26+s25+$0x0] =	vst.idx.msk $0xffff, v32  }
0xd6: {  	v21 =	vand.u32 $0x7, v21;
	v63 =	vand.u32 $0x7, v40;
	v34 =	vor.u32 v34, v36;
	[tilespmem:v26+s26+$0x0] =	vst.idx.msk $0xffff, v18  }
0xd7: {  	v23 =	vand.u32 $0x1FFE0, v23;
	v58 =	vand.u32 $0xF, v57;
	v34 =	vor.u32 s13, v34;
	[tilespmem:v26+s28+$0x0] =	vst.idx.msk $0xffff, v38  }
0xd8: {  	v18 =	vand.u32 $0x1FFE0, v56;
	v26 =	vand.u32 $0x7, v31;
	[tilespmem:v24+s24+$0x0] =	vst.idx.msk $0xffff, v34;
	v31 =	vor.u32 $0x10, v34  }
0xd9: {  	v42 =	vand.u32 $0xF, v42;
	v27 =	vand.u32 $0x1FFE0, v27;
	v18 =	vor.u32 v18, v58;
	[tilespmem:v24+s25+$0x0] =	vst.idx.msk $0xffff, v31  }
0xda: {  	v32 =	vmul.f32 v17, v16;
	v23 =	vor.u32 v23, v42;
	v18 =	vor.u32 s13, v18;
	[tilespmem:v24+s26+$0x0] =	vst.idx.msk $0xffff, v28  }
0xdb: {  	v23 =	vor.u32 s13, v23;
	v59 =	vor.u32 $0x10, v18;
	v31 =	vand.u32 $0xF, v60;
	[tilespmem:v24+s28+$0x0] =	vst.idx.msk $0xffff, v41  }
0xdc: {  	v28 =	vmul.f32 v14, v35;
	v27 =	vor.u32 v27, v31;
	[tilespmem:v22+s24+$0x0] =	vst.idx.msk $0xffff, v23;
	v23 =	vor.u32 $0x10, v23  }
0xdd: {  	v31 =	vshrl.u32 v40, $0x2;
	v14 =	vmul.f32 v14, v16;
	v24 =	vxor.u32 v37, v29;
	[tilespmem:v22+s25+$0x0] =	vst.idx.msk $0xffff, v23  }
0xde: {  	v29 =	vand.u32 $0x1FFE0, v31;
	v27 =	vor.u32 s13, v27;
	v61 =	vxor.u32 v25, v24;
	[tilespmem:v22+s26+$0x0] =	vst.idx.msk $0xffff, v26  }
0xdf: {  	v25 =	vand.u32 $0xF, v43;
	v23 =	vshrl.u32 v61, $0x2;
	v31 =	vshrl.u32 v61, $0x3;
	[tilespmem:v22+s28+$0x0] =	vst.idx.msk $0xffff, v28  }
0xe0: {  	v25 =	vor.u32 v29, v25;
	v23 =	vand.u32 $0x1FFE0, v23;
	v26 =	vand.u32 $0xF, v31;
	[tilespmem:v20+s24+$0x0] =	vst.idx.msk $0xffff, v18  }
0xe1: {  	v29 =	vor.u32 $0x10, v27;
	v22 =	vor.u32 v23, v26;
	v26 =	vand.u32 $0x7, v39;
	[tilespmem:v20+s25+$0x0] =	vst.idx.msk $0xffff, v59  }
0xe2: {  	v23 =	vxor.u32 v30, v24;
	v30 =	vor.u32 s13, v25;
	v25 =	vor.u32 s13, v8;
	[tilespmem:v20+s26+$0x0] =	vst.idx.msk $0xffff, v21  }
0xe3: {  	v28 =	vand.u32 $0x7, v61;
	v18 =	vshrl.u32 v23, $0x2;
	v24 =	vshrl.u32 v23, $0x3;
	[tilespmem:v20+s28+$0x0] =	vst.idx.msk $0xffff, v14  }
0xe4: {  	s16 =	simm.s32 $0x1;
	v62 =	vor.u32 $0x10, v30;
	v18 =	vand.u32 $0x1FFE0, v18;
	v24 =	vand.u32 $0xF, v24;
	[tilespmem:v15+s24+$0x0] =	vst.idx.msk $0xffff, v27  }
0xe5: {  	v24 =	vor.u32 v18, v24;
	v20 =	vmul.f32 v17, v35;
	v14 =	vmov s16;
	[tilespmem:v15+s25+$0x0] =	vst.idx.msk $0xffff, v29  }
0xe6: {  	v21 =	vor.u32 s13, v9;
	v18 =	vor.u32 s16, v7;
	v16 =	vperm.xlane v2, v14;
	[tilespmem:v15+s26+$0x0] =	vst.idx.msk $0xffff, v26  }
0xe7: {  	v17 =	vor.u32 s16, v3;
	v27 =	vor.u32 s13, v22;
	v14 =	vor.u32 s16, v6;
	[tilespmem:v15+s28+$0x0] =	vst.idx.msk $0xffff, v20  }
0xe8: {  	v31 =	vor.u32 $0x10, v27;
	v29 =	vmul.f32 v16, v10;
	v26 =	vmul.f32 v16, v11;
	[tilespmem:v13+s24+$0x0] =	vst.idx.msk $0xffff, v30  }
0xe9: {  	v15 =	vor.u32 s16, v5;
	v20 =	vmul.f32 v35, v33;
	v30 =	vmul.f32 v16, v12;
	[tilespmem:v13+s25+$0x0] =	vst.idx.msk $0xffff, v62  }
0xea: {  	s7 =	simm.s32 $0x0;
	s4 =	simm.s32 $0x2;
	s6 =	simm.s32 $0x0;
	v16 =	vor.u32 s16, v4;
	v33 =	vtrunc.f32 v29;
	v22 =	vtrunc.f32 v26;
	[tilespmem:v13+s26+$0x0] =	vst.idx.msk $0xffff, v63  }
.LBB2_5:
0xeb: {  	p0 =	sne.s32 s4, $0xF  }
0xec: {  	v34 =	vtrunc.f32 v30;
	v33 =	vcvt.f32.s32 v33;
	v35 =	vor.u32 s16, v1;
	[tilespmem:v13+s28+$0x0] =	vst.idx.msk $0xffff, v32;
	s6 =	sadd.s32 $0x20000, s6;
	v13 =	vmovc v18;
	s8 =	smov.u32 s4;
	s4 =	sadd.s32 $0x1, s4  }
0xed: {  	v18 =	vcvt.f32.s32 v22;
	v22 =	vand.u32 $0x7, v23;
	v32 =	vcvt.f32.s32 v34;
	[tilespmem:v25+s24+$0x0] =	vst.idx.msk $0xffff, v27  }
0xee: {  	v24 =	vor.u32 s7, v24;
	s7 =	smov.u32 s6;
	v23 =	vcvt.s32.f32 v33;
	v27 =	vmul.u32 $0x9E3779B1, v33;
	[tilespmem:v25+s25+$0x0] =	vst.idx.msk $0xffff, v31  }
0xef: {  	v33 =	vcvt.s32.f32 v18;
	v34 =	vmul.u32 $0x30025795, v18;
	v31 =	vcvt.s32.f32 v32;
	[tilespmem:v25+s26+$0x0] =	vst.idx.msk $0xffff, v28  }
0xf0: {  	v23 =	vsub.f32 v29, v23;
	v28 =	vadd.s32 $0x9E3779B1, v27;
	v29 =	vxor.u32 v32, v27;
	[tilespmem:v25+s28+$0x0] =	vst.idx.msk $0xffff, v20  }
0xf1: {  	v20 =	vor.u32 $0x10, v24;
	v25 =	vsub.f32 v30, v31;
	v30 =	vxor.u32 v34, v29;
	[tilespmem:v21+s24+$0x0] =	vst.idx.msk $0xffff, v24  }
0xf2: {  	v18 =	vsub.f32 v26, v33;
	v24 =	vshrl.u32 v30, $0x2;
	v26 =	vshrl.u32 v30, $0x3;
	[tilespmem:v21+s25+$0x0] =	vst.idx.msk $0xffff, v20  }
0xf3: {  	v31 =	vsub.f32 $1.000000000e+00, v23;
	v20 =	vand.u32 $0x1FFE0, v24;
	v24 =	vand.u32 $0xF, v26;
	[tilespmem:v21+s26+$0x0] =	vst.idx.msk $0xffff, v22  }
0xf4: {  	v26 =	vadd.s32 $0x30025795, v34;
	v22 =	vor.u32 v20, v24;
	v20 =	vmul.f32 v23, v25;
	[tilespmem:v21+s28+$0x0] =	vst.idx.msk $0xffff, v19  }
0xf5: {  	v21 =	vand.u32 $0x7, v30;
	v24 =	vxor.u32 v26, v29;
	v19 =	vor.u32 s6, v22  }
0xf6: {  	v29 =	vsub.f32 $1.000000000e+00, v25;
	v30 =	vshrl.u32 v24, $0x2;
	[tilespmem:v35+s24+$0x0] =	vst.idx.msk $0xffff, v19;
	v19 =	vor.u32 $0x10, v19  }
0xf7: {  	v22 =	vsub.f32 $1.000000000e+00, v18;
	[tilespmem:v35+s25+$0x0] =	vst.idx.msk $0xffff, v19;
	v19 =	vand.u32 $0x1FFE0, v30;
	v30 =	vshrl.u32 v24, $0x3  }
0xf8: {  	v33 =	vadd.s32 $0x1, v32;
	v36 =	vmul.f32 v31, v29;
	[tilespmem:v35+s26+$0x0] =	vst.idx.msk $0xffff, v21;
	v21 =	vxor.u32 v32, v28  }
0xf9: {  	v29 =	vmul.f32 v29, v23;
	v23 =	vxor.u32 v27, v33;
	v30 =	vand.u32 $0xF, v30  }
0xfa: {  	v37 =	vxor.u32 v26, v23;
	v32 =	vxor.u32 v34, v23;
	v27 =	vxor.u32 v34, v21  }
0xfb: {  	v24 =	vand.u32 $0x7, v24;
	v23 =	vmul.f32 v36, v18;
	v38 =	vshrl.u32 v27, $0x2  }
0xfc: {  	v40 =	vshrl.u32 v37, $0x3;
	v39 =	vshrl.u32 v27, $0x3;
	v38 =	vand.u32 $0x1FFE0, v38  }
0xfd: {  	v36 =	vmul.f32 v36, v22;
	v21 =	vxor.u32 v26, v21;
	v41 =	vshrl.u32 v32, $0x2  }
0xfe: {  	v42 =	vshrl.u32 v21, $0x2;
	v43 =	vshrl.u32 v21, $0x3;
	v39 =	vand.u32 $0xF, v39  }
0xff: {  	v19 =	vor.u32 v19, v30;
	v30 =	vand.u32 $0x1FFE0, v42;
	v42 =	vand.u32 $0xF, v43  }
0x100: {  	v19 =	vor.u32 s6, v19;
	v30 =	vor.u32 v30, v42;
	[tilespmem:v35+s28+$0x0] =	vst.idx.msk $0xffff, v36;
	v35 =	vor.u32 v38, v39  }
0x101: {  	v27 =	vand.u32 $0x7, v27;
	v30 =	vor.u32 s6, v30;
	v36 =	vand.u32 $0x1FFE0, v41;
	[tilespmem:v17+s24+$0x0] =	vst.idx.msk $0xffff, v19  }
0x102: {  	v38 =	vor.u32 $0x10, v30;
	v39 =	vshrl.u32 v32, $0x3;
	v19 =	vor.u32 $0x10, v19  }
0x103: {  	v21 =	vand.u32 $0x7, v21;
	[tilespmem:v17+s25+$0x0] =	vst.idx.msk $0xffff, v19;
	v19 =	vor.u32 s6, v35;
	v35 =	vand.u32 $0xF, v39  }
0x104: {  	[tilespmem:v17+s26+$0x0] =	vst.idx.msk $0xffff, v24;
	v24 =	vmul.f32 v29, v22;
	v35 =	vor.u32 v36, v35;
	v36 =	vshrl.u32 v37, $0x2  }
0x105: {  	v28 =	vxor.u32 v33, v28;
	[tilespmem:v17+s28+$0x0] =	vst.idx.msk $0xffff, v23;
	v17 =	vand.u32 $0x1FFE0, v36;
	v23 =	vand.u32 $0xF, v40  }
0x106: {  	v33 =	vxor.u32 v34, v28;
	[tilespmem:v16+s24+$0x0] =	vst.idx.msk $0xffff, v19;
	v19 =	vor.u32 $0x10, v19;
	v17 =	vor.u32 v17, v23  }
0x107: {  	v34 =	vor.u32 s6, v35;
	v23 =	vshrl.u32 v33, $0x3;
	[tilespmem:v16+s25+$0x0] =	vst.idx.msk $0xffff, v19;
	v19 =	vshrl.u32 v33, $0x2  }
0x108: {  	v23 =	vand.u32 $0xF, v23;
	[tilespmem:v16+s26+$0x0] =	vst.idx.msk $0xffff, v27;
	v27 =	vor.u32 $0x10, v34;
	v19 =	vand.u32 $0x1FFE0, v19  }
0x109: {  	[tilespmem:v16+s28+$0x0] =	vst.idx.msk $0xffff, v24;
	v16 =	vand.u32 $0x7, v32;
	v35 =	vor.u32 v19, v23;
	v23 =	vxor.u32 v26, v28  }
0x10a: {  	v19 =	vmul.f32 v29, v18;
	[tilespmem:v15+s24+$0x0] =	vst.idx.msk $0xffff, v30;
	v24 =	vshrl.u32 v23, $0x2;
	v26 =	vshrl.u32 v23, $0x3  }
0x10b: {  	v17 =	vor.u32 s6, v17;
	[tilespmem:v15+s25+$0x0] =	vst.idx.msk $0xffff, v38;
	v24 =	vand.u32 $0x1FFE0, v24;
	v26 =	vand.u32 $0xF, v26  }
0x10c: {  	v36 =	vor.u32 $0x10, v17;
	[tilespmem:v15+s26+$0x0] =	vst.idx.msk $0xffff, v21;
	v21 =	vmul.f32 v31, v25;
	v24 =	vor.u32 v24, v26  }
0x10d: {  	v37 =	vand.u32 $0x7, v37;
	[tilespmem:v15+s28+$0x0] =	vst.idx.msk $0xffff, v19;
	v19 =	vmul.f32 v20, v18  }
0x10e: {  	v15 =	vmul.f32 v21, v22;
	[tilespmem:v14+s24+$0x0] =	vst.idx.msk $0xffff, v34;
	v32 =	vmul.f32 v21, v18  }
0x10f: {  	v18 =	vmov s8;
	v21 =	vor.u32 s16, v9;
	[tilespmem:v14+s25+$0x0] =	vst.idx.msk $0xffff, v27;
	v27 =	vor.u32 s6, v35  }
.Ltmp1:
0x110: {  	v25 =	vor.u32 s16, v8;
	s16 =	smov.u32 s8;
	v30 =	vperm.xlane v2, v18;
	[tilespmem:v14+s26+$0x0] =	vst.idx.msk $0xffff, v16;
	v31 =	vor.u32 $0x10, v27;
	(pc) =	sbr.rel @p0 .LBB2_5-.Ltmp1, $4  }
0x111: {  	v28 =	vand.u32 $0x7, v33;
	v18 =	vor.u32 s16, v7;
	[tilespmem:v14+s28+$0x0] =	vst.idx.msk $0xffff, v15;
	v14 =	vor.u32 s16, v6  }
0x112: {  	v29 =	vmul.f32 v30, v10;
	v26 =	vmul.f32 v30, v11;
	v15 =	vor.u32 s16, v5;
	[tilespmem:v13+s24+$0x0] =	vst.idx.msk $0xffff, v17  }
0x113: {  	v20 =	vmul.f32 v22, v20;
	v16 =	vor.u32 s16, v4;
	v30 =	vmul.f32 v30, v12;
	[tilespmem:v13+s25+$0x0] =	vst.idx.msk $0xffff, v36  }
0x114: {  	v17 =	vor.u32 s16, v3;
	v33 =	vtrunc.f32 v29;
	v22 =	vtrunc.f32 v26;
	[tilespmem:v13+s26+$0x0] =	vst.idx.msk $0xffff, v37  }
0x115: {  	_ =	sdelay $0x2  }
0x116: {  	v10 =	vtrunc.f32 v30;
	v11 =	vcvt.f32.s32 v33;
	v12 =	vor.u32 s16, v1  }
0x117: {  	[tilespmem:v13+s28+$0x0] =	vst.idx.msk $0xffff, v32;
	v13 =	vcvt.f32.s32 v22;
	v58 =	vand.u32 $0x7, v23;
	v24 =	vor.u32 s7, v24  }
0x118: {  	v10 =	vcvt.f32.s32 v10;
	[tilespmem:v25+s24+$0x0] =	vst.idx.msk $0xffff, v27;
	v59 =	vcvt.s32.f32 v11;
	v11 =	vmul.u32 $0x9E3779B1, v11  }
0x119: {  	v34 =	vor.u32 $0x10, v24;
	[tilespmem:v25+s25+$0x0] =	vst.idx.msk $0xffff, v31;
	v61 =	vmul.u32 $0x30025795, v13;
	v13 =	vcvt.s32.f32 v13  }
0x11a: {  	v60 =	vcvt.s32.f32 v10;
	[tilespmem:v25+s26+$0x0] =	vst.idx.msk $0xffff, v28;
	v23 =	vsub.f32 v29, v59;
	v62 =	vxor.u32 v10, v11  }
0x11b: {  	[tilespmem:v25+s28+$0x0] =	vst.idx.msk $0xffff, v20;
	v13 =	vsub.f32 v26, v13;
	v38 =	vadd.s32 $0x30025795, v61;
	v33 =	vxor.u32 v61, v62  }
0x11c: {  	v63 =	vsub.f32 v30, v60;
	[tilespmem:v21+s24+$0x0] =	vst.idx.msk $0xffff, v24;
	v35 =	vshrl.u32 v33, $0x2;
	v36 =	vshrl.u32 v33, $0x3  }
0x11d: {  	v40 =	vadd.s32 $0x9E3779B1, v11;
	[tilespmem:v21+s25+$0x0] =	vst.idx.msk $0xffff, v34;
	v24 =	vand.u32 $0x1FFE0, v35;
	v26 =	vand.u32 $0xF, v36  }
0x11e: {  	s4 =	sadd.s32 $0x20000, s6;
	v37 =	vsub.f32 $1.000000000e+00, v23;
	[tilespmem:v21+s26+$0x0] =	vst.idx.msk $0xffff, v58;
	v39 =	vsub.f32 $1.000000000e+00, v63;
	v24 =	vor.u32 v24, v26  }
0x11f: {  	v41 =	vxor.u32 v38, v62;
	v46 =	vxor.u32 v10, v40;
	[tilespmem:v21+s28+$0x0] =	vst.idx.msk $0xffff, v19;
	v19 =	vor.u32 s4, v24  }
0x120: {  	v42 =	vsub.f32 $1.000000000e+00, v13;
	v43 =	vmul.f32 v37, v39;
	[tilespmem:v12+s24+$0x0] =	vst.idx.msk $0xffff, v19;
	v19 =	vor.u32 $0x10, v19  }
0x121: {  	v25 =	vand.u32 $0x7, v33;
	v44 =	vshrl.u32 v41, $0x2;
	[tilespmem:v12+s25+$0x0] =	vst.idx.msk $0xffff, v19;
	v19 =	vshrl.u32 v41, $0x3  }
0x122: {  	v30 =	vand.u32 $0x1FFE0, v44;
	v45 =	vmul.f32 v43, v42;
	v19 =	vand.u32 $0xF, v19  }
0x123: {  	v47 =	vxor.u32 v61, v46;
	[tilespmem:v12+s26+$0x0] =	vst.idx.msk $0xffff, v25;
	v19 =	vor.u32 v30, v19  }
0x124: {  	v10 =	vadd.s32 $0x1, v10;
	v48 =	vshrl.u32 v47, $0x3;
	[tilespmem:v12+s28+$0x0] =	vst.idx.msk $0xffff, v45;
	v12 =	vor.u32 s4, v19  }
0x125: {  	v21 =	vand.u32 $0x7, v41;
	v19 =	vshrl.u32 v47, $0x2;
	[tilespmem:v17+s24+$0x0] =	vst.idx.msk $0xffff, v12;
	v12 =	vor.u32 $0x10, v12  }
0x126: {  	v28 =	vmul.f32 v43, v13;
	v25 =	vand.u32 $0xF, v48;
	v19 =	vand.u32 $0x1FFE0, v19;
	[tilespmem:v17+s25+$0x0] =	vst.idx.msk $0xffff, v12  }
0x127: {  	v11 =	vxor.u32 v11, v10;
	v50 =	vand.u32 $0x7, v47;
	v19 =	vor.u32 v19, v25;
	[tilespmem:v17+s26+$0x0] =	vst.idx.msk $0xffff, v21  }
0x128: {  	v26 =	vmul.f32 v39, v23;
	v12 =	vxor.u32 v38, v46;
	v19 =	vor.u32 s4, v19;
	[tilespmem:v17+s28+$0x0] =	vst.idx.msk $0xffff, v28  }
0x129: {  	v49 =	vshrl.u32 v12, $0x2;
	v17 =	vshrl.u32 v12, $0x3;
	[tilespmem:v16+s24+$0x0] =	vst.idx.msk $0xffff, v19;
	v19 =	vor.u32 $0x10, v19  }
0x12a: {  	v51 =	vmul.f32 v26, v42;
	v21 =	vand.u32 $0x1FFE0, v49;
	v17 =	vand.u32 $0xF, v17;
	[tilespmem:v16+s25+$0x0] =	vst.idx.msk $0xffff, v19  }
0x12b: {  	v10 =	vxor.u32 v10, v40;
	v17 =	vor.u32 v21, v17;
	[tilespmem:v16+s26+$0x0] =	vst.idx.msk $0xffff, v50  }
0x12c: {  	v55 =	vmul.f32 v26, v13;
	v19 =	vxor.u32 v61, v11;
	v17 =	vor.u32 s4, v17;
	[tilespmem:v16+s28+$0x0] =	vst.idx.msk $0xffff, v51  }
0x12d: {  	v52 =	vshrl.u32 v19, $0x2;
	v54 =	vshrl.u32 v19, $0x3;
	v53 =	vor.u32 $0x10, v17;
	[tilespmem:v15+s24+$0x0] =	vst.idx.msk $0xffff, v17  }
0x12e: {  	v12 =	vand.u32 $0x7, v12;
	v16 =	vand.u32 $0x1FFE0, v52;
	v17 =	vand.u32 $0xF, v54;
	[tilespmem:v15+s25+$0x0] =	vst.idx.msk $0xffff, v53  }
0x12f: {  	v11 =	vxor.u32 v38, v11;
	v16 =	vor.u32 v16, v17;
	[tilespmem:v15+s26+$0x0] =	vst.idx.msk $0xffff, v12  }
0x130: {  	v17 =	vmul.f32 v37, v63;
	v12 =	vshrl.u32 v11, $0x2;
	v16 =	vor.u32 s4, v16;
	[tilespmem:v15+s28+$0x0] =	vst.idx.msk $0xffff, v55  }
0x131: {  	v57 =	vshrl.u32 v11, $0x3;
	v12 =	vand.u32 $0x1FFE0, v12;
	v58 =	vor.u32 $0x10, v16;
	[tilespmem:v14+s24+$0x0] =	vst.idx.msk $0xffff, v16  }
0x132: {  	v15 =	vand.u32 $0xF, v57;
	v16 =	vand.u32 $0x7, v19;
	v19 =	vmul.f32 v17, v42;
	[tilespmem:v14+s25+$0x0] =	vst.idx.msk $0xffff, v58  }
0x133: {  	v59 =	vor.u32 s16, v8;
	v56 =	vmul.f32 v23, v63;
	v12 =	vor.u32 v12, v15;
	[tilespmem:v14+s26+$0x0] =	vst.idx.msk $0xffff, v16  }
0x134: {  	v11 =	vand.u32 $0x7, v11;
	v15 =	vxor.u32 v61, v10;
	v12 =	vor.u32 s4, v12;
	[tilespmem:v14+s28+$0x0] =	vst.idx.msk $0xffff, v19  }
0x135: {  	v16 =	vshrl.u32 v15, $0x2;
	v14 =	vshrl.u32 v15, $0x3;
	v19 =	vor.u32 $0x10, v12;
	[tilespmem:v18+s24+$0x0] =	vst.idx.msk $0xffff, v12  }
0x136: {  	v16 =	vand.u32 $0x1FFE0, v16;
	v12 =	vand.u32 $0xF, v14;
	v14 =	vmul.f32 v17, v13;
	[tilespmem:v18+s25+$0x0] =	vst.idx.msk $0xffff, v19  }
0x137: {  	v10 =	vxor.u32 v38, v10;
	v12 =	vor.u32 v16, v12;
	[tilespmem:v18+s26+$0x0] =	vst.idx.msk $0xffff, v11  }
0x138: {  	v16 =	vor.u32 s16, v9;
	v11 =	vshrl.u32 v10, $0x2;
	v12 =	vor.u32 s4, v12;
	[tilespmem:v18+s28+$0x0] =	vst.idx.msk $0xffff, v14  }
0x139: {  	v14 =	vshrl.u32 v10, $0x3;
	v11 =	vand.u32 $0x1FFE0, v11;
	v17 =	vor.u32 $0x10, v12;
	[tilespmem:v59+s24+$0x0] =	vst.idx.msk $0xffff, v12  }
0x13a: {  	v12 =	vand.u32 $0xF, v14;
	v14 =	vand.u32 $0x7, v15;
	v15 =	vmul.f32 v42, v56;
	[tilespmem:v59+s25+$0x0] =	vst.idx.msk $0xffff, v17  }
0x13b: {  	v11 =	vor.u32 v11, v12;
	[tilespmem:v59+s26+$0x0] =	vst.idx.msk $0xffff, v14  }
0x13c: {  	v11 =	vor.u32 s4, v11;
	[tilespmem:v59+s28+$0x0] =	vst.idx.msk $0xffff, v15  }
0x13d: {  	[tilespmem:v16+s24+$0x0] =	vst.idx.msk $0xffff, v11;
	v11 =	vor.u32 $0x10, v11  }
0x13e: {  	v10 =	vand.u32 $0x7, v10;
	v12 =	vmul.f32 v56, v13;
	[tilespmem:v16+s25+$0x0] =	vst.idx.msk $0xffff, v11  }
0x13f: {  	[tilespmem:v16+s26+$0x0] =	vst.idx.msk $0xffff, v10  }
0x140: {  	s8 =	rddreg [dreg:$0x1];
	[tilespmem:v16+s28+$0x0] =	vst.idx.msk $0xffff, v12  }
0x141: {  	[tilespmem:s29], [sflag:$0x2] =	stream.indirect.gather [hbm4b:s8+s21], $0x8, s24, s21, $0xb8;
	[tilespmem:$0x14430] =	vst v63  }
0x142: {  	_ = 	snop  }
0x143: {  	[tilespmem:s30], [sflag:$0x2] =	stream.indirect.gather [hbm4b:s8+s21], $0x8, s25, s21, $0xb8;
	[tilespmem:$0x14430] =	vst v63  }
0x144: {  	s16 =	simm.s32 $0x0;
	_ =	swait.ge [sflag:s31], $0x4000  }
0x145: {  	v10 =	vor.u32 s16, v6;
	[sflag:s31] =	ssyncset.done $0x0  }
0x146: {  	v11 =	vor.u32 s16, v9;
	[sflag:s31] =	ssyncadd.s32 $0xFFFFC000  }
0x147: {  	v12 =	vor.u32 s16, v8;
	_ =	swait.ge [sflag:s31], $0x4000  }
0x148: {  	v13 =	vor.u32 s16, v1;
	[sflag:s31] =	ssyncset.done $0x0  }
0x149: {  	v14 =	vor.u32 s16, v7;
	[sflag:s31] =	ssyncadd.s32 $0xFFFFC000  }
0x14a: {  	v15 =	vor.u32 s16, v3;
	v16 =	vld.idx.msk [tilespmem:v10+s19+$0x0], $0xffff  }
0x14b: {  	v17 =	vld.idx.msk [tilespmem:v11+s20+$0x0], $0xffff  }
0x14c: {  	v18 =	vor.u32 s16, v4;
	v19 =	vld.idx.msk [tilespmem:v12+s20+$0x0], $0xffff  }
0x14d: {  	v61 =	vor.u32 s16, v5;
	v60 =	vld.idx.msk [tilespmem:v13+s19+$0x0], $0xffff  }
0x14e: {  	v22 =	vld.idx.msk [tilespmem:v14+s20+$0x0], $0xffff  }
0x14f: {  	v62 =	vld.idx.msk [tilespmem:v15+s19+$0x0], $0xffff  }
0x150: {  	v24 =	vld.idx.msk [tilespmem:v10+s20+$0x0], $0xffff  }
0x151: {  	v63 =	vld.idx.msk [tilespmem:v18+s19+$0x0], $0xffff  }
0x152: {  	v36 =	vld.idx.msk [tilespmem:v61+s20+$0x0], $0xffff  }
0x153: {  	v38 =	vshll.u32 v13, $0x3;
	v39 =	vld.idx.msk [tilespmem:v61+s19+$0x0], $0xffff;
	v37 =	vand.u32 $0xFFFFFFF8, v60  }
0x154: {  	v40 =	vld.idx.msk [tilespmem:v18+s20+$0x0], $0xffff;
	v20 =	vand.u32 $0x7, v60;
	v27 =	vadd.s32 v38, v37  }
0x155: {  	v41 =	vld.idx.msk [tilespmem:v15+s20+$0x0], $0xffff;
	v15 =	vshll.u32 v15, $0x3;
	v42 =	vand.u32 $0xFFFFFFF8, v62;
	v20 =	vor.u32 v20, v27  }
0x156: {  	v43 =	vld.idx.msk [tilespmem:v11+s19+$0x0], $0xffff;
	v23 =	vand.u32 $0x7, v62;
	v15 =	vadd.s32 v15, v42  }
0x157: {  	v18 =	vshll.u32 v18, $0x3;
	v45 =	vld.idx.msk [tilespmem:v14+s19+$0x0], $0xffff;
	v44 =	vand.u32 $0xFFFFFFF8, v63;
	v15 =	vor.u32 v23, v15  }
0x158: {  	v21 =	vshll.u32 v61, $0x3;
	v47 =	vld.idx.msk [tilespmem:v12+s19+$0x0], $0xffff;
	v25 =	vand.u32 $0x7, v63;
	v18 =	vadd.s32 v18, v44  }
0x159: {  	v13 =	vld.idx.msk [tilespmem:v13+s20+$0x0], $0xffff;
	v10 =	vshll.u32 v10, $0x3;
	v48 =	vand.u32 $0xFFFFFFF8, v39;
	v18 =	vor.u32 v25, v18  }
0x15a: {  	v46 =	vand.u32 $0xFFFFFFF8, v16;
	v29 =	vand.u32 $0x7, v39;
	v21 =	vadd.s32 v21, v48;
	v49 =	vld.idx.msk [tilespmem:v20+s22+$0x0], $0xffff  }
0x15b: {  	v16 =	vand.u32 $0x7, v16;
	v10 =	vadd.s32 v10, v46;
	v21 =	vor.u32 v29, v21;
	v20 =	vld.idx.msk [tilespmem:v20+s23+$0x0], $0xffff  }
0x15c: {  	v14 =	vshll.u32 v14, $0x3;
	v12 =	vshll.u32 v12, $0x3;
	v10 =	vor.u32 v16, v10;
	v16 =	vld.idx.msk [tilespmem:v15+s22+$0x0], $0xffff  }
0x15d: {  	v11 =	vshll.u32 v11, $0x3;
	v50 =	vand.u32 $0xFFFFFFF8, v43;
	v51 =	vand.u32 $0xFFFFFFF8, v45;
	v15 =	vld.idx.msk [tilespmem:v15+s23+$0x0], $0xffff  }
0x15e: {  	v30 =	vand.u32 $0x7, v43;
	v31 =	vand.u32 $0x7, v45;
	v14 =	vadd.s32 v14, v51;
	v52 =	vld.idx.msk [tilespmem:v18+s22+$0x0], $0xffff  }
0x15f: {  	v53 =	vand.u32 $0xFFFFFFF8, v47;
	v14 =	vor.u32 v31, v14;
	v18 =	vld.idx.msk [tilespmem:v18+s23+$0x0], $0xffff;
	v54 =	vmul.f32 v49, v13  }
0x160: {  	v12 =	vadd.s32 v12, v53;
	v23 =	vand.u32 $0x7, v47;
	v55 =	vld.idx.msk [tilespmem:v21+s22+$0x0], $0xffff;
	v13 =	vmul.f32 v20, v13  }
0x161: {  	v12 =	vor.u32 v23, v12;
	v56 =	vld.idx.msk [tilespmem:v21+s23+$0x0], $0xffff;
	v16 =	vmul.f32 v16, v41;
	v57 =	vadd.f32 $0.0e+00, v54  }
0x162: {  	v11 =	vadd.s32 v11, v50;
	v58 =	vld.idx.msk [tilespmem:v10+s22+$0x0], $0xffff;
	v15 =	vmul.f32 v15, v41;
	v13 =	vadd.f32 $0.0e+00, v13  }
0x163: {  	v11 =	vor.u32 v30, v11;
	v10 =	vld.idx.msk [tilespmem:v10+s23+$0x0], $0xffff;
	v59 =	vmul.f32 v52, v40;
	v16 =	vadd.f32 v16, v57  }
0x164: {  	v60 =	vld.idx.msk [tilespmem:v14+s22+$0x0], $0xffff;
	v13 =	vadd.f32 v15, v13;
	v15 =	vmul.f32 v18, v40  }
0x165: {  	v14 =	vld.idx.msk [tilespmem:v14+s23+$0x0], $0xffff;
	v18 =	vmul.f32 v55, v36;
	v16 =	vadd.f32 v59, v16  }
0x166: {  	v61 =	vld.idx.msk [tilespmem:v12+s22+$0x0], $0xffff;
	v13 =	vadd.f32 v15, v13;
	v15 =	vmul.f32 v56, v36  }
0x167: {  	v12 =	vld.idx.msk [tilespmem:v12+s23+$0x0], $0xffff;
	v16 =	vadd.f32 v18, v16;
	v18 =	vmul.f32 v58, v24  }
0x168: {  	v62 =	vld.idx.msk [tilespmem:v11+s22+$0x0], $0xffff;
	v10 =	vmul.f32 v10, v24;
	v13 =	vadd.f32 v15, v13  }
0x169: {  	v15 =	vadd.f32 v18, v16;
	v16 =	vmul.f32 v60, v22  }
0x16a: {  	v10 =	vadd.f32 v10, v13  }
0x16b: {  	v18 =	vld.idx.msk [tilespmem:v11+s23+$0x0], $0xffff;
	v13 =	vmul.f32 v14, v22;
	v14 =	vadd.f32 v16, v15;
	v15 =	vmul.f32 v61, v19  }
0x16c: {  	v12 =	vmul.f32 v12, v19;
	v11 =	vmov s16  }
0x16d: {  	v16 =	vshll.u32 v11, $0x5;
	v14 =	vadd.f32 v15, v14;
	v15 =	vmul.f32 v62, v17  }
0x16e: {  	v13 =	vadd.f32 v13, v10;
	v10 =	vor.u32 $0x10, v0;
	v63 =	vor.u32 v0, v16  }
0x16f: {  	s16 =	simm.s32 $0x1;
	v19 =	vadd.f32 v15, v14;
	v15 =	vor.u32 v10, v16  }
0x170: {  	v12 =	vadd.f32 v12, v13;
	v18 =	vmul.f32 v18, v17;
	v17 =	vor.u32 s16, v6  }
0x171: {  	v13 =	vor.u32 s16, v9  }
0x172: {  	v14 =	vor.u32 s16, v8;
	v12 =	vadd.f32 v18, v12  }
0x173: {  	s4 =	simm.s32 $0x2;
	v11 =	vor.u32 s16, v7;
	v16 =	vor.u32 s16, v1;
	[tilespmem:v63+s1+$0x0] =	vst.idx.msk $0xffff, v19  }
.LBB2_7:
0x174: {  	v18 =	vor.u32 s4, v7;
	p0 =	sne.s32 s4, $0xF;
	[tilespmem:v15+s1+$0x0] =	vst.idx.msk $0xffff, v12;
	s6 =	smov.u32 s4;
	s4 =	sadd.s32 $0x1, s4  }
0x175: {  	v19 =	vor.u32 s16, v3;
	v20 =	vld.idx.msk [tilespmem:v17+s19+$0x0], $0xffff  }
0x176: {  	v12 =	vld.idx.msk [tilespmem:v13+s20+$0x0], $0xffff  }
0x177: {  	v21 =	vor.u32 s16, v4;
	v15 =	vld.idx.msk [tilespmem:v14+s20+$0x0], $0xffff  }
0x178: {  	v23 =	vor.u32 s16, v5;
	v22 =	vld.idx.msk [tilespmem:v16+s19+$0x0], $0xffff  }
0x179: {  	v24 =	vld.idx.msk [tilespmem:v11+s20+$0x0], $0xffff  }
0x17a: {  	v25 =	vld.idx.msk [tilespmem:v19+s19+$0x0], $0xffff  }
0x17b: {  	v27 =	vand.u32 $0xFFFFFFF8, v20;
	v26 =	vld.idx.msk [tilespmem:v17+s20+$0x0], $0xffff;
	v17 =	vshll.u32 v17, $0x3  }
0x17c: {  	v20 =	vand.u32 $0x7, v20;
	v28 =	vld.idx.msk [tilespmem:v21+s19+$0x0], $0xffff;
	v17 =	vadd.s32 v17, v27  }
0x17d: {  	v27 =	vld.idx.msk [tilespmem:v23+s20+$0x0], $0xffff;
	v17 =	vor.u32 v20, v17  }
0x17e: {  	v29 =	vshll.u32 v16, $0x3;
	v20 =	vand.u32 $0xFFFFFFF8, v22;
	v30 =	vld.idx.msk [tilespmem:v23+s19+$0x0], $0xffff  }
0x17f: {  	v22 =	vand.u32 $0x7, v22;
	v20 =	vadd.s32 v29, v20;
	v29 =	vld.idx.msk [tilespmem:v21+s20+$0x0], $0xffff  }
0x180: {  	v20 =	vor.u32 v22, v20;
	v31 =	vand.u32 $0xFFFFFFF8, v25;
	v22 =	vld.idx.msk [tilespmem:v19+s20+$0x0], $0xffff;
	v19 =	vshll.u32 v19, $0x3  }
0x181: {  	v25 =	vand.u32 $0x7, v25;
	v19 =	vadd.s32 v19, v31;
	v31 =	vld.idx.msk [tilespmem:v13+s19+$0x0], $0xffff  }
0x182: {  	v21 =	vshll.u32 v21, $0x3;
	v19 =	vor.u32 v25, v19;
	v25 =	vand.u32 $0xFFFFFFF8, v28;
	v32 =	vld.idx.msk [tilespmem:v11+s19+$0x0], $0xffff  }
0x183: {  	v28 =	vand.u32 $0x7, v28;
	v21 =	vadd.s32 v21, v25;
	v25 =	vld.idx.msk [tilespmem:v14+s19+$0x0], $0xffff  }
0x184: {  	v23 =	vshll.u32 v23, $0x3;
	v16 =	vld.idx.msk [tilespmem:v16+s20+$0x0], $0xffff;
	v21 =	vor.u32 v28, v21;
	v28 =	vand.u32 $0xFFFFFFF8, v30  }
0x185: {  	v30 =	vand.u32 $0x7, v30;
	v33 =	vld.idx.msk [tilespmem:v20+s22+$0x0], $0xffff;
	v23 =	vadd.s32 v23, v28  }
0x186: {  	v28 =	vshll.u32 v11, $0x3;
	v11 =	vmov v18;
	v20 =	vld.idx.msk [tilespmem:v20+s23+$0x0], $0xffff;
	v23 =	vor.u32 v30, v23  }
0x187: {  	v13 =	vshll.u32 v13, $0x3;
	v14 =	vshll.u32 v14, $0x3;
	v30 =	vand.u32 $0xFFFFFFF8, v31;
	v18 =	vld.idx.msk [tilespmem:v19+s22+$0x0], $0xffff  }
0x188: {  	v31 =	vand.u32 $0x7, v31;
	v34 =	vand.u32 $0xFFFFFFF8, v32;
	v13 =	vadd.s32 v13, v30;
	v19 =	vld.idx.msk [tilespmem:v19+s23+$0x0], $0xffff  }
0x189: {  	v32 =	vand.u32 $0x7, v32;
	v28 =	vadd.s32 v28, v34;
	v34 =	vand.u32 $0xFFFFFFF8, v25;
	v30 =	vld.idx.msk [tilespmem:v21+s22+$0x0], $0xffff  }
0x18a: {  	v25 =	vand.u32 $0x7, v25;
	v28 =	vor.u32 v32, v28;
	v14 =	vadd.s32 v14, v34;
	v21 =	vld.idx.msk [tilespmem:v21+s23+$0x0], $0xffff  }
0x18b: {  	v13 =	vor.u32 v31, v13;
	v32 =	vmul.f32 v33, v16;
	v14 =	vor.u32 v25, v14;
	v33 =	vld.idx.msk [tilespmem:v23+s22+$0x0], $0xffff  }
0x18c: {  	v16 =	vmul.f32 v20, v16;
	v20 =	vld.idx.msk [tilespmem:v23+s23+$0x0], $0xffff  }
0x18d: {  	v23 =	vadd.f32 $0.0e+00, v32;
	v18 =	vmul.f32 v18, v22;
	v25 =	vld.idx.msk [tilespmem:v17+s22+$0x0], $0xffff  }
0x18e: {  	v16 =	vadd.f32 $0.0e+00, v16;
	v19 =	vmul.f32 v19, v22;
	v17 =	vld.idx.msk [tilespmem:v17+s23+$0x0], $0xffff  }
0x18f: {  	v18 =	vadd.f32 v18, v23;
	v22 =	vmul.f32 v30, v29;
	v23 =	vld.idx.msk [tilespmem:v28+s22+$0x0], $0xffff  }
0x190: {  	v16 =	vadd.f32 v19, v16;
	v19 =	vmul.f32 v21, v29;
	v21 =	vld.idx.msk [tilespmem:v28+s23+$0x0], $0xffff  }
0x191: {  	v18 =	vadd.f32 v22, v18;
	v22 =	vmul.f32 v33, v27;
	v28 =	vld.idx.msk [tilespmem:v14+s22+$0x0], $0xffff  }
0x192: {  	v16 =	vadd.f32 v19, v16;
	v19 =	vmul.f32 v20, v27;
	v14 =	vld.idx.msk [tilespmem:v14+s23+$0x0], $0xffff  }
0x193: {  	v18 =	vadd.f32 v22, v18;
	v20 =	vmul.f32 v25, v26;
	v22 =	vld.idx.msk [tilespmem:v13+s22+$0x0], $0xffff  }
0x194: {  	v16 =	vadd.f32 v19, v16;
	v17 =	vmul.f32 v17, v26;
	v13 =	vld.idx.msk [tilespmem:v13+s23+$0x0], $0xffff  }
0x195: {  	v18 =	vadd.f32 v20, v18;
	v19 =	vmul.f32 v23, v24  }
0x196: {  	v20 =	vmov s16;
	s16 =	smov.u32 s6;
	v16 =	vadd.f32 v17, v16;
	v17 =	vmul.f32 v21, v24  }
0x197: {  	v20 =	vshll.u32 v20, $0x5;
	v18 =	vadd.f32 v19, v18;
	v19 =	vmul.f32 v28, v15  }
0x198: {  	v21 =	vor.u32 v0, v20;
	v16 =	vadd.f32 v17, v16;
	v14 =	vmul.f32 v14, v15  }
.Ltmp2:
0x199: {  	v15 =	vor.u32 v10, v20;
	v18 =	vadd.f32 v19, v18;
	v19 =	vmul.f32 v22, v12;
	(pc) =	sbr.rel @p0 .LBB2_7-.Ltmp2, $4  }
0x19a: {  	v17 =	vor.u32 s16, v6;
	v16 =	vadd.f32 v14, v16;
	v12 =	vmul.f32 v13, v12  }
0x19b: {  	v13 =	vor.u32 s16, v9;
	v18 =	vadd.f32 v19, v18  }
0x19c: {  	v14 =	vor.u32 s16, v8;
	v12 =	vadd.f32 v12, v16  }
0x19d: {  	v16 =	vor.u32 s16, v1;
	[tilespmem:v21+s1+$0x0] =	vst.idx.msk $0xffff, v18  }
0x19e: {  	_ =	sdelay $0x3  }
0x19f: {  	[tilespmem:v15+s1+$0x0] =	vst.idx.msk $0xffff, v12  }
0x1a0: {  	v15 =	vld.idx.msk [tilespmem:v17+s19+$0x0], $0xffff  }
0x1a1: {  	v52 =	vor.u32 s16, v3;
	v18 =	vld.idx.msk [tilespmem:v13+s20+$0x0], $0xffff  }
0x1a2: {  	v20 =	vld.idx.msk [tilespmem:v14+s20+$0x0], $0xffff  }
0x1a3: {  	v19 =	vor.u32 s16, v4;
	v21 =	vld.idx.msk [tilespmem:v16+s19+$0x0], $0xffff  }
0x1a4: {  	v23 =	vld.idx.msk [tilespmem:v11+s20+$0x0], $0xffff  }
0x1a5: {  	v22 =	vor.u32 s16, v5;
	v25 =	vld.idx.msk [tilespmem:v17+s20+$0x0], $0xffff  }
0x1a6: {  	v24 =	vld.idx.msk [tilespmem:v52+s19+$0x0], $0xffff  }
0x1a7: {  	v55 =	vld.idx.msk [tilespmem:v13+s19+$0x0], $0xffff  }
0x1a8: {  	v26 =	vld.idx.msk [tilespmem:v19+s19+$0x0], $0xffff  }
0x1a9: {  	v29 =	vshll.u32 v16, $0x3;
	v32 =	vld.idx.msk [tilespmem:v11+s19+$0x0], $0xffff;
	v28 =	vand.u32 $0xFFFFFFF8, v21  }
0x1aa: {  	v30 =	vld.idx.msk [tilespmem:v22+s19+$0x0], $0xffff;
	v21 =	vand.u32 $0x7, v21;
	v28 =	vadd.s32 v29, v28  }
0x1ab: {  	v12 =	vshll.u32 v52, $0x3;
	v57 =	vld.idx.msk [tilespmem:v14+s19+$0x0], $0xffff;
	v21 =	vor.u32 v21, v28;
	v31 =	vand.u32 $0xFFFFFFF8, v24  }
0x1ac: {  	v58 =	vld.idx.msk [tilespmem:v16+s20+$0x0], $0xffff;
	v24 =	vand.u32 $0x7, v24;
	v12 =	vadd.s32 v12, v31  }
0x1ad: {  	v53 =	vld.idx.msk [tilespmem:v19+s20+$0x0], $0xffff;
	v19 =	vshll.u32 v19, $0x3;
	v56 =	vand.u32 $0xFFFFFFF8, v26;
	v12 =	vor.u32 v24, v12  }
0x1ae: {  	v60 =	vshll.u32 v17, $0x3;
	v27 =	vld.idx.msk [tilespmem:v22+s20+$0x0], $0xffff;
	v26 =	vand.u32 $0x7, v26;
	v19 =	vadd.s32 v19, v56  }
0x1af: {  	v54 =	vld.idx.msk [tilespmem:v52+s20+$0x0], $0xffff;
	v22 =	vshll.u32 v22, $0x3;
	v59 =	vand.u32 $0xFFFFFFF8, v30;
	v19 =	vor.u32 v26, v19  }
0x1b0: {  	v63 =	vshll.u32 v14, $0x3;
	v30 =	vand.u32 $0x7, v30;
	v22 =	vadd.s32 v22, v59;
	v61 =	vld.idx.msk [tilespmem:v21+s22+$0x0], $0xffff  }
0x1b1: {  	v37 =	vshll.u32 v13, $0x3;
	v33 =	vand.u32 $0xFFFFFFF8, v15;
	v22 =	vor.u32 v30, v22;
	v21 =	vld.idx.msk [tilespmem:v21+s23+$0x0], $0xffff  }
0x1b2: {  	v11 =	vshll.u32 v11, $0x3;
	v15 =	vand.u32 $0x7, v15;
	v17 =	vadd.s32 v60, v33;
	v62 =	vld.idx.msk [tilespmem:v12+s22+$0x0], $0xffff  }
0x1b3: {  	v36 =	vand.u32 $0xFFFFFFF8, v55;
	v38 =	vand.u32 $0xFFFFFFF8, v32;
	v15 =	vor.u32 v15, v17;
	v12 =	vld.idx.msk [tilespmem:v12+s23+$0x0], $0xffff  }
0x1b4: {  	v32 =	vand.u32 $0x7, v32;
	v40 =	vand.u32 $0xFFFFFFF8, v57;
	v11 =	vadd.s32 v11, v38;
	v39 =	vld.idx.msk [tilespmem:v19+s22+$0x0], $0xffff  }
0x1b5: {  	v14 =	vadd.s32 v63, v40;
	v11 =	vor.u32 v32, v11;
	v19 =	vld.idx.msk [tilespmem:v19+s23+$0x0], $0xffff;
	v26 =	vmul.f32 v61, v58  }
0x1b6: {  	v13 =	vadd.s32 v37, v36;
	v24 =	vand.u32 $0x7, v57;
	v41 =	vld.idx.msk [tilespmem:v22+s22+$0x0], $0xffff;
	v16 =	vmul.f32 v21, v58  }
0x1b7: {  	v14 =	vor.u32 v24, v14;
	v42 =	vld.idx.msk [tilespmem:v22+s23+$0x0], $0xffff;
	v43 =	vadd.f32 $0.0e+00, v26;
	v17 =	vmul.f32 v62, v54  }
0x1b8: {  	v31 =	vand.u32 $0x7, v55;
	v44 =	vld.idx.msk [tilespmem:v15+s22+$0x0], $0xffff;
	v16 =	vadd.f32 $0.0e+00, v16;
	v12 =	vmul.f32 v12, v54  }
0x1b9: {  	v13 =	vor.u32 v31, v13;
	v15 =	vld.idx.msk [tilespmem:v15+s23+$0x0], $0xffff;
	v45 =	vmul.f32 v39, v53;
	v17 =	vadd.f32 v17, v43  }
0x1ba: {  	v46 =	vld.idx.msk [tilespmem:v11+s22+$0x0], $0xffff;
	v47 =	vmul.f32 v19, v53;
	v12 =	vadd.f32 v12, v16  }
0x1bb: {  	v11 =	vld.idx.msk [tilespmem:v11+s23+$0x0], $0xffff;
	v48 =	vmul.f32 v41, v27;
	v17 =	vadd.f32 v45, v17  }
0x1bc: {  	v49 =	vld.idx.msk [tilespmem:v14+s22+$0x0], $0xffff;
	v50 =	vmul.f32 v42, v27;
	v12 =	vadd.f32 v47, v12  }
0x1bd: {  	v14 =	vld.idx.msk [tilespmem:v14+s23+$0x0], $0xffff;
	v51 =	vmul.f32 v44, v25;
	v17 =	vadd.f32 v48, v17  }
0x1be: {  	v52 =	vld.idx.msk [tilespmem:v13+s22+$0x0], $0xffff;
	v15 =	vmul.f32 v15, v25;
	v12 =	vadd.f32 v50, v12  }
0x1bf: {  	v13 =	vld.idx.msk [tilespmem:v13+s23+$0x0], $0xffff;
	v54 =	vmul.f32 v46, v23;
	v53 =	vadd.f32 v51, v17  }
0x1c0: {  	v55 =	vmov s16;
	v11 =	vmul.f32 v11, v23;
	v12 =	vadd.f32 v15, v12  }
0x1c1: {  	v58 =	vshll.u32 v55, $0x5;
	v57 =	vmul.f32 v49, v20;
	v56 =	vadd.f32 v54, v53  }
0x1c2: {  	v60 =	vor.u32 v0, v58;
	v59 =	vmul.f32 v14, v20;
	v11 =	vadd.f32 v11, v12  }
0x1c3: {  	v61 =	vmul.f32 v52, v18;
	v17 =	vor.u32 v10, v58;
	v15 =	vadd.f32 v57, v56  }
0x1c4: {  	v62 =	vmul.f32 v13, v18;
	v11 =	vadd.f32 v59, v11  }
0x1c5: {  	v63 =	vadd.f32 v61, v15  }
0x1c6: {  	v11 =	vadd.f32 v62, v11  }
0x1c7: {  	p0 =	seq.s32 s11, $0x7F;
	[tilespmem:v60+s1+$0x0] =	vst.idx.msk $0xffff, v63  }
.Ltmp3:
0x1c8: {  	s0 =	sadd.s32 s5, s0;
	s8 =	simm.s32 $0x20000;
	[tilespmem:v17+s1+$0x0] =	vst.idx.msk $0xffff, v11;
	(pc) =	sbr.rel @p0 .LBB2_12-.Ltmp3, $4  }
0x1c9: {  	[hbm4b:s0+s15] =	stream.strided.scatter [tilespmem:s1], [sflag:$0x3], $0x200, s8, s15, $0x38;
	[tilespmem:$0x14430] =	vst v63  }
0x1ca: {  	_ =	swait.ge [sflag:s14], $0x200  }
0x1cb: {  	[sflag:s14] =	ssyncset.done $0x0  }
0x1cc: {  	[sflag:s14] =	ssyncadd.s32 $0xFFFFFE00  }
0x1cd: {  	s0 =	rddreg [dreg:$0x9]  }
0x1ce: {  	s0 =	sadd.s32 s12, s0  }
0x1cf: {  	s12 =	rddreg [dreg:$0x0];
	s4 =	sshrl.u32 s0, $0x3  }
0x1d0: {  	s0 =	simm.s32 $0x0;
	s6 =	sadd.s32 s12, s4  }
0x1d1: {  	[tilespmem:s0], [sflag:$0x3] =	stream.linear.gather [hbm4b:s6+s0], $0x10, $0x38;
	[tilespmem:$0x14430] =	vst v63  }
0x1d2: {  	_ =	swait.ge [sflag:s14], $0x10  }
0x1d3: {  	[sflag:s14] =	ssyncset.done $0x0  }
0x1d4: {  	s6 =	sadd.s32 $0x4000, s6;
	[sflag:s14] =	ssyncadd.s32 $0xFFFFFFF0  }
0x1d5: {  	[tilespmem:s15], [sflag:$0x3] =	stream.linear.gather [hbm4b:s6+s0], $0x10, $0x38;
	[tilespmem:$0x14430] =	vst v63  }
0x1d6: {  	_ =	swait.ge [sflag:s14], $0x10  }
0x1d7: {  	[sflag:s14] =	ssyncset.done $0x0  }
0x1d8: {  	s16 =	simm.s32 $0x20;
	s4 =	sadd.s32 s4, s2;
	[sflag:s14] =	ssyncadd.s32 $0xFFFFFFF0  }
0x1d9: {  	[tilespmem:s16], [sflag:$0x3] =	stream.linear.gather [hbm4b:s4+s0], $0x10, $0x38;
	[tilespmem:$0x14430] =	vst v63  }
0x1da: {  	_ =	swait.ge [sflag:s14], $0x10  }
0x1db: {  	[sflag:s14] =	ssyncset.done $0x0  }
0x1dc: {  	[sflag:s14] =	ssyncadd.s32 $0xFFFFFFF0  }
0x1dd: {  	v11 =	vld [tilespmem:$0x10]  }
0x1de: {  	v12 =	vld [tilespmem:$0x20]  }
0x1df: {  	v13 =	vld [tilespmem:$0x0]  }
0x1e0: {  	v14 =	vmov s0  }
0x1e1: {  	v14 =	vperm.xlane v2, v14;
	_ =	sdelay $0x1  }
0x1e2: {  	v15 =	vmul.f32 v14, v11;
	v17 =	vmul.f32 v14, v12  }
0x1e3: {  	v16 =	vor.u32 s0, v6;
	v21 =	vor.u32 s0, v5;
	v18 =	vmul.f32 v14, v13  }
0x1e4: {  	v23 =	vor.u32 s0, v4;
	v19 =	vtrunc.f32 v15;
	v20 =	vtrunc.f32 v17  }
0x1e5: {  	v25 =	vor.u32 s0, v3;
	v22 =	vtrunc.f32 v18;
	v19 =	vcvt.f32.s32 v19  }
0x1e6: {  	v27 =	vor.u32 s0, v1;
	v20 =	vcvt.f32.s32 v20;
	v22 =	vcvt.f32.s32 v22  }
0x1e7: {  	v14 =	vor.u32 s0, v7;
	v24 =	vmul.u32 $0x9E3779B1, v19;
	v19 =	vcvt.s32.f32 v19  }
0x1e8: {  	v26 =	vmul.u32 $0x30025795, v20;
	v28 =	vcvt.s32.f32 v22;
	v20 =	vcvt.s32.f32 v20  }
0x1e9: {  	v38 =	vadd.s32 $0x1, v22;
	v29 =	vxor.u32 v22, v24;
	v15 =	vsub.f32 v15, v19  }
0x1ea: {  	v30 =	vadd.s32 $0x9E3779B1, v24;
	v18 =	vsub.f32 v18, v28;
	v17 =	vsub.f32 v17, v20  }
0x1eb: {  	v24 =	vxor.u32 v24, v38;
	v19 =	vxor.u32 v26, v29;
	v22 =	vxor.u32 v22, v30  }
0x1ec: {  	v40 =	vxor.u32 v26, v24;
	v31 =	vshrl.u32 v19, $0x2;
	v32 =	vshrl.u32 v19, $0x3  }
0x1ed: {  	v20 =	vsub.f32 $1.000000000e+00, v15;
	v34 =	vmul.f32 v15, v18;
	v19 =	vand.u32 $0x7, v19  }
0x1ee: {  	v50 =	vsub.f32 $1.000000000e+00, v18;
	v36 =	vsub.f32 $1.000000000e+00, v17;
	v51 =	vxor.u32 v26, v22  }
0x1ef: {  	v57 =	vshrl.u32 v40, $0x3;
	v28 =	vand.u32 $0x1FFE0, v31;
	v31 =	vand.u32 $0xF, v32  }
0x1f0: {  	v43 =	vshrl.u32 v51, $0x3;
	v58 =	vand.u32 $0xF, v57;
	v28 =	vor.u32 v28, v31  }
0x1f1: {  	v31 =	vadd.s32 $0x30025795, v26;
	v39 =	vmul.f32 v20, v50;
	v15 =	vmul.f32 v50, v15  }
0x1f2: {  	v43 =	vand.u32 $0xF, v43;
	v18 =	vmul.f32 v20, v18;
	v20 =	vmul.f32 v34, v17  }
0x1f3: {  	v28 =	vor.u32 s0, v28;
	v29 =	vxor.u32 v31, v29;
	v41 =	vxor.u32 v31, v24  }
0x1f4: {  	v24 =	vshrl.u32 v51, $0x2;
	v22 =	vxor.u32 v31, v22;
	v33 =	vor.u32 $0x10, v28  }
0x1f5: {  	v35 =	vshrl.u32 v29, $0x2;
	v37 =	vshrl.u32 v29, $0x3;
	v42 =	vmul.f32 v39, v17  }
0x1f6: {  	v29 =	vand.u32 $0x7, v29;
	v24 =	vand.u32 $0x1FFE0, v24;
	v44 =	vshrl.u32 v41, $0x3;
	[tilespmem:v27+s17+$0x0] =	vst.idx.msk $0xffff, v28  }
0x1f7: {  	v39 =	vmul.f32 v39, v36;
	v35 =	vand.u32 $0x1FFE0, v35;
	v37 =	vand.u32 $0xF, v37;
	[tilespmem:v27+s18+$0x0] =	vst.idx.msk $0xffff, v33  }
0x1f8: {  	v28 =	vshrl.u32 v40, $0x2;
	v52 =	vshrl.u32 v22, $0x2;
	v35 =	vor.u32 v35, v37;
	[tilespmem:v27+s19+$0x0] =	vst.idx.msk $0xffff, v19  }
0x1f9: {  	v53 =	vshrl.u32 v22, $0x3;
	v22 =	vand.u32 $0x7, v22;
	v35 =	vor.u32 s0, v35;
	[tilespmem:v27+s20+$0x0] =	vst.idx.msk $0xffff, v39  }
0x1fa: {  	v59 =	vshrl.u32 v41, $0x2;
	v63 =	vand.u32 $0x7, v41;
	[tilespmem:v25+s17+$0x0] =	vst.idx.msk $0xffff, v35;
	v55 =	vor.u32 $0x10, v35  }
0x1fb: {  	v54 =	vand.u32 $0xF, v53;
	v24 =	vor.u32 v24, v43;
	v28 =	vand.u32 $0x1FFE0, v28;
	[tilespmem:v25+s18+$0x0] =	vst.idx.msk $0xffff, v55  }
0x1fc: {  	v33 =	vmul.f32 v18, v17;
	v19 =	vand.u32 $0x1FFE0, v52;
	v24 =	vor.u32 s0, v24;
	[tilespmem:v25+s19+$0x0] =	vst.idx.msk $0xffff, v29  }
0x1fd: {  	v28 =	vor.u32 v28, v58;
	v19 =	vor.u32 v19, v54;
	v27 =	vand.u32 $0x7, v51;
	[tilespmem:v25+s20+$0x0] =	vst.idx.msk $0xffff, v42  }
0x1fe: {  	v28 =	vor.u32 s0, v28;
	v19 =	vor.u32 s0, v19;
	[tilespmem:v23+s17+$0x0] =	vst.idx.msk $0xffff, v24;
	v24 =	vor.u32 $0x10, v24  }
0x1ff: {  	v56 =	vor.u32 $0x10, v19;
	v29 =	vmul.f32 v15, v36;
	v25 =	vxor.u32 v38, v30;
	[tilespmem:v23+s18+$0x0] =	vst.idx.msk $0xffff, v24  }
0x200: {  	v15 =	vmul.f32 v15, v17;
	v30 =	vand.u32 $0x1FFE0, v59;
	v60 =	vxor.u32 v26, v25;
	[tilespmem:v23+s19+$0x0] =	vst.idx.msk $0xffff, v27  }
0x201: {  	v26 =	vand.u32 $0xF, v44;
	v24 =	vshrl.u32 v60, $0x2;
	v61 =	vshrl.u32 v60, $0x3;
	[tilespmem:v23+s20+$0x0] =	vst.idx.msk $0xffff, v29  }
0x202: {  	v26 =	vor.u32 v30, v26;
	v24 =	vand.u32 $0x1FFE0, v24;
	v27 =	vand.u32 $0xF, v61;
	[tilespmem:v21+s17+$0x0] =	vst.idx.msk $0xffff, v19  }
0x203: {  	v30 =	vor.u32 $0x10, v28;
	v23 =	vor.u32 v24, v27;
	v27 =	vand.u32 $0x7, v40;
	[tilespmem:v21+s18+$0x0] =	vst.idx.msk $0xffff, v56  }
0x204: {  	v24 =	vxor.u32 v31, v25;
	v31 =	vor.u32 s0, v26;
	v26 =	vor.u32 s0, v8;
	[tilespmem:v21+s19+$0x0] =	vst.idx.msk $0xffff, v22  }
0x205: {  	v29 =	vand.u32 $0x7, v60;
	v19 =	vshrl.u32 v24, $0x2;
	v25 =	vshrl.u32 v24, $0x3;
	[tilespmem:v21+s20+$0x0] =	vst.idx.msk $0xffff, v15  }
0x206: {  	s12 =	simm.s32 $0x1;
	v62 =	vor.u32 $0x10, v31;
	v19 =	vand.u32 $0x1FFE0, v19;
	v25 =	vand.u32 $0xF, v25;
	[tilespmem:v16+s17+$0x0] =	vst.idx.msk $0xffff, v28  }
0x207: {  	v25 =	vor.u32 v19, v25;
	v21 =	vmul.f32 v18, v36;
	v15 =	vmov s12;
	[tilespmem:v16+s18+$0x0] =	vst.idx.msk $0xffff, v30  }
0x208: {  	v22 =	vor.u32 s0, v9;
	v19 =	vor.u32 s12, v7;
	v17 =	vperm.xlane v2, v15;
	[tilespmem:v16+s19+$0x0] =	vst.idx.msk $0xffff, v27  }
0x209: {  	v18 =	vor.u32 s12, v3;
	v28 =	vor.u32 s0, v23;
	v15 =	vor.u32 s12, v6;
	[tilespmem:v16+s20+$0x0] =	vst.idx.msk $0xffff, v21  }
0x20a: {  	v32 =	vor.u32 $0x10, v28;
	v30 =	vmul.f32 v17, v11;
	v27 =	vmul.f32 v17, v12;
	[tilespmem:v14+s17+$0x0] =	vst.idx.msk $0xffff, v31  }
0x20b: {  	v16 =	vor.u32 s12, v5;
	v21 =	vmul.f32 v36, v34;
	v31 =	vmul.f32 v17, v13;
	[tilespmem:v14+s18+$0x0] =	vst.idx.msk $0xffff, v62  }
0x20c: {  	s6 =	simm.s32 $0x0;
	s4 =	simm.s32 $0x2;
	v17 =	vor.u32 s12, v4;
	v34 =	vtrunc.f32 v30;
	v23 =	vtrunc.f32 v27;
	[tilespmem:v14+s19+$0x0] =	vst.idx.msk $0xffff, v63  }
.LBB2_10:
0x20d: {  	p0 =	sne.s32 s4, $0xF  }
0x20e: {  	v35 =	vtrunc.f32 v31;
	v34 =	vcvt.f32.s32 v34;
	v36 =	vor.u32 s12, v1;
	[tilespmem:v14+s20+$0x0] =	vst.idx.msk $0xffff, v33;
	s0 =	sadd.s32 $0x20000, s0;
	v14 =	vmovc v19;
	s7 =	smov.u32 s4;
	s4 =	sadd.s32 $0x1, s4  }
0x20f: {  	v19 =	vcvt.f32.s32 v23;
	v23 =	vand.u32 $0x7, v24;
	v33 =	vcvt.f32.s32 v35;
	[tilespmem:v26+s17+$0x0] =	vst.idx.msk $0xffff, v28  }
0x210: {  	v25 =	vor.u32 s6, v25;
	s6 =	smov.u32 s0;
	v24 =	vcvt.s32.f32 v34;
	v28 =	vmul.u32 $0x9E3779B1, v34;
	[tilespmem:v26+s18+$0x0] =	vst.idx.msk $0xffff, v32  }
0x211: {  	v34 =	vcvt.s32.f32 v19;
	v35 =	vmul.u32 $0x30025795, v19;
	v32 =	vcvt.s32.f32 v33;
	[tilespmem:v26+s19+$0x0] =	vst.idx.msk $0xffff, v29  }
0x212: {  	v24 =	vsub.f32 v30, v24;
	v29 =	vadd.s32 $0x9E3779B1, v28;
	v30 =	vxor.u32 v33, v28;
	[tilespmem:v26+s20+$0x0] =	vst.idx.msk $0xffff, v21  }
0x213: {  	v21 =	vor.u32 $0x10, v25;
	v26 =	vsub.f32 v31, v32;
	v31 =	vxor.u32 v35, v30;
	[tilespmem:v22+s17+$0x0] =	vst.idx.msk $0xffff, v25  }
0x214: {  	v19 =	vsub.f32 v27, v34;
	v25 =	vshrl.u32 v31, $0x2;
	v27 =	vshrl.u32 v31, $0x3;
	[tilespmem:v22+s18+$0x0] =	vst.idx.msk $0xffff, v21  }
0x215: {  	v32 =	vsub.f32 $1.000000000e+00, v24;
	v21 =	vand.u32 $0x1FFE0, v25;
	v25 =	vand.u32 $0xF, v27;
	[tilespmem:v22+s19+$0x0] =	vst.idx.msk $0xffff, v23  }
0x216: {  	v27 =	vadd.s32 $0x30025795, v35;
	v23 =	vor.u32 v21, v25;
	v21 =	vmul.f32 v24, v26;
	[tilespmem:v22+s20+$0x0] =	vst.idx.msk $0xffff, v20  }
0x217: {  	v22 =	vand.u32 $0x7, v31;
	v25 =	vxor.u32 v27, v30;
	v20 =	vor.u32 s0, v23  }
0x218: {  	v30 =	vsub.f32 $1.000000000e+00, v26;
	v31 =	vshrl.u32 v25, $0x2;
	[tilespmem:v36+s17+$0x0] =	vst.idx.msk $0xffff, v20;
	v20 =	vor.u32 $0x10, v20  }
0x219: {  	v23 =	vsub.f32 $1.000000000e+00, v19;
	[tilespmem:v36+s18+$0x0] =	vst.idx.msk $0xffff, v20;
	v20 =	vand.u32 $0x1FFE0, v31;
	v31 =	vshrl.u32 v25, $0x3  }
0x21a: {  	v34 =	vadd.s32 $0x1, v33;
	v37 =	vmul.f32 v32, v30;
	[tilespmem:v36+s19+$0x0] =	vst.idx.msk $0xffff, v22;
	v22 =	vxor.u32 v33, v29  }
0x21b: {  	v30 =	vmul.f32 v30, v24;
	v24 =	vxor.u32 v28, v34;
	v31 =	vand.u32 $0xF, v31  }
0x21c: {  	v38 =	vxor.u32 v27, v24;
	v33 =	vxor.u32 v35, v24;
	v28 =	vxor.u32 v35, v22  }
0x21d: {  	v25 =	vand.u32 $0x7, v25;
	v24 =	vmul.f32 v37, v19;
	v39 =	vshrl.u32 v28, $0x2  }
0x21e: {  	v41 =	vshrl.u32 v38, $0x3;
	v40 =	vshrl.u32 v28, $0x3;
	v39 =	vand.u32 $0x1FFE0, v39  }
0x21f: {  	v37 =	vmul.f32 v37, v23;
	v22 =	vxor.u32 v27, v22;
	v42 =	vshrl.u32 v33, $0x2  }
0x220: {  	v43 =	vshrl.u32 v22, $0x2;
	v44 =	vshrl.u32 v22, $0x3;
	v40 =	vand.u32 $0xF, v40  }
0x221: {  	v20 =	vor.u32 v20, v31;
	v31 =	vand.u32 $0x1FFE0, v43;
	v43 =	vand.u32 $0xF, v44  }
0x222: {  	v20 =	vor.u32 s0, v20;
	v31 =	vor.u32 v31, v43;
	[tilespmem:v36+s20+$0x0] =	vst.idx.msk $0xffff, v37;
	v36 =	vor.u32 v39, v40  }
0x223: {  	v28 =	vand.u32 $0x7, v28;
	v31 =	vor.u32 s0, v31;
	v37 =	vand.u32 $0x1FFE0, v42;
	[tilespmem:v18+s17+$0x0] =	vst.idx.msk $0xffff, v20  }
0x224: {  	v39 =	vor.u32 $0x10, v31;
	v40 =	vshrl.u32 v33, $0x3;
	v20 =	vor.u32 $0x10, v20  }
0x225: {  	v22 =	vand.u32 $0x7, v22;
	[tilespmem:v18+s18+$0x0] =	vst.idx.msk $0xffff, v20;
	v20 =	vor.u32 s0, v36;
	v36 =	vand.u32 $0xF, v40  }
0x226: {  	[tilespmem:v18+s19+$0x0] =	vst.idx.msk $0xffff, v25;
	v25 =	vmul.f32 v30, v23;
	v36 =	vor.u32 v37, v36;
	v37 =	vshrl.u32 v38, $0x2  }
0x227: {  	v29 =	vxor.u32 v34, v29;
	[tilespmem:v18+s20+$0x0] =	vst.idx.msk $0xffff, v24;
	v18 =	vand.u32 $0x1FFE0, v37;
	v24 =	vand.u32 $0xF, v41  }
0x228: {  	v34 =	vxor.u32 v35, v29;
	[tilespmem:v17+s17+$0x0] =	vst.idx.msk $0xffff, v20;
	v20 =	vor.u32 $0x10, v20;
	v18 =	vor.u32 v18, v24  }
0x229: {  	v35 =	vor.u32 s0, v36;
	v24 =	vshrl.u32 v34, $0x3;
	[tilespmem:v17+s18+$0x0] =	vst.idx.msk $0xffff, v20;
	v20 =	vshrl.u32 v34, $0x2  }
0x22a: {  	v24 =	vand.u32 $0xF, v24;
	[tilespmem:v17+s19+$0x0] =	vst.idx.msk $0xffff, v28;
	v28 =	vor.u32 $0x10, v35;
	v20 =	vand.u32 $0x1FFE0, v20  }
0x22b: {  	[tilespmem:v17+s20+$0x0] =	vst.idx.msk $0xffff, v25;
	v17 =	vand.u32 $0x7, v33;
	v36 =	vor.u32 v20, v24;
	v24 =	vxor.u32 v27, v29  }
0x22c: {  	v20 =	vmul.f32 v30, v19;
	[tilespmem:v16+s17+$0x0] =	vst.idx.msk $0xffff, v31;
	v25 =	vshrl.u32 v24, $0x2;
	v27 =	vshrl.u32 v24, $0x3  }
0x22d: {  	v18 =	vor.u32 s0, v18;
	[tilespmem:v16+s18+$0x0] =	vst.idx.msk $0xffff, v39;
	v25 =	vand.u32 $0x1FFE0, v25;
	v27 =	vand.u32 $0xF, v27  }
0x22e: {  	v37 =	vor.u32 $0x10, v18;
	[tilespmem:v16+s19+$0x0] =	vst.idx.msk $0xffff, v22;
	v22 =	vmul.f32 v32, v26;
	v25 =	vor.u32 v25, v27  }
0x22f: {  	v38 =	vand.u32 $0x7, v38;
	[tilespmem:v16+s20+$0x0] =	vst.idx.msk $0xffff, v20;
	v20 =	vmul.f32 v21, v19  }
0x230: {  	v16 =	vmul.f32 v22, v23;
	[tilespmem:v15+s17+$0x0] =	vst.idx.msk $0xffff, v35;
	v33 =	vmul.f32 v22, v19  }
0x231: {  	v19 =	vmov s7;
	v22 =	vor.u32 s12, v9;
	[tilespmem:v15+s18+$0x0] =	vst.idx.msk $0xffff, v28;
	v28 =	vor.u32 s0, v36  }
.Ltmp4:
0x232: {  	v26 =	vor.u32 s12, v8;
	s12 =	smov.u32 s7;
	v31 =	vperm.xlane v2, v19;
	[tilespmem:v15+s19+$0x0] =	vst.idx.msk $0xffff, v17;
	v32 =	vor.u32 $0x10, v28;
	(pc) =	sbr.rel @p0 .LBB2_10-.Ltmp4, $4  }
0x233: {  	v29 =	vand.u32 $0x7, v34;
	v19 =	vor.u32 s12, v7;
	[tilespmem:v15+s20+$0x0] =	vst.idx.msk $0xffff, v16;
	v15 =	vor.u32 s12, v6  }
0x234: {  	v30 =	vmul.f32 v31, v11;
	v27 =	vmul.f32 v31, v12;
	v16 =	vor.u32 s12, v5;
	[tilespmem:v14+s17+$0x0] =	vst.idx.msk $0xffff, v18  }
0x235: {  	v21 =	vmul.f32 v23, v21;
	v17 =	vor.u32 s12, v4;
	v31 =	vmul.f32 v31, v13;
	[tilespmem:v14+s18+$0x0] =	vst.idx.msk $0xffff, v37  }
0x236: {  	v18 =	vor.u32 s12, v3;
	v34 =	vtrunc.f32 v30;
	v23 =	vtrunc.f32 v27;
	[tilespmem:v14+s19+$0x0] =	vst.idx.msk $0xffff, v38  }
0x237: {  	_ =	sdelay $0x2  }
0x238: {  	v11 =	vtrunc.f32 v31;
	v12 =	vcvt.f32.s32 v34;
	v13 =	vor.u32 s12, v1  }
0x239: {  	[tilespmem:v14+s20+$0x0] =	vst.idx.msk $0xffff, v33;
	v37 =	vcvt.f32.s32 v23;
	v38 =	vand.u32 $0x7, v24;
	v25 =	vor.u32 s6, v25  }
0x23a: {  	v11 =	vcvt.f32.s32 v11;
	[tilespmem:v26+s17+$0x0] =	vst.idx.msk $0xffff, v28;
	v39 =	vcvt.s32.f32 v12;
	v12 =	vmul.u32 $0x9E3779B1, v12  }
0x23b: {  	v43 =	vor.u32 $0x10, v25;
	[tilespmem:v26+s18+$0x0] =	vst.idx.msk $0xffff, v32;
	v32 =	vmul.u32 $0x30025795, v37;
	v14 =	vcvt.s32.f32 v37  }
0x23c: {  	v40 =	vcvt.s32.f32 v11;
	[tilespmem:v26+s19+$0x0] =	vst.idx.msk $0xffff, v29;
	v24 =	vsub.f32 v30, v39;
	v41 =	vxor.u32 v11, v12  }
0x23d: {  	[tilespmem:v26+s20+$0x0] =	vst.idx.msk $0xffff, v21;
	v14 =	vsub.f32 v27, v14;
	v23 =	vadd.s32 $0x30025795, v32;
	v48 =	vadd.s32 $0x9E3779B1, v12  }
0x23e: {  	v21 =	vsub.f32 v31, v40;
	v42 =	vxor.u32 v32, v41;
	v50 =	vxor.u32 v23, v41  }
0x23f: {  	[tilespmem:v22+s17+$0x0] =	vst.idx.msk $0xffff, v25;
	v44 =	vshrl.u32 v42, $0x2;
	v45 =	vshrl.u32 v42, $0x3;
	v46 =	vsub.f32 $1.000000000e+00, v24  }
0x240: {  	[tilespmem:v22+s18+$0x0] =	vst.idx.msk $0xffff, v43;
	v25 =	vand.u32 $0x1FFE0, v44;
	v27 =	vand.u32 $0xF, v45;
	v47 =	vsub.f32 $1.000000000e+00, v21  }
0x241: {  	s0 =	sadd.s32 $0x20000, s0;
	v55 =	vxor.u32 v11, v48;
	v26 =	vand.u32 $0x7, v42;
	[tilespmem:v22+s19+$0x0] =	vst.idx.msk $0xffff, v38;
	v25 =	vor.u32 v25, v27  }
0x242: {  	[tilespmem:v22+s20+$0x0] =	vst.idx.msk $0xffff, v20;
	v49 =	vor.u32 s0, v25;
	v25 =	vsub.f32 $1.000000000e+00, v14;
	v51 =	vmul.f32 v46, v47  }
0x243: {  	v52 =	vshrl.u32 v50, $0x2;
	v53 =	vshrl.u32 v50, $0x3;
	[tilespmem:v13+s17+$0x0] =	vst.idx.msk $0xffff, v49;
	v20 =	vor.u32 $0x10, v49  }
0x244: {  	v31 =	vand.u32 $0x1FFE0, v52;
	[tilespmem:v13+s18+$0x0] =	vst.idx.msk $0xffff, v20;
	v20 =	vand.u32 $0xF, v53;
	v54 =	vmul.f32 v51, v25  }
0x245: {  	v11 =	vadd.s32 $0x1, v11;
	v56 =	vxor.u32 v32, v55;
	[tilespmem:v13+s19+$0x0] =	vst.idx.msk $0xffff, v26;
	v20 =	vor.u32 v31, v20  }
0x246: {  	v60 =	vxor.u32 v23, v55;
	v58 =	vshrl.u32 v56, $0x2;
	[tilespmem:v13+s20+$0x0] =	vst.idx.msk $0xffff, v54;
	v57 =	vor.u32 s0, v20  }
0x247: {  	v59 =	vshrl.u32 v56, $0x3;
	v22 =	vand.u32 $0x7, v50;
	[tilespmem:v18+s17+$0x0] =	vst.idx.msk $0xffff, v57;
	v13 =	vor.u32 $0x10, v57  }
0x248: {  	v29 =	vmul.f32 v51, v14;
	v26 =	vand.u32 $0xF, v59;
	v20 =	vand.u32 $0x1FFE0, v58;
	[tilespmem:v18+s18+$0x0] =	vst.idx.msk $0xffff, v13  }
0x249: {  	v12 =	vxor.u32 v12, v11;
	v20 =	vor.u32 v20, v26;
	[tilespmem:v18+s19+$0x0] =	vst.idx.msk $0xffff, v22  }
0x24a: {  	v61 =	vshrl.u32 v60, $0x2;
	v27 =	vmul.f32 v47, v24;
	v20 =	vor.u32 s0, v20;
	[tilespmem:v18+s20+$0x0] =	vst.idx.msk $0xffff, v29  }
0x24b: {  	v62 =	vshrl.u32 v60, $0x3;
	v63 =	vand.u32 $0x7, v56;
	[tilespmem:v17+s17+$0x0] =	vst.idx.msk $0xffff, v20;
	v20 =	vor.u32 $0x10, v20  }
0x24c: {  	v33 =	vmul.f32 v27, v25;
	v22 =	vand.u32 $0x1FFE0, v61;
	v18 =	vand.u32 $0xF, v62;
	[tilespmem:v17+s18+$0x0] =	vst.idx.msk $0xffff, v20  }
0x24d: {  	v34 =	vxor.u32 v32, v12;
	v18 =	vor.u32 v22, v18;
	[tilespmem:v17+s19+$0x0] =	vst.idx.msk $0xffff, v63  }
0x24e: {  	v11 =	vxor.u32 v11, v48;
	v35 =	vshrl.u32 v34, $0x2;
	v18 =	vor.u32 s0, v18;
	[tilespmem:v17+s20+$0x0] =	vst.idx.msk $0xffff, v33  }
0x24f: {  	v38 =	vshrl.u32 v34, $0x3;
	v36 =	vand.u32 $0x1FFE0, v35;
	v37 =	vor.u32 $0x10, v18;
	[tilespmem:v16+s17+$0x0] =	vst.idx.msk $0xffff, v18  }
0x250: {  	v39 =	vand.u32 $0xF, v38;
	v40 =	vmul.f32 v27, v14;
	v13 =	vand.u32 $0x7, v60;
	[tilespmem:v16+s18+$0x0] =	vst.idx.msk $0xffff, v37  }
0x251: {  	v12 =	vxor.u32 v23, v12;
	v17 =	vor.u32 v36, v39;
	[tilespmem:v16+s19+$0x0] =	vst.idx.msk $0xffff, v13  }
0x252: {  	v42 =	vshrl.u32 v12, $0x3;
	v44 =	vmul.f32 v46, v21;
	v17 =	vor.u32 s0, v17;
	[tilespmem:v16+s20+$0x0] =	vst.idx.msk $0xffff, v40  }
0x253: {  	v43 =	vshrl.u32 v12, $0x2;
	v45 =	vand.u32 $0xF, v42;
	v46 =	vor.u32 $0x10, v17;
	[tilespmem:v15+s17+$0x0] =	vst.idx.msk $0xffff, v17  }
0x254: {  	v47 =	vand.u32 $0x7, v34;
	v48 =	vmul.f32 v44, v25;
	v13 =	vand.u32 $0x1FFE0, v43;
	[tilespmem:v15+s18+$0x0] =	vst.idx.msk $0xffff, v46  }
0x255: {  	v41 =	vmul.f32 v24, v21;
	v12 =	vand.u32 $0x7, v12;
	v13 =	vor.u32 v13, v45;
	[tilespmem:v15+s19+$0x0] =	vst.idx.msk $0xffff, v47  }
0x256: {  	v49 =	vxor.u32 v32, v11;
	v51 =	vor.u32 s12, v8;
	v13 =	vor.u32 s0, v13;
	[tilespmem:v15+s20+$0x0] =	vst.idx.msk $0xffff, v48  }
0x257: {  	v50 =	vshrl.u32 v49, $0x2;
	v52 =	vshrl.u32 v49, $0x3;
	v53 =	vor.u32 $0x10, v13;
	[tilespmem:v19+s17+$0x0] =	vst.idx.msk $0xffff, v13  }
0x258: {  	v55 =	vmul.f32 v44, v14;
	v54 =	vand.u32 $0xF, v52;
	v17 =	vand.u32 $0x1FFE0, v50;
	[tilespmem:v19+s18+$0x0] =	vst.idx.msk $0xffff, v53  }
0x259: {  	v11 =	vxor.u32 v23, v11;
	v13 =	vor.u32 v17, v54;
	[tilespmem:v19+s19+$0x0] =	vst.idx.msk $0xffff, v12  }
0x25a: {  	v58 =	vshrl.u32 v11, $0x3;
	v57 =	vor.u32 s12, v9;
	v13 =	vor.u32 s0, v13;
	[tilespmem:v19+s20+$0x0] =	vst.idx.msk $0xffff, v55  }
0x25b: {  	v56 =	vshrl.u32 v11, $0x2;
	v60 =	vand.u32 $0xF, v58;
	v59 =	vor.u32 $0x10, v13;
	[tilespmem:v51+s17+$0x0] =	vst.idx.msk $0xffff, v13  }
0x25c: {  	v61 =	vand.u32 $0x7, v49;
	v62 =	vmul.f32 v25, v41;
	v12 =	vand.u32 $0x1FFE0, v56;
	[tilespmem:v51+s18+$0x0] =	vst.idx.msk $0xffff, v59  }
0x25d: {  	v12 =	vor.u32 v12, v60;
	[tilespmem:v51+s19+$0x0] =	vst.idx.msk $0xffff, v61  }
0x25e: {  	v12 =	vor.u32 s0, v12;
	[tilespmem:v51+s20+$0x0] =	vst.idx.msk $0xffff, v62  }
0x25f: {  	[tilespmem:v57+s17+$0x0] =	vst.idx.msk $0xffff, v12;
	v12 =	vor.u32 $0x10, v12  }
0x260: {  	v11 =	vand.u32 $0x7, v11;
	v63 =	vmul.f32 v41, v14;
	[tilespmem:v57+s18+$0x0] =	vst.idx.msk $0xffff, v12  }
0x261: {  	[tilespmem:v57+s19+$0x0] =	vst.idx.msk $0xffff, v11  }
0x262: {  	s16 =	rddreg [dreg:$0x1];
	[tilespmem:v57+s20+$0x0] =	vst.idx.msk $0xffff, v63  }
0x263: {  	[tilespmem:s22], [sflag:$0x1] =	stream.indirect.gather [hbm4b:s16+s21], $0x8, s17, s21, $0xb8;
	[tilespmem:$0x14430] =	vst v63  }
0x264: {  	_ = 	snop  }
0x265: {  	[tilespmem:s23], [sflag:$0x1] =	stream.indirect.gather [hbm4b:s16+s21], $0x8, s18, s21, $0xb8;
	[tilespmem:$0x14430] =	vst v63  }
.LBB2_12:
0x266: {  	_ =	swait.ge [sflag:s9], $0x4000;
	s0 =	simm.s32 $0x0  }
0x267: {  	[sflag:s9] =	ssyncset.done $0x0;
	v11 =	vor.u32 s0, v6  }
0x268: {  	v12 =	vor.u32 s0, v9;
	[sflag:s9] =	ssyncadd.s32 $0xFFFFC000  }
0x269: {  	v13 =	vor.u32 s0, v8;
	_ =	swait.ge [sflag:s9], $0x4000  }
0x26a: {  	v14 =	vor.u32 s0, v1;
	[sflag:s9] =	ssyncset.done $0x0  }
0x26b: {  	v15 =	vor.u32 s0, v7;
	[sflag:s9] =	ssyncadd.s32 $0xFFFFC000  }
0x26c: {  	v16 =	vor.u32 s0, v3;
	v17 =	vld.idx.msk [tilespmem:v11+s26+$0x0], $0xffff  }
0x26d: {  	v18 =	vld.idx.msk [tilespmem:v12+s28+$0x0], $0xffff  }
0x26e: {  	v19 =	vor.u32 s0, v4;
	v20 =	vld.idx.msk [tilespmem:v13+s28+$0x0], $0xffff  }
0x26f: {  	v22 =	vor.u32 s0, v5;
	v21 =	vld.idx.msk [tilespmem:v14+s26+$0x0], $0xffff  }
0x270: {  	v23 =	vld.idx.msk [tilespmem:v15+s28+$0x0], $0xffff  }
0x271: {  	v24 =	vld.idx.msk [tilespmem:v16+s26+$0x0], $0xffff  }
0x272: {  	v25 =	vld.idx.msk [tilespmem:v11+s28+$0x0], $0xffff  }
0x273: {  	v26 =	vld.idx.msk [tilespmem:v19+s26+$0x0], $0xffff  }
0x274: {  	v27 =	vld.idx.msk [tilespmem:v22+s28+$0x0], $0xffff  }
0x275: {  	v29 =	vshll.u32 v14, $0x3;
	v30 =	vld.idx.msk [tilespmem:v22+s26+$0x0], $0xffff;
	v28 =	vand.u32 $0xFFFFFFF8, v21  }
0x276: {  	v45 =	vld.idx.msk [tilespmem:v19+s28+$0x0], $0xffff;
	v21 =	vand.u32 $0x7, v21;
	v28 =	vadd.s32 v29, v28  }
0x277: {  	v46 =	vld.idx.msk [tilespmem:v16+s28+$0x0], $0xffff;
	v16 =	vshll.u32 v16, $0x3;
	v31 =	vand.u32 $0xFFFFFFF8, v24;
	v21 =	vor.u32 v21, v28  }
0x278: {  	v47 =	vld.idx.msk [tilespmem:v12+s26+$0x0], $0xffff;
	v24 =	vand.u32 $0x7, v24;
	v16 =	vadd.s32 v16, v31  }
0x279: {  	v19 =	vshll.u32 v19, $0x3;
	v32 =	vld.idx.msk [tilespmem:v15+s26+$0x0], $0xffff;
	v48 =	vand.u32 $0xFFFFFFF8, v26;
	v16 =	vor.u32 v24, v16  }
0x27a: {  	v49 =	vld.idx.msk [tilespmem:v13+s26+$0x0], $0xffff;
	v22 =	vshll.u32 v22, $0x3;
	v26 =	vand.u32 $0x7, v26;
	v19 =	vadd.s32 v19, v48  }
0x27b: {  	v14 =	vld.idx.msk [tilespmem:v14+s28+$0x0], $0xffff;
	v11 =	vshll.u32 v11, $0x3;
	v50 =	vand.u32 $0xFFFFFFF8, v30;
	v19 =	vor.u32 v26, v19  }
0x27c: {  	v33 =	vand.u32 $0xFFFFFFF8, v17;
	v30 =	vand.u32 $0x7, v30;
	v22 =	vadd.s32 v22, v50;
	v34 =	vld.idx.msk [tilespmem:v21+s29+$0x0], $0xffff  }
0x27d: {  	v17 =	vand.u32 $0x7, v17;
	v11 =	vadd.s32 v11, v33;
	v22 =	vor.u32 v30, v22;
	v21 =	vld.idx.msk [tilespmem:v21+s30+$0x0], $0xffff  }
0x27e: {  	v15 =	vshll.u32 v15, $0x3;
	v13 =	vshll.u32 v13, $0x3;
	v11 =	vor.u32 v17, v11;
	v17 =	vld.idx.msk [tilespmem:v16+s29+$0x0], $0xffff  }
0x27f: {  	v12 =	vshll.u32 v12, $0x3;
	v51 =	vand.u32 $0xFFFFFFF8, v47;
	v52 =	vand.u32 $0xFFFFFFF8, v32;
	v16 =	vld.idx.msk [tilespmem:v16+s30+$0x0], $0xffff  }
0x280: {  	v32 =	vand.u32 $0x7, v32;
	v54 =	vand.u32 $0xFFFFFFF8, v49;
	v15 =	vadd.s32 v15, v52;
	v53 =	vld.idx.msk [tilespmem:v19+s29+$0x0], $0xffff  }
0x281: {  	v31 =	vand.u32 $0x7, v47;
	v15 =	vor.u32 v32, v15;
	v19 =	vld.idx.msk [tilespmem:v19+s30+$0x0], $0xffff;
	v55 =	vmul.f32 v34, v14  }
0x282: {  	v13 =	vadd.s32 v13, v54;
	v24 =	vand.u32 $0x7, v49;
	v56 =	vld.idx.msk [tilespmem:v22+s29+$0x0], $0xffff;
	v14 =	vmul.f32 v21, v14  }
0x283: {  	v13 =	vor.u32 v24, v13;
	v57 =	vld.idx.msk [tilespmem:v22+s30+$0x0], $0xffff;
	v17 =	vmul.f32 v17, v46;
	v58 =	vadd.f32 $0.0e+00, v55  }
0x284: {  	v12 =	vadd.s32 v12, v51;
	v59 =	vld.idx.msk [tilespmem:v11+s29+$0x0], $0xffff;
	v16 =	vmul.f32 v16, v46;
	v14 =	vadd.f32 $0.0e+00, v14  }
0x285: {  	v12 =	vor.u32 v31, v12;
	v11 =	vld.idx.msk [tilespmem:v11+s30+$0x0], $0xffff;
	v60 =	vmul.f32 v53, v45;
	v17 =	vadd.f32 v17, v58  }
0x286: {  	v61 =	vld.idx.msk [tilespmem:v15+s29+$0x0], $0xffff;
	v14 =	vadd.f32 v16, v14;
	v16 =	vmul.f32 v19, v45  }
0x287: {  	v15 =	vld.idx.msk [tilespmem:v15+s30+$0x0], $0xffff;
	v19 =	vmul.f32 v56, v27;
	v17 =	vadd.f32 v60, v17  }
0x288: {  	v62 =	vld.idx.msk [tilespmem:v13+s29+$0x0], $0xffff;
	v14 =	vadd.f32 v16, v14;
	v16 =	vmul.f32 v57, v27  }
0x289: {  	v17 =	vadd.f32 v19, v17;
	v19 =	vmul.f32 v59, v25  }
0x28a: {  	v63 =	vld.idx.msk [tilespmem:v12+s29+$0x0], $0xffff;
	v11 =	vmul.f32 v11, v25;
	v14 =	vadd.f32 v16, v14  }
0x28b: {  	v13 =	vld.idx.msk [tilespmem:v13+s30+$0x0], $0xffff;
	v16 =	vadd.f32 v19, v17;
	v17 =	vmul.f32 v61, v23  }
0x28c: {  	v12 =	vld.idx.msk [tilespmem:v12+s30+$0x0], $0xffff;
	v11 =	vadd.f32 v11, v14  }
0x28d: {  	v14 =	vmul.f32 v15, v23;
	v15 =	vadd.f32 v17, v16;
	v16 =	vmul.f32 v62, v20  }
0x28e: {  	v19 =	vmov s0  }
0x28f: {  	v17 =	vshll.u32 v19, $0x5;
	v15 =	vadd.f32 v16, v15;
	v16 =	vmul.f32 v63, v18  }
0x290: {  	v13 =	vmul.f32 v13, v20;
	v14 =	vadd.f32 v14, v11;
	v19 =	vor.u32 v0, v17  }
0x291: {  	v12 =	vmul.f32 v12, v18;
	s0 =	simm.s32 $0x1;
	v18 =	vadd.f32 v16, v15;
	v15 =	vor.u32 v10, v17  }
0x292: {  	v20 =	vadd.f32 v13, v14;
	v17 =	vor.u32 s0, v6  }
0x293: {  	v13 =	vor.u32 s0, v9  }
0x294: {  	v14 =	vor.u32 s0, v8;
	v12 =	vadd.f32 v12, v20  }
0x295: {  	s4 =	simm.s32 $0x2;
	v11 =	vor.u32 s0, v7;
	v16 =	vor.u32 s0, v1;
	[tilespmem:v19+s10+$0x0] =	vst.idx.msk $0xffff, v18  }
.LBB2_13:
0x296: {  	v18 =	vor.u32 s4, v7;
	p0 =	sne.s32 s4, $0xF;
	[tilespmem:v15+s10+$0x0] =	vst.idx.msk $0xffff, v12;
	s6 =	smov.u32 s4;
	s4 =	sadd.s32 $0x1, s4  }
0x297: {  	v19 =	vor.u32 s0, v3;
	v20 =	vld.idx.msk [tilespmem:v17+s26+$0x0], $0xffff  }
0x298: {  	v12 =	vld.idx.msk [tilespmem:v13+s28+$0x0], $0xffff  }
0x299: {  	v21 =	vor.u32 s0, v4;
	v15 =	vld.idx.msk [tilespmem:v14+s28+$0x0], $0xffff  }
0x29a: {  	v23 =	vor.u32 s0, v5;
	v22 =	vld.idx.msk [tilespmem:v16+s26+$0x0], $0xffff  }
0x29b: {  	v24 =	vld.idx.msk [tilespmem:v11+s28+$0x0], $0xffff  }
0x29c: {  	v25 =	vld.idx.msk [tilespmem:v19+s26+$0x0], $0xffff  }
0x29d: {  	v27 =	vand.u32 $0xFFFFFFF8, v20;
	v26 =	vld.idx.msk [tilespmem:v17+s28+$0x0], $0xffff;
	v17 =	vshll.u32 v17, $0x3  }
0x29e: {  	v20 =	vand.u32 $0x7, v20;
	v28 =	vld.idx.msk [tilespmem:v21+s26+$0x0], $0xffff;
	v17 =	vadd.s32 v17, v27  }
0x29f: {  	v27 =	vld.idx.msk [tilespmem:v23+s28+$0x0], $0xffff;
	v17 =	vor.u32 v20, v17  }
0x2a0: {  	v29 =	vshll.u32 v16, $0x3;
	v20 =	vand.u32 $0xFFFFFFF8, v22;
	v30 =	vld.idx.msk [tilespmem:v23+s26+$0x0], $0xffff  }
0x2a1: {  	v22 =	vand.u32 $0x7, v22;
	v20 =	vadd.s32 v29, v20;
	v29 =	vld.idx.msk [tilespmem:v21+s28+$0x0], $0xffff  }
0x2a2: {  	v20 =	vor.u32 v22, v20;
	v31 =	vand.u32 $0xFFFFFFF8, v25;
	v22 =	vld.idx.msk [tilespmem:v19+s28+$0x0], $0xffff;
	v19 =	vshll.u32 v19, $0x3  }
0x2a3: {  	v25 =	vand.u32 $0x7, v25;
	v19 =	vadd.s32 v19, v31;
	v31 =	vld.idx.msk [tilespmem:v13+s26+$0x0], $0xffff  }
0x2a4: {  	v21 =	vshll.u32 v21, $0x3;
	v19 =	vor.u32 v25, v19;
	v25 =	vand.u32 $0xFFFFFFF8, v28;
	v32 =	vld.idx.msk [tilespmem:v11+s26+$0x0], $0xffff  }
0x2a5: {  	v28 =	vand.u32 $0x7, v28;
	v21 =	vadd.s32 v21, v25;
	v25 =	vld.idx.msk [tilespmem:v14+s26+$0x0], $0xffff  }
0x2a6: {  	v23 =	vshll.u32 v23, $0x3;
	v16 =	vld.idx.msk [tilespmem:v16+s28+$0x0], $0xffff;
	v21 =	vor.u32 v28, v21;
	v28 =	vand.u32 $0xFFFFFFF8, v30  }
0x2a7: {  	v30 =	vand.u32 $0x7, v30;
	v33 =	vld.idx.msk [tilespmem:v20+s29+$0x0], $0xffff;
	v23 =	vadd.s32 v23, v28  }
0x2a8: {  	v28 =	vshll.u32 v11, $0x3;
	v11 =	vmov v18;
	v20 =	vld.idx.msk [tilespmem:v20+s30+$0x0], $0xffff;
	v23 =	vor.u32 v30, v23  }
0x2a9: {  	v13 =	vshll.u32 v13, $0x3;
	v14 =	vshll.u32 v14, $0x3;
	v30 =	vand.u32 $0xFFFFFFF8, v31;
	v18 =	vld.idx.msk [tilespmem:v19+s29+$0x0], $0xffff  }
0x2aa: {  	v31 =	vand.u32 $0x7, v31;
	v34 =	vand.u32 $0xFFFFFFF8, v32;
	v13 =	vadd.s32 v13, v30;
	v19 =	vld.idx.msk [tilespmem:v19+s30+$0x0], $0xffff  }
0x2ab: {  	v32 =	vand.u32 $0x7, v32;
	v28 =	vadd.s32 v28, v34;
	v34 =	vand.u32 $0xFFFFFFF8, v25;
	v30 =	vld.idx.msk [tilespmem:v21+s29+$0x0], $0xffff  }
0x2ac: {  	v25 =	vand.u32 $0x7, v25;
	v28 =	vor.u32 v32, v28;
	v14 =	vadd.s32 v14, v34;
	v21 =	vld.idx.msk [tilespmem:v21+s30+$0x0], $0xffff  }
0x2ad: {  	v13 =	vor.u32 v31, v13;
	v32 =	vmul.f32 v33, v16;
	v14 =	vor.u32 v25, v14;
	v33 =	vld.idx.msk [tilespmem:v23+s29+$0x0], $0xffff  }
0x2ae: {  	v16 =	vmul.f32 v20, v16;
	v20 =	vld.idx.msk [tilespmem:v23+s30+$0x0], $0xffff  }
0x2af: {  	v23 =	vadd.f32 $0.0e+00, v32;
	v18 =	vmul.f32 v18, v22;
	v25 =	vld.idx.msk [tilespmem:v17+s29+$0x0], $0xffff  }
0x2b0: {  	v16 =	vadd.f32 $0.0e+00, v16;
	v19 =	vmul.f32 v19, v22;
	v17 =	vld.idx.msk [tilespmem:v17+s30+$0x0], $0xffff  }
0x2b1: {  	v18 =	vadd.f32 v18, v23;
	v22 =	vmul.f32 v30, v29;
	v23 =	vld.idx.msk [tilespmem:v28+s29+$0x0], $0xffff  }
0x2b2: {  	v16 =	vadd.f32 v19, v16;
	v19 =	vmul.f32 v21, v29;
	v21 =	vld.idx.msk [tilespmem:v28+s30+$0x0], $0xffff  }
0x2b3: {  	v18 =	vadd.f32 v22, v18;
	v22 =	vmul.f32 v33, v27;
	v28 =	vld.idx.msk [tilespmem:v14+s29+$0x0], $0xffff  }
0x2b4: {  	v16 =	vadd.f32 v19, v16;
	v19 =	vmul.f32 v20, v27;
	v14 =	vld.idx.msk [tilespmem:v14+s30+$0x0], $0xffff  }
0x2b5: {  	v18 =	vadd.f32 v22, v18;
	v20 =	vmul.f32 v25, v26;
	v22 =	vld.idx.msk [tilespmem:v13+s29+$0x0], $0xffff  }
0x2b6: {  	v16 =	vadd.f32 v19, v16;
	v17 =	vmul.f32 v17, v26;
	v13 =	vld.idx.msk [tilespmem:v13+s30+$0x0], $0xffff  }
0x2b7: {  	v18 =	vadd.f32 v20, v18;
	v19 =	vmul.f32 v23, v24  }
0x2b8: {  	v20 =	vmov s0;
	s0 =	smov.u32 s6;
	v16 =	vadd.f32 v17, v16;
	v17 =	vmul.f32 v21, v24  }
0x2b9: {  	v20 =	vshll.u32 v20, $0x5;
	v18 =	vadd.f32 v19, v18;
	v19 =	vmul.f32 v28, v15  }
0x2ba: {  	v21 =	vor.u32 v0, v20;
	v16 =	vadd.f32 v17, v16;
	v14 =	vmul.f32 v14, v15  }
.Ltmp5:
0x2bb: {  	v15 =	vor.u32 v10, v20;
	v18 =	vadd.f32 v19, v18;
	v19 =	vmul.f32 v22, v12;
	(pc) =	sbr.rel @p0 .LBB2_13-.Ltmp5, $4  }
0x2bc: {  	v17 =	vor.u32 s0, v6;
	v16 =	vadd.f32 v14, v16;
	v12 =	vmul.f32 v13, v12  }
0x2bd: {  	v13 =	vor.u32 s0, v9;
	v18 =	vadd.f32 v19, v18  }
0x2be: {  	v14 =	vor.u32 s0, v8;
	v12 =	vadd.f32 v12, v16  }
0x2bf: {  	v16 =	vor.u32 s0, v1;
	[tilespmem:v21+s10+$0x0] =	vst.idx.msk $0xffff, v18  }
0x2c0: {  	_ =	sdelay $0x3  }
0x2c1: {  	[tilespmem:v15+s10+$0x0] =	vst.idx.msk $0xffff, v12  }
0x2c2: {  	v15 =	vld.idx.msk [tilespmem:v17+s26+$0x0], $0xffff  }
0x2c3: {  	v52 =	vor.u32 s0, v3;
	v18 =	vld.idx.msk [tilespmem:v13+s28+$0x0], $0xffff  }
0x2c4: {  	v20 =	vld.idx.msk [tilespmem:v14+s28+$0x0], $0xffff  }
0x2c5: {  	v19 =	vor.u32 s0, v4;
	v21 =	vld.idx.msk [tilespmem:v16+s26+$0x0], $0xffff  }
0x2c6: {  	v23 =	vld.idx.msk [tilespmem:v11+s28+$0x0], $0xffff  }
0x2c7: {  	v22 =	vor.u32 s0, v5;
	v25 =	vld.idx.msk [tilespmem:v17+s28+$0x0], $0xffff  }
0x2c8: {  	v24 =	vld.idx.msk [tilespmem:v52+s26+$0x0], $0xffff  }
0x2c9: {  	v55 =	vld.idx.msk [tilespmem:v13+s26+$0x0], $0xffff  }
0x2ca: {  	v26 =	vld.idx.msk [tilespmem:v19+s26+$0x0], $0xffff  }
0x2cb: {  	v29 =	vshll.u32 v16, $0x3;
	v32 =	vld.idx.msk [tilespmem:v11+s26+$0x0], $0xffff;
	v28 =	vand.u32 $0xFFFFFFF8, v21  }
0x2cc: {  	v30 =	vld.idx.msk [tilespmem:v22+s26+$0x0], $0xffff;
	v21 =	vand.u32 $0x7, v21;
	v28 =	vadd.s32 v29, v28  }
0x2cd: {  	v12 =	vshll.u32 v52, $0x3;
	v57 =	vld.idx.msk [tilespmem:v14+s26+$0x0], $0xffff;
	v21 =	vor.u32 v21, v28;
	v31 =	vand.u32 $0xFFFFFFF8, v24  }
0x2ce: {  	v58 =	vld.idx.msk [tilespmem:v16+s28+$0x0], $0xffff;
	v24 =	vand.u32 $0x7, v24;
	v12 =	vadd.s32 v12, v31  }
0x2cf: {  	v53 =	vld.idx.msk [tilespmem:v19+s28+$0x0], $0xffff;
	v19 =	vshll.u32 v19, $0x3;
	v56 =	vand.u32 $0xFFFFFFF8, v26;
	v12 =	vor.u32 v24, v12  }
0x2d0: {  	v60 =	vshll.u32 v17, $0x3;
	v27 =	vld.idx.msk [tilespmem:v22+s28+$0x0], $0xffff;
	v26 =	vand.u32 $0x7, v26;
	v19 =	vadd.s32 v19, v56  }
0x2d1: {  	v54 =	vld.idx.msk [tilespmem:v52+s28+$0x0], $0xffff;
	v22 =	vshll.u32 v22, $0x3;
	v59 =	vand.u32 $0xFFFFFFF8, v30;
	v19 =	vor.u32 v26, v19  }
0x2d2: {  	v63 =	vshll.u32 v14, $0x3;
	v30 =	vand.u32 $0x7, v30;
	v22 =	vadd.s32 v22, v59;
	v61 =	vld.idx.msk [tilespmem:v21+s29+$0x0], $0xffff  }
0x2d3: {  	v37 =	vshll.u32 v13, $0x3;
	v33 =	vand.u32 $0xFFFFFFF8, v15;
	v22 =	vor.u32 v30, v22;
	v21 =	vld.idx.msk [tilespmem:v21+s30+$0x0], $0xffff  }
0x2d4: {  	v11 =	vshll.u32 v11, $0x3;
	v15 =	vand.u32 $0x7, v15;
	v17 =	vadd.s32 v60, v33;
	v62 =	vld.idx.msk [tilespmem:v12+s29+$0x0], $0xffff  }
0x2d5: {  	v36 =	vand.u32 $0xFFFFFFF8, v55;
	v38 =	vand.u32 $0xFFFFFFF8, v32;
	v15 =	vor.u32 v15, v17;
	v12 =	vld.idx.msk [tilespmem:v12+s30+$0x0], $0xffff  }
0x2d6: {  	v32 =	vand.u32 $0x7, v32;
	v40 =	vand.u32 $0xFFFFFFF8, v57;
	v11 =	vadd.s32 v11, v38;
	v39 =	vld.idx.msk [tilespmem:v19+s29+$0x0], $0xffff  }
0x2d7: {  	v14 =	vadd.s32 v63, v40;
	v11 =	vor.u32 v32, v11;
	v19 =	vld.idx.msk [tilespmem:v19+s30+$0x0], $0xffff;
	v26 =	vmul.f32 v61, v58  }
0x2d8: {  	v13 =	vadd.s32 v37, v36;
	v24 =	vand.u32 $0x7, v57;
	v41 =	vld.idx.msk [tilespmem:v22+s29+$0x0], $0xffff;
	v16 =	vmul.f32 v21, v58  }
0x2d9: {  	v14 =	vor.u32 v24, v14;
	v42 =	vld.idx.msk [tilespmem:v22+s30+$0x0], $0xffff;
	v43 =	vadd.f32 $0.0e+00, v26;
	v17 =	vmul.f32 v62, v54  }
0x2da: {  	v31 =	vand.u32 $0x7, v55;
	v44 =	vld.idx.msk [tilespmem:v15+s29+$0x0], $0xffff;
	v16 =	vadd.f32 $0.0e+00, v16;
	v12 =	vmul.f32 v12, v54  }
0x2db: {  	v13 =	vor.u32 v31, v13;
	v15 =	vld.idx.msk [tilespmem:v15+s30+$0x0], $0xffff;
	v45 =	vmul.f32 v39, v53;
	v17 =	vadd.f32 v17, v43  }
0x2dc: {  	v46 =	vld.idx.msk [tilespmem:v11+s29+$0x0], $0xffff;
	v47 =	vmul.f32 v19, v53;
	v12 =	vadd.f32 v12, v16  }
0x2dd: {  	v11 =	vld.idx.msk [tilespmem:v11+s30+$0x0], $0xffff;
	v48 =	vmul.f32 v41, v27;
	v17 =	vadd.f32 v45, v17  }
0x2de: {  	v49 =	vld.idx.msk [tilespmem:v14+s29+$0x0], $0xffff;
	v50 =	vmul.f32 v42, v27;
	v12 =	vadd.f32 v47, v12  }
0x2df: {  	v14 =	vld.idx.msk [tilespmem:v14+s30+$0x0], $0xffff;
	v51 =	vmul.f32 v44, v25;
	v17 =	vadd.f32 v48, v17  }
0x2e0: {  	v52 =	vld.idx.msk [tilespmem:v13+s29+$0x0], $0xffff;
	v15 =	vmul.f32 v15, v25;
	v12 =	vadd.f32 v50, v12  }
0x2e1: {  	v13 =	vld.idx.msk [tilespmem:v13+s30+$0x0], $0xffff;
	v54 =	vmul.f32 v46, v23;
	v53 =	vadd.f32 v51, v17  }
0x2e2: {  	v55 =	vmov s0;
	v11 =	vmul.f32 v11, v23;
	v12 =	vadd.f32 v15, v12  }
0x2e3: {  	v58 =	vshll.u32 v55, $0x5;
	v57 =	vmul.f32 v49, v20;
	v56 =	vadd.f32 v54, v53  }
0x2e4: {  	v60 =	vor.u32 v0, v58;
	v59 =	vmul.f32 v14, v20;
	v11 =	vadd.f32 v11, v12  }
0x2e5: {  	v10 =	vor.u32 v10, v58;
	v61 =	vmul.f32 v52, v18;
	v15 =	vadd.f32 v57, v56  }
0x2e6: {  	v62 =	vmul.f32 v13, v18;
	v11 =	vadd.f32 v59, v11  }
0x2e7: {  	v63 =	vadd.f32 v61, v15  }
0x2e8: {  	s11 =	sadd.s32 $0x1, s11;
	v11 =	vadd.f32 v62, v11  }
0x2e9: {  	p0 =	sne.s32 s11, $0x80;
	[tilespmem:v60+s10+$0x0] =	vst.idx.msk $0xffff, v63  }
.Ltmp6:
0x2ea: {  	s16 =	sadd.s32 s5, s3;
	[tilespmem:v10+s10+$0x0] =	vst.idx.msk $0xffff, v11;
	(pc) =	sbr.rel @p0 .LBB2_4-.Ltmp6, $4  }
0x2eb: {  	[hbm4b:s16+s15] =	stream.strided.scatter [tilespmem:s10], [sflag:$0x3], $0x200, s8, s15, $0x38;
	[tilespmem:$0x14430] =	vst v63  }
0x2ec: {  	_ =	swait.ge [sflag:s14], $0x200  }
0x2ed: {  	[sflag:s14] =	ssyncset.done $0x0  }
0x2ee: {  	[sflag:s14] =	ssyncadd.s32 $0xFFFFFE00  }
0x2ef: {  	s3 =	rddreg [dreg:$0xb]  }
0x2f0: {  	s0 =	rddreg [dreg:$0xa];
	s3 =	sadd.s32 $0x1, s3  }
0x2f1: {  	p0 =	sne.s32 s3, s0  }
.Ltmp7:
0x2f2: {  	_ = 	snop;
	(pc) =	sbr.rel @p0 .LBB2_1-.Ltmp7, $1  }
0x2f3: {  	_ =	sdelay $0x3  }
0x2f4: {  	_ =	sfence.sel $0x180000  }
0x2f5: {  	[bflag:$0x0] =	sbarrier.arrive $0xFFFF  }
0x2f6: {  	_ =	strace $0x90000047  }
0x2f7: {  	s0 =	stileid.u32;
	[bflag:$0x2] =	sbarrier.arrive $0xFFFF  }
0x2f8: {  	p0 =	sne.s32 s0, $0x0;
	s0 =	rddreg [dreg:$0x3]  }
0x2f9: {  	s0 =	sadd.s32 @!p0 $0x100000, s0  }
0x2fa: {  	[sflag:s0] =	ssyncadd.tile.s32 @!p0 $0x1;
	_ =	shalt  }
.Lfunc_end2:
_tile_overlayer_lowered:
.L_overlay_start_2:
0x2fb: {  	(tag) =	ssettag $0x2  }
0x2fc: {  	s0 =	rddreg [dreg:$0x0];
	s2 =	stileid.u32  }
0x2fd: {  	s1 =	rddreg [dreg:$0x1];
	p0 =	sne.s32 s2, $0x0  }
0x2fe: {  	s3 =	rddreg [dreg:$0x2];
	[bflag:$0x3] =	sbarrier.arrive $0xFFFF;
	s2 =	simm.s32 @!p0 $0x1C03  }
0x2ff: {  	[timem:s3], [sflag:s2] =	dma.local @!p0 [hbm:s0], s1  }
0x300: {  	s0 =	simm.s32 @!p0 $0x3  }
0x301: {  	_ =	swait.ge @!p0 [sflag:s0], s1  }
0x302: {  	s1 =	ssub.s32 @!p0 $0x0, s1;
	[sflag:s0] =	ssyncset.done @!p0 $0x0  }
0x303: {  	[sflag:s0] =	ssyncadd.s32 @!p0 s1  }
0x304: {  	[bflag:$0x3] =	sbarrier.arrive $0xFFFF  }
0x305: {  	_ =	shalt  }

</sc_bundles>
